<compile_context>
chip_gen: v7x
topology: tpu7x:2x2x1
jax: 0.10.2.dev20260603
libtpu: 0.0.44.dev20260713+nightly
codegen_flags: <defaults>
</compile_context>

<pallas_src>
import functools

import jax
import jax.numpy as jnp
from jax import lax
from jax.experimental import pallas as pl
from jax.experimental.pallas import tpu as pltpu
from jax.experimental.pallas import tpu_sc as plsc

V = 1000
C = 1000
CM = 896
CT = C - CM
NC, NS = 2, 16
NW = NC * NS
NBUF = 8
DIST = 4


def _prep_body(tab_ref, lse_ref, main_ref, thi_ref, tlo_ref,
               hi_ref, lo_ref):
    x = tab_ref[...]
    m = jnp.max(x, axis=1, keepdims=True)
    s = jnp.sum(jnp.exp(x - m), axis=1, keepdims=True)
    lse_ref[...] = jnp.broadcast_to(m + jnp.log(s), (V, 128))
    main_ref[...] = x[:, :CM]
    hi = x.astype(jnp.bfloat16)
    lo = (x - hi.astype(jnp.float32)).astype(jnp.bfloat16)
    thi_ref[...] = hi[:, CM:]
    tlo_ref[...] = lo[:, CM:]
    hi_ref[...] = hi
    lo_ref[...] = lo


def _prep(table):
    lse, main, thi, tlo, hi, lo = pl.pallas_call(
        _prep_body,
        out_shape=[jax.ShapeDtypeStruct((V, 128), jnp.float32),
                   jax.ShapeDtypeStruct((V, CM), jnp.float32),
                   jax.ShapeDtypeStruct((V, CT), jnp.bfloat16),
                   jax.ShapeDtypeStruct((V, CT), jnp.bfloat16),
                   jax.ShapeDtypeStruct((V, C), jnp.bfloat16),
                   jax.ShapeDtypeStruct((V, C), jnp.bfloat16)],
    )(table)
    return lse, main, thi, tlo, hi, lo


_DN0 = (((0,), (0,)), ((), ()))


def _onehot_mm_body(nsel, count, use_i16, idx_ref, hi_ref, lo_ref, out_ref,
                    *cnt_ref):
    m = idx_ref.shape[1]
    dt = jnp.int16 if use_i16 else jnp.int32
    bc = jnp.broadcast_to(idx_ref[...].astype(dt), (V, m))
    ohT = (bc == lax.broadcasted_iota(dt, (V, m), 0)
           ).astype(jnp.bfloat16)
    acc = lax.dot_general(ohT, hi_ref[...], _DN0,
                          preferred_element_type=jnp.float32)
    acc = acc + lax.dot_general(ohT, lo_ref[...], _DN0,
                                preferred_element_type=jnp.float32)
    out_ref[...] = acc
    if count:
        c = jnp.sum(ohT.astype(jnp.float32), axis=1, keepdims=True)
        blk = jnp.broadcast_to(c, (V, 128))

        @pl.when(pl.program_id(0) == 0)
        def _init():
            cnt_ref[0][...] = blk

        @pl.when(pl.program_id(0) != 0)
        def _acc():
            cnt_ref[0][...] += blk


def _onehot_mm(idx_row, hi, lo, nsel, mblk, count=False, use_i16=False):
    n = idx_row.shape[1]
    out_shape = [jax.ShapeDtypeStruct((n, nsel), jnp.float32)]
    out_specs = [pl.BlockSpec((mblk, nsel), lambda i: (i, 0))]
    if count:
        out_shape.append(jax.ShapeDtypeStruct((V, 128), jnp.float32))
        out_specs.append(pl.BlockSpec((V, 128), lambda i: (0, 0)))
    res = pl.pallas_call(
        functools.partial(_onehot_mm_body, nsel, count, use_i16),
        grid=(n // mblk,),
        in_specs=[pl.BlockSpec((1, mblk), lambda i: (0, i)),
                  pl.BlockSpec((V, nsel), lambda i: (0, 0)),
                  pl.BlockSpec((V, nsel), lambda i: (0, 0))],
        out_specs=out_specs,
        out_shape=out_shape,
    )(idx_row, hi, lo)
    return res if count else res[0]


def _main_body(B, tab, aidx, out_hbm, aidx_v, bufs, *sems):
    gsems = sems[:NBUF]
    wsems = sems[NBUF:]
    nb = B // NW
    items = nb * 3
    wid = lax.axis_index("s") * NC + lax.axis_index("c")
    b0 = wid * nb

    pltpu.sync_copy(aidx.at[pl.ds(wid * items * 16, items * 16)], aidx_v)

    def idx16(j):
        return aidx_v[pl.ds(pl.multiple_of(j * 16, 16), 16)]

    def dst(j):
        b = b0 + j // 3
        t0 = pl.multiple_of(lax.rem(j, 3) * 16, 16)
        return out_hbm.at[b, pl.ds(t0, 16), pl.ds(0, CM)]

    for s in range(DIST):
        pltpu.async_copy(tab.at[idx16(s)], bufs.at[s], gsems[s])

    def outer(o, c):
        for s in range(NBUF):
            j = o * NBUF + s
            pltpu.make_async_copy(tab.at[idx16(j)], bufs.at[s],
                                  gsems[s]).wait()
            pltpu.async_copy(bufs.at[s], dst(j), wsems[s])

            s2 = (s + DIST) % NBUF
            jp = j + DIST - NBUF

            @pl.when(jp >= 0)
            def _wait_prev_write():
                pltpu.make_async_copy(bufs.at[s2], dst(jp), wsems[s2]).wait()

            @pl.when(j + DIST < items)
            def _prefetch():
                pltpu.async_copy(tab.at[idx16(j + DIST)], bufs.at[s2],
                                 gsems[s2])
        return c

    lax.fori_loop(0, items // NBUF, outer, 0)

    for j in range(items - NBUF + DIST, items):
        pltpu.make_async_copy(bufs.at[j % NBUF], dst(j),
                              wsems[j % NBUF]).wait()


def _main_call(B, T, tabmain, aidx):
    nb = B // NW
    mesh = plsc.VectorSubcoreMesh(core_axis_name="c", subcore_axis_name="s",
                                  num_cores=NC, num_subcores=NS)
    fn = pl.kernel(
        functools.partial(_main_body, B),
        out_type=jax.ShapeDtypeStruct((B, T, C), jnp.float32),
        mesh=mesh,
        scratch_types=[
            pltpu.VMEM((nb * 48,), jnp.int32),
            pltpu.VMEM((NBUF, 16, CM), jnp.float32),
        ] + [pltpu.SemaphoreType.DMA] * (2 * NBUF),
    )
    return fn(tabmain, aidx)


def _aux_body(n_tokens, tabflat, idx_hbm, tgt_hbm, part_hbm,
              idx_v, tgt_v, fidx_v, pick_v, acc_v, psem):
    tok = n_tokens // NW
    g_total = tok // 16
    wid = lax.axis_index("s") * NC + lax.axis_index("c")
    base = wid * tok

    pltpu.sync_copy(idx_hbm.at[pl.ds(base, tok)], idx_v)
    pltpu.sync_copy(tgt_hbm.at[pl.ds(base, tok)], tgt_v)

    def fidx_body(g, c):
        sl = pl.ds(pl.multiple_of(g * 16, 16), 16)
        fidx_v[sl] = idx_v[sl] * C + tgt_v[sl]
        return c

    lax.fori_loop(0, g_total, fidx_body, 0)

    n_chunks = (tok + 127) // 128
    def chunk(k):
        size = min(128, tok - k * 128)
        return pl.ds(k * 128, size)

    for k in range(n_chunks):
        pltpu.async_copy(tabflat.at[fidx_v.at[chunk(k)]],
                         pick_v.at[chunk(k)], psem)
    for k in range(n_chunks):
        pltpu.make_async_copy(tabflat.at[fidx_v.at[chunk(k)]],
                              pick_v.at[chunk(k)], psem).wait()

    def red_body(g, acc):
        sl = pl.ds(pl.multiple_of(g * 16, 16), 16)
        return acc + pick_v[sl]

    acc = lax.fori_loop(0, g_total, red_body, jnp.zeros((16,), jnp.float32))
    acc_v[...] = acc
    pltpu.sync_copy(acc_v, part_hbm.at[wid])


def _aux_call(n_tokens, tabflat, idx_flat, tgt_flat):
    tok = n_tokens // NW
    mesh = plsc.VectorSubcoreMesh(core_axis_name="c", subcore_axis_name="s",
                                  num_cores=NC, num_subcores=NS)
    fn = pl.kernel(
        functools.partial(_aux_body, n_tokens),
        out_type=jax.ShapeDtypeStruct((NW, 16), jnp.float32),
        mesh=mesh,
        scratch_types=[
            pltpu.VMEM((tok,), jnp.int32),
            pltpu.VMEM((tok,), jnp.int32),
            pltpu.VMEM((tok,), jnp.int32),
            pltpu.VMEM((tok,), jnp.float32),
            pltpu.VMEM((16,), jnp.float32),
        ] + [pltpu.SemaphoreType.DMA] * 1,
        compiler_params=pltpu.CompilerParams(use_tc_tiling_on_sc=False),
    )
    return fn(tabflat, idx_flat, tgt_flat)


def _loss_body(n_tokens, part_ref, cnt_ref, lse_ref, out_ref):
    lse_sum = jnp.sum(cnt_ref[:, :1] * lse_ref[:, :1])
    out_ref[0, 0] = (lse_sum - jnp.sum(part_ref[...])) / n_tokens


def _loss(partials, counts, lse2d, n_tokens):
    out = pl.pallas_call(
        functools.partial(_loss_body, n_tokens),
        out_shape=jax.ShapeDtypeStruct((1, 1), jnp.float32),
        out_specs=pl.BlockSpec(memory_space=pltpu.SMEM),
    )(partials, counts, lse2d)
    return out[0, 0]


def kernel(idx, targets, token_embedding):
    B, T = idx.shape
    n = B * T
    idx32 = idx.astype(jnp.int32)
    idx_flat = idx32.reshape(n)
    tgt_flat = targets.reshape(n).astype(jnp.int32)
    aidx = idx32[:, :48].reshape(B * 48)
    bidx2d = idx32[:, 48:]
    tabflat = token_embedding.reshape(V * C)

    lse2d, tabmain, thi, tlo, hi, lo = _prep(token_embedding)
    partials = _aux_call(n, tabflat, idx_flat, tgt_flat)
    bot2d = _onehot_mm(bidx2d.reshape(1, 2 * B), hi, lo, C, 2 * B)
    tail2d, counts = _onehot_mm(idx_flat.reshape(1, n), thi, tlo, CT, 512,
                                count=True, use_i16=True)
    out3d = _main_call(B, T, tabmain, aidx)
    logits = lax.dynamic_update_slice(out3d, tail2d.reshape(B, T, CT),
                                      (0, 0, CM))
    logits = lax.dynamic_update_slice(logits, bot2d.reshape(B, 2, C),
                                      (0, 48, 0))
    loss = _loss(partials, counts, lse2d, n)
    return logits, loss

# --- scband reference (transcript-rebuilt; emitter-appended) ---
"""Pipeline reference for scband-bigram-language-model-29583734735584 (READ-ONLY COPY).

The authoritative reference and input builder live on the scoring server;
editing this copy changes nothing except your own understanding.
"""

import jax, jax.numpy as jnp
import numpy as np

VOCAB = 1000
B = 1024
T = 50

def setup_inputs(seed: int = 0) -> dict:
    key = jax.random.key(seed)
    k1, k2, k3 = jax.random.split(key, 3)
    idx = jax.random.randint(k1, (B, T), 0, VOCAB, dtype=jnp.int64 if jax.config.jax_enable_x64 else jnp.int32)
    targets = jax.random.randint(k2, (B, T), 0, VOCAB, dtype=jnp.int64 if jax.config.jax_enable_x64 else jnp.int32)
    token_embedding = jax.random.normal(k3, (VOCAB, VOCAB), dtype=jnp.float32) * 0.02
    return {"idx": idx, "targets": targets, "token_embedding": token_embedding}

def reference(idx, targets, token_embedding):
    # logits = self.token_embedding(idx)  -> gather rows of the table
    logits = jnp.take(token_embedding, idx, axis=0)  # [B, T, C]
    Bd, Td, Cd = logits.shape
    logits_flat = logits.reshape(Bd * Td, Cd)
    targets_flat = targets.reshape(Bd * Td)
    # F.cross_entropy: mean over tokens of (logsumexp - logit[target])
    lse = jax.scipy.special.logsumexp(logits_flat, axis=-1)
    picked = jnp.take_along_axis(logits_flat, targets_flat[:, None], axis=1)[:, 0]
    loss = jnp.mean(lse - picked)
    return (logits, loss)

if __name__ == "__main__":
    import jax
    _d = setup_inputs()
    print(jax.jit(kernel)(*tuple(_d.values())))

</pallas_src>

<mosaic_0001>
#map = affine_map<(d0, d1) -> (0, 0)>
#map1 = affine_map<(d0, d1) -> (0)>
#map2 = affine_map<(d0, d1) -> (0, 0, 0)>
module attributes {stable_mosaic.version = 14 : i64} {
  func.func @_main_body(%arg0: i32, %arg1: i32, %arg2: memref<1000x896xf32, #tpu.memory_space<hbm>>, %arg3: memref<49152xi32, #tpu.memory_space<hbm>>, %arg4: memref<1024x50x1000xf32, #tpu.memory_space<hbm>>, %arg5: memref<1536xi32, #tpu.memory_space<vmem>>, %arg6: memref<8x16x896xf32, #tpu.memory_space<vmem>>, %arg7: memref<!tpu.dma_semaphore, #tpu.memory_space<semaphore_mem>>, %arg8: memref<!tpu.dma_semaphore, #tpu.memory_space<semaphore_mem>>, %arg9: memref<!tpu.dma_semaphore, #tpu.memory_space<semaphore_mem>>, %arg10: memref<!tpu.dma_semaphore, #tpu.memory_space<semaphore_mem>>, %arg11: memref<!tpu.dma_semaphore, #tpu.memory_space<semaphore_mem>>, %arg12: memref<!tpu.dma_semaphore, #tpu.memory_space<semaphore_mem>>, %arg13: memref<!tpu.dma_semaphore, #tpu.memory_space<semaphore_mem>>, %arg14: memref<!tpu.dma_semaphore, #tpu.memory_space<semaphore_mem>>, %arg15: memref<!tpu.dma_semaphore, #tpu.memory_space<semaphore_mem>>, %arg16: memref<!tpu.dma_semaphore, #tpu.memory_space<semaphore_mem>>, %arg17: memref<!tpu.dma_semaphore, #tpu.memory_space<semaphore_mem>>, %arg18: memref<!tpu.dma_semaphore, #tpu.memory_space<semaphore_mem>>, %arg19: memref<!tpu.dma_semaphore, #tpu.memory_space<semaphore_mem>>, %arg20: memref<!tpu.dma_semaphore, #tpu.memory_space<semaphore_mem>>, %arg21: memref<!tpu.dma_semaphore, #tpu.memory_space<semaphore_mem>>, %arg22: memref<!tpu.dma_semaphore, #tpu.memory_space<semaphore_mem>>) attributes {dimension_semantics = [#tpu.dimension_semantics<core_parallel>, #tpu.dimension_semantics<subcore_parallel>], iteration_bounds = array<i64: 2, 16>, scalar_prefetch = 0 : i64, scratch_operands = 18 : i64, tpu.core_type = #tpu.core_type<sc_vector_subcore>, window_params = [{transform_indices = #map}, {transform_indices = #map1}, {transform_indices = #map2}]} {
    %mul3A = arith.constant 2 : i32
    %mul3A_0 = arith.muli %arg1, %mul3A : i32
    %add3A = arith.addi %mul3A_0, %arg0 : i32
    %mul3A_1 = arith.constant 32 : i32
    %mul3A_2 = arith.muli %add3A, %mul3A_1 : i32
    %mul3A_3 = arith.constant 96 : i32
    %mul3A_4 = arith.muli %add3A, %mul3A_3 : i32
    %mul3A_5 = arith.constant 16 : i32
    %mul3A_6 = arith.muli %mul3A_4, %mul3A_5 : i32
    "tpu.region"() ({
      %run_scoped3A = tpu.sem_alloc : memref<!tpu.dma_semaphore, #tpu.memory_space<semaphore_mem>>
      %dma_start3A_151 = tpu.memref_slice %arg3[%mul3A_6] : memref<49152xi32, #tpu.memory_space<hbm>> -> memref<1536xi32, #tpu.memory_space<hbm>>
      %dma_start3A_152 = tpu.memref_slice %arg3[%mul3A_6] : memref<49152xi32, #tpu.memory_space<hbm>> -> memref<1536xi32, #tpu.memory_space<hbm>>
      tpu.enqueue_dma source(%dma_start3A_152 : memref<1536xi32, #tpu.memory_space<hbm>>) target(%arg5 : memref<1536xi32, #tpu.memory_space<vmem>>) target_semaphore(%run_scoped3A : memref<!tpu.dma_semaphore, #tpu.memory_space<semaphore_mem>>)
      %dma_wait3A_153 = tpu.memref_slice %arg3[%mul3A_6] : memref<49152xi32, #tpu.memory_space<hbm>> -> memref<1536xi32, #tpu.memory_space<hbm>>
      %dma_wait3A_154 = tpu.memref_slice %arg3[%mul3A_6] : memref<49152xi32, #tpu.memory_space<hbm>> -> memref<1536xi32, #tpu.memory_space<hbm>>
      tpu.wait_dma2 semaphore(%run_scoped3A : memref<!tpu.dma_semaphore, #tpu.memory_space<semaphore_mem>>) src(%dma_wait3A_154 : memref<1536xi32, #tpu.memory_space<hbm>>) dst(%arg5 : memref<1536xi32, #tpu.memory_space<vmem>>)
      tpu.yield
    }) : () -> ()
    %multiple_of3A = arith.constant 0 : i32
    %multiple_of3A_7 = tpu.assume_multiple %multiple_of3A, 16 : i32
    %get3A = arith.index_cast %multiple_of3A_7 : i32 to index
    %get3A_8 = tpu.vector_load %arg5[%get3A] {strides = array<i32>} : memref<1536xi32, #tpu.memory_space<vmem>>, vector<16xi32>,
    %get3A_9 = vector.shape_cast %get3A_8 : vector<16xi32> to vector<16xi32>
    %dma_start3A = arith.constant 0 : i32
    %dma_start3A_10 = arith.constant 0 : i32
    %dma_start3A_11 = arith.constant 0 : i32
    %dma_start3A_12 = tpu.memref_slice %arg6[%dma_start3A, %dma_start3A_10, %dma_start3A_11] : memref<8x16x896xf32, #tpu.memory_space<vmem>> -> memref<1x16x896xf32, #tpu.memory_space<vmem>>
    %dma_start3A_13 = tpu.memref_squeeze %dma_start3A_12 : memref<1x16x896xf32, #tpu.memory_space<vmem>> -> memref<16x896xf32, #tpu.memory_space<vmem>>
    %dma_start3A_14 = arith.constant 0 : i32
    %dma_start3A_15 = arith.constant 0 : i32
    %dma_start3A_16 = tpu.memref_slice %arg2[%dma_start3A_14, %dma_start3A_15] : memref<1000x896xf32, #tpu.memory_space<hbm>> -> memref<1000x896xf32, #tpu.memory_space<hbm>>
    tpu.enqueue_indirect_dma source(%dma_start3A_16 : memref<1000x896xf32, #tpu.memory_space<hbm>>) target(%dma_start3A_13 : memref<16x896xf32, #tpu.memory_space<vmem>>) offsets(%get3A_9 : vector<16xi32>) semaphore(%arg7 : memref<!tpu.dma_semaphore, #tpu.memory_space<semaphore_mem>>)
    %multiple_of3A_17 = arith.constant 16 : i32
    %multiple_of3A_18 = tpu.assume_multiple %multiple_of3A_17, 16 : i32
    %get3A_19 = arith.index_cast %multiple_of3A_18 : i32 to index
    %get3A_20 = tpu.vector_load %arg5[%get3A_19] {strides = array<i32>} : memref<1536xi32, #tpu.memory_space<vmem>>, vector<16xi32>,
    %get3A_21 = vector.shape_cast %get3A_20 : vector<16xi32> to vector<16xi32>
    %dma_start3A_22 = arith.constant 1 : i32
    %dma_start3A_23 = arith.constant 0 : i32
    %dma_start3A_24 = arith.constant 0 : i32
    %dma_start3A_25 = tpu.memref_slice %arg6[%dma_start3A_22, %dma_start3A_23, %dma_start3A_24] : memref<8x16x896xf32, #tpu.memory_space<vmem>> -> memref<1x16x896xf32, #tpu.memory_space<vmem>>
    %dma_start3A_26 = tpu.memref_squeeze %dma_start3A_25 : memref<1x16x896xf32, #tpu.memory_space<vmem>> -> memref<16x896xf32, #tpu.memory_space<vmem>>
    %dma_start3A_27 = arith.constant 0 : i32
    %dma_start3A_28 = arith.constant 0 : i32
    %dma_start3A_29 = tpu.memref_slice %arg2[%dma_start3A_27, %dma_start3A_28] : memref<1000x896xf32, #tpu.memory_space<hbm>> -> memref<1000x896xf32, #tpu.memory_space<hbm>>
    tpu.enqueue_indirect_dma source(%dma_start3A_29 : memref<1000x896xf32, #tpu.memory_space<hbm>>) target(%dma_start3A_26 : memref<16x896xf32, #tpu.memory_space<vmem>>) offsets(%get3A_21 : vector<16xi32>) semaphore(%arg8 : memref<!tpu.dma_semaphore, #tpu.memory_space<semaphore_mem>>)
    %multiple_of3A_30 = arith.constant 32 : i32
    %multiple_of3A_31 = tpu.assume_multiple %multiple_of3A_30, 16 : i32
    %get3A_32 = arith.index_cast %multiple_of3A_31 : i32 to index
    %get3A_33 = tpu.vector_load %arg5[%get3A_32] {strides = array<i32>} : memref<1536xi32, #tpu.memory_space<vmem>>, vector<16xi32>,
    %get3A_34 = vector.shape_cast %get3A_33 : vector<16xi32> to vector<16xi32>
    %dma_start3A_35 = arith.constant 2 : i32
    %dma_start3A_36 = arith.constant 0 : i32
    %dma_start3A_37 = arith.constant 0 : i32
    %dma_start3A_38 = tpu.memref_slice %arg6[%dma_start3A_35, %dma_start3A_36, %dma_start3A_37] : memref<8x16x896xf32, #tpu.memory_space<vmem>> -> memref<1x16x896xf32, #tpu.memory_space<vmem>>
    %dma_start3A_39 = tpu.memref_squeeze %dma_start3A_38 : memref<1x16x896xf32, #tpu.memory_space<vmem>> -> memref<16x896xf32, #tpu.memory_space<vmem>>
    %dma_start3A_40 = arith.constant 0 : i32
    %dma_start3A_41 = arith.constant 0 : i32
    %dma_start3A_42 = tpu.memref_slice %arg2[%dma_start3A_40, %dma_start3A_41] : memref<1000x896xf32, #tpu.memory_space<hbm>> -> memref<1000x896xf32, #tpu.memory_space<hbm>>
    tpu.enqueue_indirect_dma source(%dma_start3A_42 : memref<1000x896xf32, #tpu.memory_space<hbm>>) target(%dma_start3A_39 : memref<16x896xf32, #tpu.memory_space<vmem>>) offsets(%get3A_34 : vector<16xi32>) semaphore(%arg9 : memref<!tpu.dma_semaphore, #tpu.memory_space<semaphore_mem>>)
    %multiple_of3A_43 = arith.constant 48 : i32
    %multiple_of3A_44 = tpu.assume_multiple %multiple_of3A_43, 16 : i32
    %get3A_45 = arith.index_cast %multiple_of3A_44 : i32 to index
    %get3A_46 = tpu.vector_load %arg5[%get3A_45] {strides = array<i32>} : memref<1536xi32, #tpu.memory_space<vmem>>, vector<16xi32>,
    %get3A_47 = vector.shape_cast %get3A_46 : vector<16xi32> to vector<16xi32>
    %dma_start3A_48 = arith.constant 3 : i32
    %dma_start3A_49 = arith.constant 0 : i32
    %dma_start3A_50 = arith.constant 0 : i32
    %dma_start3A_51 = tpu.memref_slice %arg6[%dma_start3A_48, %dma_start3A_49, %dma_start3A_50] : memref<8x16x896xf32, #tpu.memory_space<vmem>> -> memref<1x16x896xf32, #tpu.memory_space<vmem>>
    %dma_start3A_52 = tpu.memref_squeeze %dma_start3A_51 : memref<1x16x896xf32, #tpu.memory_space<vmem>> -> memref<16x896xf32, #tpu.memory_space<vmem>>
    %dma_start3A_53 = arith.constant 0 : i32
    %dma_start3A_54 = arith.constant 0 : i32
    %dma_start3A_55 = tpu.memref_slice %arg2[%dma_start3A_53, %dma_start3A_54] : memref<1000x896xf32, #tpu.memory_space<hbm>> -> memref<1000x896xf32, #tpu.memory_space<hbm>>
    tpu.enqueue_indirect_dma source(%dma_start3A_55 : memref<1000x896xf32, #tpu.memory_space<hbm>>) target(%dma_start3A_52 : memref<16x896xf32, #tpu.memory_space<vmem>>) offsets(%get3A_47 : vector<16xi32>) semaphore(%arg10 : memref<!tpu.dma_semaphore, #tpu.memory_space<semaphore_mem>>)
    %scan3A = arith.constant 0 : i32
    %scan3A_56 = arith.constant 0 : i32
    %scan3A_57 = arith.constant 12 : i32
    %scan3A_58 = arith.addi %scan3A_56, %scan3A_57 : i32
    %scan3A_59 = arith.constant 1 : i32
    scf.for %scan3A_151 = %scan3A_56 to %scan3A_58 step %scan3A_59  : i32 {
      %mul3A_152 = arith.constant 8 : i32
      %mul3A_153 = arith.muli %scan3A_151, %mul3A_152 : i32
      %add3A_154 = arith.constant 0 : i32
      %add3A_155 = arith.addi %mul3A_153, %add3A_154 : i32
      %mul3A_156 = arith.constant 16 : i32
      %mul3A_157 = arith.muli %add3A_155, %mul3A_156 : i32
      %multiple_of3A_158 = tpu.assume_multiple %mul3A_157, 16 : i32
      %get3A_159 = arith.index_cast %multiple_of3A_158 : i32 to index
      %get3A_160 = tpu.vector_load %arg5[%get3A_159] {strides = array<i32>} : memref<1536xi32, #tpu.memory_space<vmem>>, vector<16xi32>,
      %get3A_161 = vector.shape_cast %get3A_160 : vector<16xi32> to vector<16xi32>
      %dma_wait3A_162 = arith.constant 0 : i32
      %dma_wait3A_163 = arith.constant 0 : i32
      %dma_wait3A_164 = arith.constant 0 : i32
      %dma_wait3A_165 = tpu.memref_slice %arg6[%dma_wait3A_162, %dma_wait3A_163, %dma_wait3A_164] : memref<8x16x896xf32, #tpu.memory_space<vmem>> -> memref<1x16x896xf32, #tpu.memory_space<vmem>>
      %dma_wait3A_166 = tpu.memref_squeeze %dma_wait3A_165 : memref<1x16x896xf32, #tpu.memory_space<vmem>> -> memref<16x896xf32, #tpu.memory_space<vmem>>
      %dma_wait3A_167 = arith.constant 0 : i32
      %dma_wait3A_168 = arith.constant 0 : i32
      %dma_wait3A_169 = tpu.memref_slice %arg2[%dma_wait3A_167, %dma_wait3A_168] : memref<1000x896xf32, #tpu.memory_space<hbm>> -> memref<1000x896xf32, #tpu.memory_space<hbm>>
      tpu.wait_indirect_dma semaphore(%arg7 : memref<!tpu.dma_semaphore, #tpu.memory_space<semaphore_mem>>) src(%dma_wait3A_169 : memref<1000x896xf32, #tpu.memory_space<hbm>>) dst(%dma_wait3A_166 : memref<16x896xf32, #tpu.memory_space<vmem>>)
      %jit3A = arith.constant 3 : i32
      %div3A = arith.divsi %add3A_155, %jit3A : i32
      %sign3A = arith.constant 0 : i32
      %sign3A_170 = arith.cmpi sgt, %add3A_155, %sign3A : i32
      %sign3A_171 = arith.extui %sign3A_170 : i1 to i32
      %sign3A_172 = arith.constant 0 : i32
      %sign3A_173 = arith.cmpi slt, %add3A_155, %sign3A_172 : i32
      %sign3A_174 = arith.extui %sign3A_173 : i1 to i32
      %sign3A_175 = arith.subi %sign3A_171, %sign3A_174 : i32
      %sign3A_176 = arith.constant 0 : i32
      %sign3A_177 = arith.cmpi sgt, %jit3A, %sign3A_176 : i32
      %sign3A_178 = arith.extui %sign3A_177 : i1 to i32
      %sign3A_179 = arith.constant 0 : i32
      %sign3A_180 = arith.cmpi slt, %jit3A, %sign3A_179 : i32
      %sign3A_181 = arith.extui %sign3A_180 : i1 to i32
      %sign3A_182 = arith.subi %sign3A_178, %sign3A_181 : i32
      %ne3A = arith.cmpi ne, %sign3A_175, %sign3A_182 : i32
      %rem3A_183 = arith.remsi %add3A_155, %jit3A : i32
      %ne3A_184 = arith.constant 0 : i32
      %ne3A_185 = arith.cmpi ne, %rem3A_183, %ne3A_184 : i32
      %and3A = arith.andi %ne3A, %ne3A_185 : i1
      %sub3A = arith.constant 1 : i32
      %sub3A_186 = arith.subi %div3A, %sub3A : i32
      %select_n3A = arith.select %and3A, %sub3A_186, %div3A : i32
      %add3A_187 = arith.addi %mul3A_2, %select_n3A : i32
      %rem3A_188 = arith.constant 3 : i32
      %rem3A_189 = arith.remsi %add3A_155, %rem3A_188 : i32
      %mul3A_190 = arith.constant 16 : i32
      %mul3A_191 = arith.muli %rem3A_189, %mul3A_190 : i32
      %multiple_of3A_192 = tpu.assume_multiple %mul3A_191, 16 : i32
      %dma_start3A_193 = arith.constant 0 : i32
      %dma_start3A_194 = arith.constant 0 : i32
      %dma_start3A_195 = arith.constant 0 : i32
      %dma_start3A_196 = tpu.memref_slice %arg6[%dma_start3A_193, %dma_start3A_194, %dma_start3A_195] : memref<8x16x896xf32, #tpu.memory_space<vmem>> -> memref<1x16x896xf32, #tpu.memory_space<vmem>>
      %dma_start3A_197 = tpu.memref_squeeze %dma_start3A_196 : memref<1x16x896xf32, #tpu.memory_space<vmem>> -> memref<16x896xf32, #tpu.memory_space<vmem>>
      %dma_start3A_198 = arith.constant 0 : i32
      %dma_start3A_199 = tpu.memref_slice %arg4[%add3A_187, %multiple_of3A_192, %dma_start3A_198] : memref<1024x50x1000xf32, #tpu.memory_space<hbm>> -> memref<1x16x896xf32, #tpu.memory_space<hbm>>
      %dma_start3A_200 = tpu.memref_squeeze %dma_start3A_199 : memref<1x16x896xf32, #tpu.memory_space<hbm>> -> memref<16x896xf32, #tpu.memory_space<hbm>>
      %dma_start3A_201 = arith.constant 0 : i32
      %dma_start3A_202 = tpu.memref_slice %arg4[%add3A_187, %multiple_of3A_192, %dma_start3A_201] : memref<1024x50x1000xf32, #tpu.memory_space<hbm>> -> memref<1x16x896xf32, #tpu.memory_space<hbm>>
      %dma_start3A_203 = tpu.memref_squeeze %dma_start3A_202 : memref<1x16x896xf32, #tpu.memory_space<hbm>> -> memref<16x896xf32, #tpu.memory_space<hbm>>
      %dma_start3A_204 = arith.constant 0 : i32
      %dma_start3A_205 = arith.constant 0 : i32
      %dma_start3A_206 = tpu.memref_slice %arg6[%dma_start3A_193, %dma_start3A_204, %dma_start3A_205] : memref<8x16x896xf32, #tpu.memory_space<vmem>> -> memref<1x16x896xf32, #tpu.memory_space<vmem>>
      %dma_start3A_207 = tpu.memref_squeeze %dma_start3A_206 : memref<1x16x896xf32, #tpu.memory_space<vmem>> -> memref<16x896xf32, #tpu.memory_space<vmem>>
      tpu.enqueue_dma source(%dma_start3A_207 : memref<16x896xf32, #tpu.memory_space<vmem>>) target(%dma_start3A_203 : memref<16x896xf32, #tpu.memory_space<hbm>>) target_semaphore(%arg15 : memref<!tpu.dma_semaphore, #tpu.memory_space<semaphore_mem>>)
      %add3A_208 = arith.constant 4 : i32
      %add3A_209 = arith.addi %add3A_155, %add3A_208 : i32
      %sub3A_210 = arith.constant 8 : i32
      %sub3A_211 = arith.subi %add3A_209, %sub3A_210 : i32
      %ge3A = arith.constant 0 : i32
      %ge3A_212 = arith.cmpi sge, %sub3A_211, %ge3A : i32
      %convert_element_type3A = arith.extui %ge3A_212 : i1 to i32
      %cond3A = arith.constant 0 : i32
      %cond3A_213 = arith.cmpi ne, %convert_element_type3A, %cond3A : i32
      scf.if %cond3A_213 {
        %jit3A_773 = arith.constant 3 : i32
        %div3A_774 = arith.divsi %sub3A_211, %jit3A_773 : i32
        %sign3A_775 = arith.constant 0 : i32
        %sign3A_776 = arith.cmpi sgt, %sub3A_211, %sign3A_775 : i32
        %sign3A_777 = arith.extui %sign3A_776 : i1 to i32
        %sign3A_778 = arith.constant 0 : i32
        %sign3A_779 = arith.cmpi slt, %sub3A_211, %sign3A_778 : i32
        %sign3A_780 = arith.extui %sign3A_779 : i1 to i32
        %sign3A_781 = arith.subi %sign3A_777, %sign3A_780 : i32
        %sign3A_782 = arith.constant 0 : i32
        %sign3A_783 = arith.cmpi sgt, %jit3A_773, %sign3A_782 : i32
        %sign3A_784 = arith.extui %sign3A_783 : i1 to i32
        %sign3A_785 = arith.constant 0 : i32
        %sign3A_786 = arith.cmpi slt, %jit3A_773, %sign3A_785 : i32
        %sign3A_787 = arith.extui %sign3A_786 : i1 to i32
        %sign3A_788 = arith.subi %sign3A_784, %sign3A_787 : i32
        %ne3A_789 = arith.cmpi ne, %sign3A_781, %sign3A_788 : i32
        %rem3A_790 = arith.remsi %sub3A_211, %jit3A_773 : i32
        %ne3A_791 = arith.constant 0 : i32
        %ne3A_792 = arith.cmpi ne, %rem3A_790, %ne3A_791 : i32
        %and3A_793 = arith.andi %ne3A_789, %ne3A_792 : i1
        %sub3A_794 = arith.constant 1 : i32
        %sub3A_795 = arith.subi %div3A_774, %sub3A_794 : i32
        %select_n3A_796 = arith.select %and3A_793, %sub3A_795, %div3A_774 : i32
        %add3A_797 = arith.addi %mul3A_2, %select_n3A_796 : i32
        %rem3A_798 = arith.constant 3 : i32
        %rem3A_799 = arith.remsi %sub3A_211, %rem3A_798 : i32
        %mul3A_800 = arith.constant 16 : i32
        %mul3A_801 = arith.muli %rem3A_799, %mul3A_800 : i32
        %multiple_of3A_802 = tpu.assume_multiple %mul3A_801, 16 : i32
        %dma_wait3A_803 = arith.constant 4 : i32
        %dma_wait3A_804 = arith.constant 0 : i32
        %dma_wait3A_805 = arith.constant 0 : i32
        %dma_wait3A_806 = tpu.memref_slice %arg6[%dma_wait3A_803, %dma_wait3A_804, %dma_wait3A_805] : memref<8x16x896xf32, #tpu.memory_space<vmem>> -> memref<1x16x896xf32, #tpu.memory_space<vmem>>
        %dma_wait3A_807 = tpu.memref_squeeze %dma_wait3A_806 : memref<1x16x896xf32, #tpu.memory_space<vmem>> -> memref<16x896xf32, #tpu.memory_space<vmem>>
        %dma_wait3A_808 = arith.constant 0 : i32
        %dma_wait3A_809 = tpu.memref_slice %arg4[%add3A_797, %multiple_of3A_802, %dma_wait3A_808] : memref<1024x50x1000xf32, #tpu.memory_space<hbm>> -> memref<1x16x896xf32, #tpu.memory_space<hbm>>
        %dma_wait3A_810 = tpu.memref_squeeze %dma_wait3A_809 : memref<1x16x896xf32, #tpu.memory_space<hbm>> -> memref<16x896xf32, #tpu.memory_space<hbm>>
        %dma_wait3A_811 = arith.constant 0 : i32
        %dma_wait3A_812 = tpu.memref_slice %arg4[%add3A_797, %multiple_of3A_802, %dma_wait3A_811] : memref<1024x50x1000xf32, #tpu.memory_space<hbm>> -> memref<1x16x896xf32, #tpu.memory_space<hbm>>
        %dma_wait3A_813 = tpu.memref_squeeze %dma_wait3A_812 : memref<1x16x896xf32, #tpu.memory_space<hbm>> -> memref<16x896xf32, #tpu.memory_space<hbm>>
        %dma_wait3A_814 = arith.constant 0 : i32
        %dma_wait3A_815 = arith.constant 0 : i32
        %dma_wait3A_816 = tpu.memref_slice %arg6[%dma_wait3A_803, %dma_wait3A_814, %dma_wait3A_815] : memref<8x16x896xf32, #tpu.memory_space<vmem>> -> memref<1x16x896xf32, #tpu.memory_space<vmem>>
        %dma_wait3A_817 = tpu.memref_squeeze %dma_wait3A_816 : memref<1x16x896xf32, #tpu.memory_space<vmem>> -> memref<16x896xf32, #tpu.memory_space<vmem>>
        tpu.wait_dma2 semaphore(%arg19 : memref<!tpu.dma_semaphore, #tpu.memory_space<semaphore_mem>>) src(%dma_wait3A_817 : memref<16x896xf32, #tpu.memory_space<vmem>>) dst(%dma_wait3A_813 : memref<16x896xf32, #tpu.memory_space<hbm>>)
      } else {
      }
      %add3A_214 = arith.constant 4 : i32
      %add3A_215 = arith.addi %add3A_155, %add3A_214 : i32
      %lt3A = arith.constant 96 : i32
      %lt3A_216 = arith.cmpi slt, %add3A_215, %lt3A : i32
      %convert_element_type3A_217 = arith.extui %lt3A_216 : i1 to i32
      %cond3A_218 = arith.constant 0 : i32
      %cond3A_219 = arith.cmpi ne, %convert_element_type3A_217, %cond3A_218 : i32
      scf.if %cond3A_219 {
        %add3A_773 = arith.constant 4 : i32
        %add3A_774 = arith.addi %add3A_155, %add3A_773 : i32
        %mul3A_775 = arith.constant 16 : i32
        %mul3A_776 = arith.muli %add3A_774, %mul3A_775 : i32
        %multiple_of3A_777 = tpu.assume_multiple %mul3A_776, 16 : i32
        %get3A_778 = arith.index_cast %multiple_of3A_777 : i32 to index
        %get3A_779 = tpu.vector_load %arg5[%get3A_778] {strides = array<i32>} : memref<1536xi32, #tpu.memory_space<vmem>>, vector<16xi32>,
        %get3A_780 = vector.shape_cast %get3A_779 : vector<16xi32> to vector<16xi32>
        %dma_start3A_781 = arith.constant 4 : i32
        %dma_start3A_782 = arith.constant 0 : i32
        %dma_start3A_783 = arith.constant 0 : i32
        %dma_start3A_784 = tpu.memref_slice %arg6[%dma_start3A_781, %dma_start3A_782, %dma_start3A_783] : memref<8x16x896xf32, #tpu.memory_space<vmem>> -> memref<1x16x896xf32, #tpu.memory_space<vmem>>
        %dma_start3A_785 = tpu.memref_squeeze %dma_start3A_784 : memref<1x16x896xf32, #tpu.memory_space<vmem>> -> memref<16x896xf32, #tpu.memory_space<vmem>>
        %dma_start3A_786 = arith.constant 0 : i32
        %dma_start3A_787 = arith.constant 0 : i32
        %dma_start3A_788 = tpu.memref_slice %arg2[%dma_start3A_786, %dma_start3A_787] : memref<1000x896xf32, #tpu.memory_space<hbm>> -> memref<1000x896xf32, #tpu.memory_space<hbm>>
        tpu.enqueue_indirect_dma source(%dma_start3A_788 : memref<1000x896xf32, #tpu.memory_space<hbm>>) target(%dma_start3A_785 : memref<16x896xf32, #tpu.memory_space<vmem>>) offsets(%get3A_780 : vector<16xi32>) semaphore(%arg11 : memref<!tpu.dma_semaphore, #tpu.memory_space<semaphore_mem>>)
      } else {
      }
      %mul3A_220 = arith.constant 8 : i32
      %mul3A_221 = arith.muli %scan3A_151, %mul3A_220 : i32
      %add3A_222 = arith.constant 1 : i32
      %add3A_223 = arith.addi %mul3A_221, %add3A_222 : i32
      %mul3A_224 = arith.constant 16 : i32
      %mul3A_225 = arith.muli %add3A_223, %mul3A_224 : i32
      %multiple_of3A_226 = tpu.assume_multiple %mul3A_225, 16 : i32
      %get3A_227 = arith.index_cast %multiple_of3A_226 : i32 to index
      %get3A_228 = tpu.vector_load %arg5[%get3A_227] {strides = array<i32>} : memref<1536xi32, #tpu.memory_space<vmem>>, vector<16xi32>,
      %get3A_229 = vector.shape_cast %get3A_228 : vector<16xi32> to vector<16xi32>
      %dma_wait3A_230 = arith.constant 1 : i32
      %dma_wait3A_231 = arith.constant 0 : i32
      %dma_wait3A_232 = arith.constant 0 : i32
      %dma_wait3A_233 = tpu.memref_slice %arg6[%dma_wait3A_230, %dma_wait3A_231, %dma_wait3A_232] : memref<8x16x896xf32, #tpu.memory_space<vmem>> -> memref<1x16x896xf32, #tpu.memory_space<vmem>>
      %dma_wait3A_234 = tpu.memref_squeeze %dma_wait3A_233 : memref<1x16x896xf32, #tpu.memory_space<vmem>> -> memref<16x896xf32, #tpu.memory_space<vmem>>
      %dma_wait3A_235 = arith.constant 0 : i32
      %dma_wait3A_236 = arith.constant 0 : i32
      %dma_wait3A_237 = tpu.memref_slice %arg2[%dma_wait3A_235, %dma_wait3A_236] : memref<1000x896xf32, #tpu.memory_space<hbm>> -> memref<1000x896xf32, #tpu.memory_space<hbm>>
      tpu.wait_indirect_dma semaphore(%arg8 : memref<!tpu.dma_semaphore, #tpu.memory_space<semaphore_mem>>) src(%dma_wait3A_237 : memref<1000x896xf32, #tpu.memory_space<hbm>>) dst(%dma_wait3A_234 : memref<16x896xf32, #tpu.memory_space<vmem>>)
      %jit3A_238 = arith.constant 3 : i32
      %div3A_239 = arith.divsi %add3A_223, %jit3A_238 : i32
      %sign3A_240 = arith.constant 0 : i32
      %sign3A_241 = arith.cmpi sgt, %add3A_223, %sign3A_240 : i32
      %sign3A_242 = arith.extui %sign3A_241 : i1 to i32
      %sign3A_243 = arith.constant 0 : i32
      %sign3A_244 = arith.cmpi slt, %add3A_223, %sign3A_243 : i32
      %sign3A_245 = arith.extui %sign3A_244 : i1 to i32
      %sign3A_246 = arith.subi %sign3A_242, %sign3A_245 : i32
      %sign3A_247 = arith.constant 0 : i32
      %sign3A_248 = arith.cmpi sgt, %jit3A_238, %sign3A_247 : i32
      %sign3A_249 = arith.extui %sign3A_248 : i1 to i32
      %sign3A_250 = arith.constant 0 : i32
      %sign3A_251 = arith.cmpi slt, %jit3A_238, %sign3A_250 : i32
      %sign3A_252 = arith.extui %sign3A_251 : i1 to i32
      %sign3A_253 = arith.subi %sign3A_249, %sign3A_252 : i32
      %ne3A_254 = arith.cmpi ne, %sign3A_246, %sign3A_253 : i32
      %rem3A_255 = arith.remsi %add3A_223, %jit3A_238 : i32
      %ne3A_256 = arith.constant 0 : i32
      %ne3A_257 = arith.cmpi ne, %rem3A_255, %ne3A_256 : i32
      %and3A_258 = arith.andi %ne3A_254, %ne3A_257 : i1
      %sub3A_259 = arith.constant 1 : i32
      %sub3A_260 = arith.subi %div3A_239, %sub3A_259 : i32
      %select_n3A_261 = arith.select %and3A_258, %sub3A_260, %div3A_239 : i32
      %add3A_262 = arith.addi %mul3A_2, %select_n3A_261 : i32
      %rem3A_263 = arith.constant 3 : i32
      %rem3A_264 = arith.remsi %add3A_223, %rem3A_263 : i32
      %mul3A_265 = arith.constant 16 : i32
      %mul3A_266 = arith.muli %rem3A_264, %mul3A_265 : i32
      %multiple_of3A_267 = tpu.assume_multiple %mul3A_266, 16 : i32
      %dma_start3A_268 = arith.constant 1 : i32
      %dma_start3A_269 = arith.constant 0 : i32
      %dma_start3A_270 = arith.constant 0 : i32
      %dma_start3A_271 = tpu.memref_slice %arg6[%dma_start3A_268, %dma_start3A_269, %dma_start3A_270] : memref<8x16x896xf32, #tpu.memory_space<vmem>> -> memref<1x16x896xf32, #tpu.memory_space<vmem>>
      %dma_start3A_272 = tpu.memref_squeeze %dma_start3A_271 : memref<1x16x896xf32, #tpu.memory_space<vmem>> -> memref<16x896xf32, #tpu.memory_space<vmem>>
      %dma_start3A_273 = arith.constant 0 : i32
      %dma_start3A_274 = tpu.memref_slice %arg4[%add3A_262, %multiple_of3A_267, %dma_start3A_273] : memref<1024x50x1000xf32, #tpu.memory_space<hbm>> -> memref<1x16x896xf32, #tpu.memory_space<hbm>>
      %dma_start3A_275 = tpu.memref_squeeze %dma_start3A_274 : memref<1x16x896xf32, #tpu.memory_space<hbm>> -> memref<16x896xf32, #tpu.memory_space<hbm>>
      %dma_start3A_276 = arith.constant 0 : i32
      %dma_start3A_277 = tpu.memref_slice %arg4[%add3A_262, %multiple_of3A_267, %dma_start3A_276] : memref<1024x50x1000xf32, #tpu.memory_space<hbm>> -> memref<1x16x896xf32, #tpu.memory_space<hbm>>
      %dma_start3A_278 = tpu.memref_squeeze %dma_start3A_277 : memref<1x16x896xf32, #tpu.memory_space<hbm>> -> memref<16x896xf32, #tpu.memory_space<hbm>>
      %dma_start3A_279 = arith.constant 0 : i32
      %dma_start3A_280 = arith.constant 0 : i32
      %dma_start3A_281 = tpu.memref_slice %arg6[%dma_start3A_268, %dma_start3A_279, %dma_start3A_280] : memref<8x16x896xf32, #tpu.memory_space<vmem>> -> memref<1x16x896xf32, #tpu.memory_space<vmem>>
      %dma_start3A_282 = tpu.memref_squeeze %dma_start3A_281 : memref<1x16x896xf32, #tpu.memory_space<vmem>> -> memref<16x896xf32, #tpu.memory_space<vmem>>
      tpu.enqueue_dma source(%dma_start3A_282 : memref<16x896xf32, #tpu.memory_space<vmem>>) target(%dma_start3A_278 : memref<16x896xf32, #tpu.memory_space<hbm>>) target_semaphore(%arg16 : memref<!tpu.dma_semaphore, #tpu.memory_space<semaphore_mem>>)
      %add3A_283 = arith.constant 4 : i32
      %add3A_284 = arith.addi %add3A_223, %add3A_283 : i32
      %sub3A_285 = arith.constant 8 : i32
      %sub3A_286 = arith.subi %add3A_284, %sub3A_285 : i32
      %ge3A_287 = arith.constant 0 : i32
      %ge3A_288 = arith.cmpi sge, %sub3A_286, %ge3A_287 : i32
      %convert_element_type3A_289 = arith.extui %ge3A_288 : i1 to i32
      %cond3A_290 = arith.constant 0 : i32
      %cond3A_291 = arith.cmpi ne, %convert_element_type3A_289, %cond3A_290 : i32
      scf.if %cond3A_291 {
        %jit3A_773 = arith.constant 3 : i32
        %div3A_774 = arith.divsi %sub3A_286, %jit3A_773 : i32
        %sign3A_775 = arith.constant 0 : i32
        %sign3A_776 = arith.cmpi sgt, %sub3A_286, %sign3A_775 : i32
        %sign3A_777 = arith.extui %sign3A_776 : i1 to i32
        %sign3A_778 = arith.constant 0 : i32
        %sign3A_779 = arith.cmpi slt, %sub3A_286, %sign3A_778 : i32
        %sign3A_780 = arith.extui %sign3A_779 : i1 to i32
        %sign3A_781 = arith.subi %sign3A_777, %sign3A_780 : i32
        %sign3A_782 = arith.constant 0 : i32
        %sign3A_783 = arith.cmpi sgt, %jit3A_773, %sign3A_782 : i32
        %sign3A_784 = arith.extui %sign3A_783 : i1 to i32
        %sign3A_785 = arith.constant 0 : i32
        %sign3A_786 = arith.cmpi slt, %jit3A_773, %sign3A_785 : i32
        %sign3A_787 = arith.extui %sign3A_786 : i1 to i32
        %sign3A_788 = arith.subi %sign3A_784, %sign3A_787 : i32
        %ne3A_789 = arith.cmpi ne, %sign3A_781, %sign3A_788 : i32
        %rem3A_790 = arith.remsi %sub3A_286, %jit3A_773 : i32
        %ne3A_791 = arith.constant 0 : i32
        %ne3A_792 = arith.cmpi ne, %rem3A_790, %ne3A_791 : i32
        %and3A_793 = arith.andi %ne3A_789, %ne3A_792 : i1
        %sub3A_794 = arith.constant 1 : i32
        %sub3A_795 = arith.subi %div3A_774, %sub3A_794 : i32
        %select_n3A_796 = arith.select %and3A_793, %sub3A_795, %div3A_774 : i32
        %add3A_797 = arith.addi %mul3A_2, %select_n3A_796 : i32
        %rem3A_798 = arith.constant 3 : i32
        %rem3A_799 = arith.remsi %sub3A_286, %rem3A_798 : i32
        %mul3A_800 = arith.constant 16 : i32
        %mul3A_801 = arith.muli %rem3A_799, %mul3A_800 : i32
        %multiple_of3A_802 = tpu.assume_multiple %mul3A_801, 16 : i32
        %dma_wait3A_803 = arith.constant 5 : i32
        %dma_wait3A_804 = arith.constant 0 : i32
        %dma_wait3A_805 = arith.constant 0 : i32
        %dma_wait3A_806 = tpu.memref_slice %arg6[%dma_wait3A_803, %dma_wait3A_804, %dma_wait3A_805] : memref<8x16x896xf32, #tpu.memory_space<vmem>> -> memref<1x16x896xf32, #tpu.memory_space<vmem>>
        %dma_wait3A_807 = tpu.memref_squeeze %dma_wait3A_806 : memref<1x16x896xf32, #tpu.memory_space<vmem>> -> memref<16x896xf32, #tpu.memory_space<vmem>>
        %dma_wait3A_808 = arith.constant 0 : i32
        %dma_wait3A_809 = tpu.memref_slice %arg4[%add3A_797, %multiple_of3A_802, %dma_wait3A_808] : memref<1024x50x1000xf32, #tpu.memory_space<hbm>> -> memref<1x16x896xf32, #tpu.memory_space<hbm>>
        %dma_wait3A_810 = tpu.memref_squeeze %dma_wait3A_809 : memref<1x16x896xf32, #tpu.memory_space<hbm>> -> memref<16x896xf32, #tpu.memory_space<hbm>>
        %dma_wait3A_811 = arith.constant 0 : i32
        %dma_wait3A_812 = tpu.memref_slice %arg4[%add3A_797, %multiple_of3A_802, %dma_wait3A_811] : memref<1024x50x1000xf32, #tpu.memory_space<hbm>> -> memref<1x16x896xf32, #tpu.memory_space<hbm>>
        %dma_wait3A_813 = tpu.memref_squeeze %dma_wait3A_812 : memref<1x16x896xf32, #tpu.memory_space<hbm>> -> memref<16x896xf32, #tpu.memory_space<hbm>>
        %dma_wait3A_814 = arith.constant 0 : i32
        %dma_wait3A_815 = arith.constant 0 : i32
        %dma_wait3A_816 = tpu.memref_slice %arg6[%dma_wait3A_803, %dma_wait3A_814, %dma_wait3A_815] : memref<8x16x896xf32, #tpu.memory_space<vmem>> -> memref<1x16x896xf32, #tpu.memory_space<vmem>>
        %dma_wait3A_817 = tpu.memref_squeeze %dma_wait3A_816 : memref<1x16x896xf32, #tpu.memory_space<vmem>> -> memref<16x896xf32, #tpu.memory_space<vmem>>
        tpu.wait_dma2 semaphore(%arg20 : memref<!tpu.dma_semaphore, #tpu.memory_space<semaphore_mem>>) src(%dma_wait3A_817 : memref<16x896xf32, #tpu.memory_space<vmem>>) dst(%dma_wait3A_813 : memref<16x896xf32, #tpu.memory_space<hbm>>)
      } else {
      }
      %add3A_292 = arith.constant 4 : i32
      %add3A_293 = arith.addi %add3A_223, %add3A_292 : i32
      %lt3A_294 = arith.constant 96 : i32
      %lt3A_295 = arith.cmpi slt, %add3A_293, %lt3A_294 : i32
      %convert_element_type3A_296 = arith.extui %lt3A_295 : i1 to i32
      %cond3A_297 = arith.constant 0 : i32
      %cond3A_298 = arith.cmpi ne, %convert_element_type3A_296, %cond3A_297 : i32
      scf.if %cond3A_298 {
        %add3A_773 = arith.constant 4 : i32
        %add3A_774 = arith.addi %add3A_223, %add3A_773 : i32
        %mul3A_775 = arith.constant 16 : i32
        %mul3A_776 = arith.muli %add3A_774, %mul3A_775 : i32
        %multiple_of3A_777 = tpu.assume_multiple %mul3A_776, 16 : i32
        %get3A_778 = arith.index_cast %multiple_of3A_777 : i32 to index
        %get3A_779 = tpu.vector_load %arg5[%get3A_778] {strides = array<i32>} : memref<1536xi32, #tpu.memory_space<vmem>>, vector<16xi32>,
        %get3A_780 = vector.shape_cast %get3A_779 : vector<16xi32> to vector<16xi32>
        %dma_start3A_781 = arith.constant 5 : i32
        %dma_start3A_782 = arith.constant 0 : i32
        %dma_start3A_783 = arith.constant 0 : i32
        %dma_start3A_784 = tpu.memref_slice %arg6[%dma_start3A_781, %dma_start3A_782, %dma_start3A_783] : memref<8x16x896xf32, #tpu.memory_space<vmem>> -> memref<1x16x896xf32, #tpu.memory_space<vmem>>
        %dma_start3A_785 = tpu.memref_squeeze %dma_start3A_784 : memref<1x16x896xf32, #tpu.memory_space<vmem>> -> memref<16x896xf32, #tpu.memory_space<vmem>>
        %dma_start3A_786 = arith.constant 0 : i32
        %dma_start3A_787 = arith.constant 0 : i32
        %dma_start3A_788 = tpu.memref_slice %arg2[%dma_start3A_786, %dma_start3A_787] : memref<1000x896xf32, #tpu.memory_space<hbm>> -> memref<1000x896xf32, #tpu.memory_space<hbm>>
        tpu.enqueue_indirect_dma source(%dma_start3A_788 : memref<1000x896xf32, #tpu.memory_space<hbm>>) target(%dma_start3A_785 : memref<16x896xf32, #tpu.memory_space<vmem>>) offsets(%get3A_780 : vector<16xi32>) semaphore(%arg12 : memref<!tpu.dma_semaphore, #tpu.memory_space<semaphore_mem>>)
      } else {
      }
      %mul3A_299 = arith.constant 8 : i32
      %mul3A_300 = arith.muli %scan3A_151, %mul3A_299 : i32
      %add3A_301 = arith.constant 2 : i32
      %add3A_302 = arith.addi %mul3A_300, %add3A_301 : i32
      %mul3A_303 = arith.constant 16 : i32
      %mul3A_304 = arith.muli %add3A_302, %mul3A_303 : i32
      %multiple_of3A_305 = tpu.assume_multiple %mul3A_304, 16 : i32
      %get3A_306 = arith.index_cast %multiple_of3A_305 : i32 to index
      %get3A_307 = tpu.vector_load %arg5[%get3A_306] {strides = array<i32>} : memref<1536xi32, #tpu.memory_space<vmem>>, vector<16xi32>,
      %get3A_308 = vector.shape_cast %get3A_307 : vector<16xi32> to vector<16xi32>
      %dma_wait3A_309 = arith.constant 2 : i32
      %dma_wait3A_310 = arith.constant 0 : i32
      %dma_wait3A_311 = arith.constant 0 : i32
      %dma_wait3A_312 = tpu.memref_slice %arg6[%dma_wait3A_309, %dma_wait3A_310, %dma_wait3A_311] : memref<8x16x896xf32, #tpu.memory_space<vmem>> -> memref<1x16x896xf32, #tpu.memory_space<vmem>>
      %dma_wait3A_313 = tpu.memref_squeeze %dma_wait3A_312 : memref<1x16x896xf32, #tpu.memory_space<vmem>> -> memref<16x896xf32, #tpu.memory_space<vmem>>
      %dma_wait3A_314 = arith.constant 0 : i32
      %dma_wait3A_315 = arith.constant 0 : i32
      %dma_wait3A_316 = tpu.memref_slice %arg2[%dma_wait3A_314, %dma_wait3A_315] : memref<1000x896xf32, #tpu.memory_space<hbm>> -> memref<1000x896xf32, #tpu.memory_space<hbm>>
      tpu.wait_indirect_dma semaphore(%arg9 : memref<!tpu.dma_semaphore, #tpu.memory_space<semaphore_mem>>) src(%dma_wait3A_316 : memref<1000x896xf32, #tpu.memory_space<hbm>>) dst(%dma_wait3A_313 : memref<16x896xf32, #tpu.memory_space<vmem>>)
      %jit3A_317 = arith.constant 3 : i32
      %div3A_318 = arith.divsi %add3A_302, %jit3A_317 : i32
      %sign3A_319 = arith.constant 0 : i32
      %sign3A_320 = arith.cmpi sgt, %add3A_302, %sign3A_319 : i32
      %sign3A_321 = arith.extui %sign3A_320 : i1 to i32
      %sign3A_322 = arith.constant 0 : i32
      %sign3A_323 = arith.cmpi slt, %add3A_302, %sign3A_322 : i32
      %sign3A_324 = arith.extui %sign3A_323 : i1 to i32
      %sign3A_325 = arith.subi %sign3A_321, %sign3A_324 : i32
      %sign3A_326 = arith.constant 0 : i32
      %sign3A_327 = arith.cmpi sgt, %jit3A_317, %sign3A_326 : i32
      %sign3A_328 = arith.extui %sign3A_327 : i1 to i32
      %sign3A_329 = arith.constant 0 : i32
      %sign3A_330 = arith.cmpi slt, %jit3A_317, %sign3A_329 : i32
      %sign3A_331 = arith.extui %sign3A_330 : i1 to i32
      %sign3A_332 = arith.subi %sign3A_328, %sign3A_331 : i32
      %ne3A_333 = arith.cmpi ne, %sign3A_325, %sign3A_332 : i32
      %rem3A_334 = arith.remsi %add3A_302, %jit3A_317 : i32
      %ne3A_335 = arith.constant 0 : i32
      %ne3A_336 = arith.cmpi ne, %rem3A_334, %ne3A_335 : i32
      %and3A_337 = arith.andi %ne3A_333, %ne3A_336 : i1
      %sub3A_338 = arith.constant 1 : i32
      %sub3A_339 = arith.subi %div3A_318, %sub3A_338 : i32
      %select_n3A_340 = arith.select %and3A_337, %sub3A_339, %div3A_318 : i32
      %add3A_341 = arith.addi %mul3A_2, %select_n3A_340 : i32
      %rem3A_342 = arith.constant 3 : i32
      %rem3A_343 = arith.remsi %add3A_302, %rem3A_342 : i32
      %mul3A_344 = arith.constant 16 : i32
      %mul3A_345 = arith.muli %rem3A_343, %mul3A_344 : i32
      %multiple_of3A_346 = tpu.assume_multiple %mul3A_345, 16 : i32
      %dma_start3A_347 = arith.constant 2 : i32
      %dma_start3A_348 = arith.constant 0 : i32
      %dma_start3A_349 = arith.constant 0 : i32
      %dma_start3A_350 = tpu.memref_slice %arg6[%dma_start3A_347, %dma_start3A_348, %dma_start3A_349] : memref<8x16x896xf32, #tpu.memory_space<vmem>> -> memref<1x16x896xf32, #tpu.memory_space<vmem>>
      %dma_start3A_351 = tpu.memref_squeeze %dma_start3A_350 : memref<1x16x896xf32, #tpu.memory_space<vmem>> -> memref<16x896xf32, #tpu.memory_space<vmem>>
      %dma_start3A_352 = arith.constant 0 : i32
      %dma_start3A_353 = tpu.memref_slice %arg4[%add3A_341, %multiple_of3A_346, %dma_start3A_352] : memref<1024x50x1000xf32, #tpu.memory_space<hbm>> -> memref<1x16x896xf32, #tpu.memory_space<hbm>>
      %dma_start3A_354 = tpu.memref_squeeze %dma_start3A_353 : memref<1x16x896xf32, #tpu.memory_space<hbm>> -> memref<16x896xf32, #tpu.memory_space<hbm>>
      %dma_start3A_355 = arith.constant 0 : i32
      %dma_start3A_356 = tpu.memref_slice %arg4[%add3A_341, %multiple_of3A_346, %dma_start3A_355] : memref<1024x50x1000xf32, #tpu.memory_space<hbm>> -> memref<1x16x896xf32, #tpu.memory_space<hbm>>
      %dma_start3A_357 = tpu.memref_squeeze %dma_start3A_356 : memref<1x16x896xf32, #tpu.memory_space<hbm>> -> memref<16x896xf32, #tpu.memory_space<hbm>>
      %dma_start3A_358 = arith.constant 0 : i32
      %dma_start3A_359 = arith.constant 0 : i32
      %dma_start3A_360 = tpu.memref_slice %arg6[%dma_start3A_347, %dma_start3A_358, %dma_start3A_359] : memref<8x16x896xf32, #tpu.memory_space<vmem>> -> memref<1x16x896xf32, #tpu.memory_space<vmem>>
      %dma_start3A_361 = tpu.memref_squeeze %dma_start3A_360 : memref<1x16x896xf32, #tpu.memory_space<vmem>> -> memref<16x896xf32, #tpu.memory_space<vmem>>
      tpu.enqueue_dma source(%dma_start3A_361 : memref<16x896xf32, #tpu.memory_space<vmem>>) target(%dma_start3A_357 : memref<16x896xf32, #tpu.memory_space<hbm>>) target_semaphore(%arg17 : memref<!tpu.dma_semaphore, #tpu.memory_space<semaphore_mem>>)
      %add3A_362 = arith.constant 4 : i32
      %add3A_363 = arith.addi %add3A_302, %add3A_362 : i32
      %sub3A_364 = arith.constant 8 : i32
      %sub3A_365 = arith.subi %add3A_363, %sub3A_364 : i32
      %ge3A_366 = arith.constant 0 : i32
      %ge3A_367 = arith.cmpi sge, %sub3A_365, %ge3A_366 : i32
      %convert_element_type3A_368 = arith.extui %ge3A_367 : i1 to i32
      %cond3A_369 = arith.constant 0 : i32
      %cond3A_370 = arith.cmpi ne, %convert_element_type3A_368, %cond3A_369 : i32
      scf.if %cond3A_370 {
        %jit3A_773 = arith.constant 3 : i32
        %div3A_774 = arith.divsi %sub3A_365, %jit3A_773 : i32
        %sign3A_775 = arith.constant 0 : i32
        %sign3A_776 = arith.cmpi sgt, %sub3A_365, %sign3A_775 : i32
        %sign3A_777 = arith.extui %sign3A_776 : i1 to i32
        %sign3A_778 = arith.constant 0 : i32
        %sign3A_779 = arith.cmpi slt, %sub3A_365, %sign3A_778 : i32
        %sign3A_780 = arith.extui %sign3A_779 : i1 to i32
        %sign3A_781 = arith.subi %sign3A_777, %sign3A_780 : i32
        %sign3A_782 = arith.constant 0 : i32
        %sign3A_783 = arith.cmpi sgt, %jit3A_773, %sign3A_782 : i32
        %sign3A_784 = arith.extui %sign3A_783 : i1 to i32
        %sign3A_785 = arith.constant 0 : i32
        %sign3A_786 = arith.cmpi slt, %jit3A_773, %sign3A_785 : i32
        %sign3A_787 = arith.extui %sign3A_786 : i1 to i32
        %sign3A_788 = arith.subi %sign3A_784, %sign3A_787 : i32
        %ne3A_789 = arith.cmpi ne, %sign3A_781, %sign3A_788 : i32
        %rem3A_790 = arith.remsi %sub3A_365, %jit3A_773 : i32
        %ne3A_791 = arith.constant 0 : i32
        %ne3A_792 = arith.cmpi ne, %rem3A_790, %ne3A_791 : i32
        %and3A_793 = arith.andi %ne3A_789, %ne3A_792 : i1
        %sub3A_794 = arith.constant 1 : i32
        %sub3A_795 = arith.subi %div3A_774, %sub3A_794 : i32
        %select_n3A_796 = arith.select %and3A_793, %sub3A_795, %div3A_774 : i32
        %add3A_797 = arith.addi %mul3A_2, %select_n3A_796 : i32
        %rem3A_798 = arith.constant 3 : i32
        %rem3A_799 = arith.remsi %sub3A_365, %rem3A_798 : i32
        %mul3A_800 = arith.constant 16 : i32
        %mul3A_801 = arith.muli %rem3A_799, %mul3A_800 : i32
        %multiple_of3A_802 = tpu.assume_multiple %mul3A_801, 16 : i32
        %dma_wait3A_803 = arith.constant 6 : i32
        %dma_wait3A_804 = arith.constant 0 : i32
        %dma_wait3A_805 = arith.constant 0 : i32
        %dma_wait3A_806 = tpu.memref_slice %arg6[%dma_wait3A_803, %dma_wait3A_804, %dma_wait3A_805] : memref<8x16x896xf32, #tpu.memory_space<vmem>> -> memref<1x16x896xf32, #tpu.memory_space<vmem>>
        %dma_wait3A_807 = tpu.memref_squeeze %dma_wait3A_806 : memref<1x16x896xf32, #tpu.memory_space<vmem>> -> memref<16x896xf32, #tpu.memory_space<vmem>>
        %dma_wait3A_808 = arith.constant 0 : i32
        %dma_wait3A_809 = tpu.memref_slice %arg4[%add3A_797, %multiple_of3A_802, %dma_wait3A_808] : memref<1024x50x1000xf32, #tpu.memory_space<hbm>> -> memref<1x16x896xf32, #tpu.memory_space<hbm>>
        %dma_wait3A_810 = tpu.memref_squeeze %dma_wait3A_809 : memref<1x16x896xf32, #tpu.memory_space<hbm>> -> memref<16x896xf32, #tpu.memory_space<hbm>>
        %dma_wait3A_811 = arith.constant 0 : i32
        %dma_wait3A_812 = tpu.memref_slice %arg4[%add3A_797, %multiple_of3A_802, %dma_wait3A_811] : memref<1024x50x1000xf32, #tpu.memory_space<hbm>> -> memref<1x16x896xf32, #tpu.memory_space<hbm>>
        %dma_wait3A_813 = tpu.memref_squeeze %dma_wait3A_812 : memref<1x16x896xf32, #tpu.memory_space<hbm>> -> memref<16x896xf32, #tpu.memory_space<hbm>>
        %dma_wait3A_814 = arith.constant 0 : i32
        %dma_wait3A_815 = arith.constant 0 : i32
        %dma_wait3A_816 = tpu.memref_slice %arg6[%dma_wait3A_803, %dma_wait3A_814, %dma_wait3A_815] : memref<8x16x896xf32, #tpu.memory_space<vmem>> -> memref<1x16x896xf32, #tpu.memory_space<vmem>>
        %dma_wait3A_817 = tpu.memref_squeeze %dma_wait3A_816 : memref<1x16x896xf32, #tpu.memory_space<vmem>> -> memref<16x896xf32, #tpu.memory_space<vmem>>
        tpu.wait_dma2 semaphore(%arg21 : memref<!tpu.dma_semaphore, #tpu.memory_space<semaphore_mem>>) src(%dma_wait3A_817 : memref<16x896xf32, #tpu.memory_space<vmem>>) dst(%dma_wait3A_813 : memref<16x896xf32, #tpu.memory_space<hbm>>)
      } else {
      }
      %add3A_371 = arith.constant 4 : i32
      %add3A_372 = arith.addi %add3A_302, %add3A_371 : i32
      %lt3A_373 = arith.constant 96 : i32
      %lt3A_374 = arith.cmpi slt, %add3A_372, %lt3A_373 : i32
      %convert_element_type3A_375 = arith.extui %lt3A_374 : i1 to i32
      %cond3A_376 = arith.constant 0 : i32
      %cond3A_377 = arith.cmpi ne, %convert_element_type3A_375, %cond3A_376 : i32
      scf.if %cond3A_377 {
        %add3A_773 = arith.constant 4 : i32
        %add3A_774 = arith.addi %add3A_302, %add3A_773 : i32
        %mul3A_775 = arith.constant 16 : i32
        %mul3A_776 = arith.muli %add3A_774, %mul3A_775 : i32
        %multiple_of3A_777 = tpu.assume_multiple %mul3A_776, 16 : i32
        %get3A_778 = arith.index_cast %multiple_of3A_777 : i32 to index
        %get3A_779 = tpu.vector_load %arg5[%get3A_778] {strides = array<i32>} : memref<1536xi32, #tpu.memory_space<vmem>>, vector<16xi32>,
        %get3A_780 = vector.shape_cast %get3A_779 : vector<16xi32> to vector<16xi32>
        %dma_start3A_781 = arith.constant 6 : i32
        %dma_start3A_782 = arith.constant 0 : i32
        %dma_start3A_783 = arith.constant 0 : i32
        %dma_start3A_784 = tpu.memref_slice %arg6[%dma_start3A_781, %dma_start3A_782, %dma_start3A_783] : memref<8x16x896xf32, #tpu.memory_space<vmem>> -> memref<1x16x896xf32, #tpu.memory_space<vmem>>
        %dma_start3A_785 = tpu.memref_squeeze %dma_start3A_784 : memref<1x16x896xf32, #tpu.memory_space<vmem>> -> memref<16x896xf32, #tpu.memory_space<vmem>>
        %dma_start3A_786 = arith.constant 0 : i32
        %dma_start3A_787 = arith.constant 0 : i32
        %dma_start3A_788 = tpu.memref_slice %arg2[%dma_start3A_786, %dma_start3A_787] : memref<1000x896xf32, #tpu.memory_space<hbm>> -> memref<1000x896xf32, #tpu.memory_space<hbm>>
        tpu.enqueue_indirect_dma source(%dma_start3A_788 : memref<1000x896xf32, #tpu.memory_space<hbm>>) target(%dma_start3A_785 : memref<16x896xf32, #tpu.memory_space<vmem>>) offsets(%get3A_780 : vector<16xi32>) semaphore(%arg13 : memref<!tpu.dma_semaphore, #tpu.memory_space<semaphore_mem>>)
      } else {
      }
      %mul3A_378 = arith.constant 8 : i32
      %mul3A_379 = arith.muli %scan3A_151, %mul3A_378 : i32
      %add3A_380 = arith.constant 3 : i32
      %add3A_381 = arith.addi %mul3A_379, %add3A_380 : i32
      %mul3A_382 = arith.constant 16 : i32
      %mul3A_383 = arith.muli %add3A_381, %mul3A_382 : i32
      %multiple_of3A_384 = tpu.assume_multiple %mul3A_383, 16 : i32
      %get3A_385 = arith.index_cast %multiple_of3A_384 : i32 to index
      %get3A_386 = tpu.vector_load %arg5[%get3A_385] {strides = array<i32>} : memref<1536xi32, #tpu.memory_space<vmem>>, vector<16xi32>,
      %get3A_387 = vector.shape_cast %get3A_386 : vector<16xi32> to vector<16xi32>
      %dma_wait3A_388 = arith.constant 3 : i32
      %dma_wait3A_389 = arith.constant 0 : i32
      %dma_wait3A_390 = arith.constant 0 : i32
      %dma_wait3A_391 = tpu.memref_slice %arg6[%dma_wait3A_388, %dma_wait3A_389, %dma_wait3A_390] : memref<8x16x896xf32, #tpu.memory_space<vmem>> -> memref<1x16x896xf32, #tpu.memory_space<vmem>>
      %dma_wait3A_392 = tpu.memref_squeeze %dma_wait3A_391 : memref<1x16x896xf32, #tpu.memory_space<vmem>> -> memref<16x896xf32, #tpu.memory_space<vmem>>
      %dma_wait3A_393 = arith.constant 0 : i32
      %dma_wait3A_394 = arith.constant 0 : i32
      %dma_wait3A_395 = tpu.memref_slice %arg2[%dma_wait3A_393, %dma_wait3A_394] : memref<1000x896xf32, #tpu.memory_space<hbm>> -> memref<1000x896xf32, #tpu.memory_space<hbm>>
      tpu.wait_indirect_dma semaphore(%arg10 : memref<!tpu.dma_semaphore, #tpu.memory_space<semaphore_mem>>) src(%dma_wait3A_395 : memref<1000x896xf32, #tpu.memory_space<hbm>>) dst(%dma_wait3A_392 : memref<16x896xf32, #tpu.memory_space<vmem>>)
      %jit3A_396 = arith.constant 3 : i32
      %div3A_397 = arith.divsi %add3A_381, %jit3A_396 : i32
      %sign3A_398 = arith.constant 0 : i32
      %sign3A_399 = arith.cmpi sgt, %add3A_381, %sign3A_398 : i32
      %sign3A_400 = arith.extui %sign3A_399 : i1 to i32
      %sign3A_401 = arith.constant 0 : i32
      %sign3A_402 = arith.cmpi slt, %add3A_381, %sign3A_401 : i32
      %sign3A_403 = arith.extui %sign3A_402 : i1 to i32
      %sign3A_404 = arith.subi %sign3A_400, %sign3A_403 : i32
      %sign3A_405 = arith.constant 0 : i32
      %sign3A_406 = arith.cmpi sgt, %jit3A_396, %sign3A_405 : i32
      %sign3A_407 = arith.extui %sign3A_406 : i1 to i32
      %sign3A_408 = arith.constant 0 : i32
      %sign3A_409 = arith.cmpi slt, %jit3A_396, %sign3A_408 : i32
      %sign3A_410 = arith.extui %sign3A_409 : i1 to i32
      %sign3A_411 = arith.subi %sign3A_407, %sign3A_410 : i32
      %ne3A_412 = arith.cmpi ne, %sign3A_404, %sign3A_411 : i32
      %rem3A_413 = arith.remsi %add3A_381, %jit3A_396 : i32
      %ne3A_414 = arith.constant 0 : i32
      %ne3A_415 = arith.cmpi ne, %rem3A_413, %ne3A_414 : i32
      %and3A_416 = arith.andi %ne3A_412, %ne3A_415 : i1
      %sub3A_417 = arith.constant 1 : i32
      %sub3A_418 = arith.subi %div3A_397, %sub3A_417 : i32
      %select_n3A_419 = arith.select %and3A_416, %sub3A_418, %div3A_397 : i32
      %add3A_420 = arith.addi %mul3A_2, %select_n3A_419 : i32
      %rem3A_421 = arith.constant 3 : i32
      %rem3A_422 = arith.remsi %add3A_381, %rem3A_421 : i32
      %mul3A_423 = arith.constant 16 : i32
      %mul3A_424 = arith.muli %rem3A_422, %mul3A_423 : i32
      %multiple_of3A_425 = tpu.assume_multiple %mul3A_424, 16 : i32
      %dma_start3A_426 = arith.constant 3 : i32
      %dma_start3A_427 = arith.constant 0 : i32
      %dma_start3A_428 = arith.constant 0 : i32
      %dma_start3A_429 = tpu.memref_slice %arg6[%dma_start3A_426, %dma_start3A_427, %dma_start3A_428] : memref<8x16x896xf32, #tpu.memory_space<vmem>> -> memref<1x16x896xf32, #tpu.memory_space<vmem>>
      %dma_start3A_430 = tpu.memref_squeeze %dma_start3A_429 : memref<1x16x896xf32, #tpu.memory_space<vmem>> -> memref<16x896xf32, #tpu.memory_space<vmem>>
      %dma_start3A_431 = arith.constant 0 : i32
      %dma_start3A_432 = tpu.memref_slice %arg4[%add3A_420, %multiple_of3A_425, %dma_start3A_431] : memref<1024x50x1000xf32, #tpu.memory_space<hbm>> -> memref<1x16x896xf32, #tpu.memory_space<hbm>>
      %dma_start3A_433 = tpu.memref_squeeze %dma_start3A_432 : memref<1x16x896xf32, #tpu.memory_space<hbm>> -> memref<16x896xf32, #tpu.memory_space<hbm>>
      %dma_start3A_434 = arith.constant 0 : i32
      %dma_start3A_435 = tpu.memref_slice %arg4[%add3A_420, %multiple_of3A_425, %dma_start3A_434] : memref<1024x50x1000xf32, #tpu.memory_space<hbm>> -> memref<1x16x896xf32, #tpu.memory_space<hbm>>
      %dma_start3A_436 = tpu.memref_squeeze %dma_start3A_435 : memref<1x16x896xf32, #tpu.memory_space<hbm>> -> memref<16x896xf32, #tpu.memory_space<hbm>>
      %dma_start3A_437 = arith.constant 0 : i32
      %dma_start3A_438 = arith.constant 0 : i32
      %dma_start3A_439 = tpu.memref_slice %arg6[%dma_start3A_426, %dma_start3A_437, %dma_start3A_438] : memref<8x16x896xf32, #tpu.memory_space<vmem>> -> memref<1x16x896xf32, #tpu.memory_space<vmem>>
      %dma_start3A_440 = tpu.memref_squeeze %dma_start3A_439 : memref<1x16x896xf32, #tpu.memory_space<vmem>> -> memref<16x896xf32, #tpu.memory_space<vmem>>
      tpu.enqueue_dma source(%dma_start3A_440 : memref<16x896xf32, #tpu.memory_space<vmem>>) target(%dma_start3A_436 : memref<16x896xf32, #tpu.memory_space<hbm>>) target_semaphore(%arg18 : memref<!tpu.dma_semaphore, #tpu.memory_space<semaphore_mem>>)
      %add3A_441 = arith.constant 4 : i32
      %add3A_442 = arith.addi %add3A_381, %add3A_441 : i32
      %sub3A_443 = arith.constant 8 : i32
      %sub3A_444 = arith.subi %add3A_442, %sub3A_443 : i32
      %ge3A_445 = arith.constant 0 : i32
      %ge3A_446 = arith.cmpi sge, %sub3A_444, %ge3A_445 : i32
      %convert_element_type3A_447 = arith.extui %ge3A_446 : i1 to i32
      %cond3A_448 = arith.constant 0 : i32
      %cond3A_449 = arith.cmpi ne, %convert_element_type3A_447, %cond3A_448 : i32
      scf.if %cond3A_449 {
        %jit3A_773 = arith.constant 3 : i32
        %div3A_774 = arith.divsi %sub3A_444, %jit3A_773 : i32
        %sign3A_775 = arith.constant 0 : i32
        %sign3A_776 = arith.cmpi sgt, %sub3A_444, %sign3A_775 : i32
        %sign3A_777 = arith.extui %sign3A_776 : i1 to i32
        %sign3A_778 = arith.constant 0 : i32
        %sign3A_779 = arith.cmpi slt, %sub3A_444, %sign3A_778 : i32
        %sign3A_780 = arith.extui %sign3A_779 : i1 to i32
        %sign3A_781 = arith.subi %sign3A_777, %sign3A_780 : i32
        %sign3A_782 = arith.constant 0 : i32
        %sign3A_783 = arith.cmpi sgt, %jit3A_773, %sign3A_782 : i32
        %sign3A_784 = arith.extui %sign3A_783 : i1 to i32
        %sign3A_785 = arith.constant 0 : i32
        %sign3A_786 = arith.cmpi slt, %jit3A_773, %sign3A_785 : i32
        %sign3A_787 = arith.extui %sign3A_786 : i1 to i32
        %sign3A_788 = arith.subi %sign3A_784, %sign3A_787 : i32
        %ne3A_789 = arith.cmpi ne, %sign3A_781, %sign3A_788 : i32
        %rem3A_790 = arith.remsi %sub3A_444, %jit3A_773 : i32
        %ne3A_791 = arith.constant 0 : i32
        %ne3A_792 = arith.cmpi ne, %rem3A_790, %ne3A_791 : i32
        %and3A_793 = arith.andi %ne3A_789, %ne3A_792 : i1
        %sub3A_794 = arith.constant 1 : i32
        %sub3A_795 = arith.subi %div3A_774, %sub3A_794 : i32
        %select_n3A_796 = arith.select %and3A_793, %sub3A_795, %div3A_774 : i32
        %add3A_797 = arith.addi %mul3A_2, %select_n3A_796 : i32
        %rem3A_798 = arith.constant 3 : i32
        %rem3A_799 = arith.remsi %sub3A_444, %rem3A_798 : i32
        %mul3A_800 = arith.constant 16 : i32
        %mul3A_801 = arith.muli %rem3A_799, %mul3A_800 : i32
        %multiple_of3A_802 = tpu.assume_multiple %mul3A_801, 16 : i32
        %dma_wait3A_803 = arith.constant 7 : i32
        %dma_wait3A_804 = arith.constant 0 : i32
        %dma_wait3A_805 = arith.constant 0 : i32
        %dma_wait3A_806 = tpu.memref_slice %arg6[%dma_wait3A_803, %dma_wait3A_804, %dma_wait3A_805] : memref<8x16x896xf32, #tpu.memory_space<vmem>> -> memref<1x16x896xf32, #tpu.memory_space<vmem>>
        %dma_wait3A_807 = tpu.memref_squeeze %dma_wait3A_806 : memref<1x16x896xf32, #tpu.memory_space<vmem>> -> memref<16x896xf32, #tpu.memory_space<vmem>>
        %dma_wait3A_808 = arith.constant 0 : i32
        %dma_wait3A_809 = tpu.memref_slice %arg4[%add3A_797, %multiple_of3A_802, %dma_wait3A_808] : memref<1024x50x1000xf32, #tpu.memory_space<hbm>> -> memref<1x16x896xf32, #tpu.memory_space<hbm>>
        %dma_wait3A_810 = tpu.memref_squeeze %dma_wait3A_809 : memref<1x16x896xf32, #tpu.memory_space<hbm>> -> memref<16x896xf32, #tpu.memory_space<hbm>>
        %dma_wait3A_811 = arith.constant 0 : i32
        %dma_wait3A_812 = tpu.memref_slice %arg4[%add3A_797, %multiple_of3A_802, %dma_wait3A_811] : memref<1024x50x1000xf32, #tpu.memory_space<hbm>> -> memref<1x16x896xf32, #tpu.memory_space<hbm>>
        %dma_wait3A_813 = tpu.memref_squeeze %dma_wait3A_812 : memref<1x16x896xf32, #tpu.memory_space<hbm>> -> memref<16x896xf32, #tpu.memory_space<hbm>>
        %dma_wait3A_814 = arith.constant 0 : i32
        %dma_wait3A_815 = arith.constant 0 : i32
        %dma_wait3A_816 = tpu.memref_slice %arg6[%dma_wait3A_803, %dma_wait3A_814, %dma_wait3A_815] : memref<8x16x896xf32, #tpu.memory_space<vmem>> -> memref<1x16x896xf32, #tpu.memory_space<vmem>>
        %dma_wait3A_817 = tpu.memref_squeeze %dma_wait3A_816 : memref<1x16x896xf32, #tpu.memory_space<vmem>> -> memref<16x896xf32, #tpu.memory_space<vmem>>
        tpu.wait_dma2 semaphore(%arg22 : memref<!tpu.dma_semaphore, #tpu.memory_space<semaphore_mem>>) src(%dma_wait3A_817 : memref<16x896xf32, #tpu.memory_space<vmem>>) dst(%dma_wait3A_813 : memref<16x896xf32, #tpu.memory_space<hbm>>)
      } else {
      }
      %add3A_450 = arith.constant 4 : i32
      %add3A_451 = arith.addi %add3A_381, %add3A_450 : i32
      %lt3A_452 = arith.constant 96 : i32
      %lt3A_453 = arith.cmpi slt, %add3A_451, %lt3A_452 : i32
      %convert_element_type3A_454 = arith.extui %lt3A_453 : i1 to i32
      %cond3A_455 = arith.constant 0 : i32
      %cond3A_456 = arith.cmpi ne, %convert_element_type3A_454, %cond3A_455 : i32
      scf.if %cond3A_456 {
        %add3A_773 = arith.constant 4 : i32
        %add3A_774 = arith.addi %add3A_381, %add3A_773 : i32
        %mul3A_775 = arith.constant 16 : i32
        %mul3A_776 = arith.muli %add3A_774, %mul3A_775 : i32
        %multiple_of3A_777 = tpu.assume_multiple %mul3A_776, 16 : i32
        %get3A_778 = arith.index_cast %multiple_of3A_777 : i32 to index
        %get3A_779 = tpu.vector_load %arg5[%get3A_778] {strides = array<i32>} : memref<1536xi32, #tpu.memory_space<vmem>>, vector<16xi32>,
        %get3A_780 = vector.shape_cast %get3A_779 : vector<16xi32> to vector<16xi32>
        %dma_start3A_781 = arith.constant 7 : i32
        %dma_start3A_782 = arith.constant 0 : i32
        %dma_start3A_783 = arith.constant 0 : i32
        %dma_start3A_784 = tpu.memref_slice %arg6[%dma_start3A_781, %dma_start3A_782, %dma_start3A_783] : memref<8x16x896xf32, #tpu.memory_space<vmem>> -> memref<1x16x896xf32, #tpu.memory_space<vmem>>
        %dma_start3A_785 = tpu.memref_squeeze %dma_start3A_784 : memref<1x16x896xf32, #tpu.memory_space<vmem>> -> memref<16x896xf32, #tpu.memory_space<vmem>>
        %dma_start3A_786 = arith.constant 0 : i32
        %dma_start3A_787 = arith.constant 0 : i32
        %dma_start3A_788 = tpu.memref_slice %arg2[%dma_start3A_786, %dma_start3A_787] : memref<1000x896xf32, #tpu.memory_space<hbm>> -> memref<1000x896xf32, #tpu.memory_space<hbm>>
        tpu.enqueue_indirect_dma source(%dma_start3A_788 : memref<1000x896xf32, #tpu.memory_space<hbm>>) target(%dma_start3A_785 : memref<16x896xf32, #tpu.memory_space<vmem>>) offsets(%get3A_780 : vector<16xi32>) semaphore(%arg14 : memref<!tpu.dma_semaphore, #tpu.memory_space<semaphore_mem>>)
      } else {
      }
      %mul3A_457 = arith.constant 8 : i32
      %mul3A_458 = arith.muli %scan3A_151, %mul3A_457 : i32
      %add3A_459 = arith.constant 4 : i32
      %add3A_460 = arith.addi %mul3A_458, %add3A_459 : i32
      %mul3A_461 = arith.constant 16 : i32
      %mul3A_462 = arith.muli %add3A_460, %mul3A_461 : i32
      %multiple_of3A_463 = tpu.assume_multiple %mul3A_462, 16 : i32
      %get3A_464 = arith.index_cast %multiple_of3A_463 : i32 to index
      %get3A_465 = tpu.vector_load %arg5[%get3A_464] {strides = array<i32>} : memref<1536xi32, #tpu.memory_space<vmem>>, vector<16xi32>,
      %get3A_466 = vector.shape_cast %get3A_465 : vector<16xi32> to vector<16xi32>
      %dma_wait3A_467 = arith.constant 4 : i32
      %dma_wait3A_468 = arith.constant 0 : i32
      %dma_wait3A_469 = arith.constant 0 : i32
      %dma_wait3A_470 = tpu.memref_slice %arg6[%dma_wait3A_467, %dma_wait3A_468, %dma_wait3A_469] : memref<8x16x896xf32, #tpu.memory_space<vmem>> -> memref<1x16x896xf32, #tpu.memory_space<vmem>>
      %dma_wait3A_471 = tpu.memref_squeeze %dma_wait3A_470 : memref<1x16x896xf32, #tpu.memory_space<vmem>> -> memref<16x896xf32, #tpu.memory_space<vmem>>
      %dma_wait3A_472 = arith.constant 0 : i32
      %dma_wait3A_473 = arith.constant 0 : i32
      %dma_wait3A_474 = tpu.memref_slice %arg2[%dma_wait3A_472, %dma_wait3A_473] : memref<1000x896xf32, #tpu.memory_space<hbm>> -> memref<1000x896xf32, #tpu.memory_space<hbm>>
      tpu.wait_indirect_dma semaphore(%arg11 : memref<!tpu.dma_semaphore, #tpu.memory_space<semaphore_mem>>) src(%dma_wait3A_474 : memref<1000x896xf32, #tpu.memory_space<hbm>>) dst(%dma_wait3A_471 : memref<16x896xf32, #tpu.memory_space<vmem>>)
      %jit3A_475 = arith.constant 3 : i32
      %div3A_476 = arith.divsi %add3A_460, %jit3A_475 : i32
      %sign3A_477 = arith.constant 0 : i32
      %sign3A_478 = arith.cmpi sgt, %add3A_460, %sign3A_477 : i32
      %sign3A_479 = arith.extui %sign3A_478 : i1 to i32
      %sign3A_480 = arith.constant 0 : i32
      %sign3A_481 = arith.cmpi slt, %add3A_460, %sign3A_480 : i32
      %sign3A_482 = arith.extui %sign3A_481 : i1 to i32
      %sign3A_483 = arith.subi %sign3A_479, %sign3A_482 : i32
      %sign3A_484 = arith.constant 0 : i32
      %sign3A_485 = arith.cmpi sgt, %jit3A_475, %sign3A_484 : i32
      %sign3A_486 = arith.extui %sign3A_485 : i1 to i32
      %sign3A_487 = arith.constant 0 : i32
      %sign3A_488 = arith.cmpi slt, %jit3A_475, %sign3A_487 : i32
      %sign3A_489 = arith.extui %sign3A_488 : i1 to i32
      %sign3A_490 = arith.subi %sign3A_486, %sign3A_489 : i32
      %ne3A_491 = arith.cmpi ne, %sign3A_483, %sign3A_490 : i32
      %rem3A_492 = arith.remsi %add3A_460, %jit3A_475 : i32
      %ne3A_493 = arith.constant 0 : i32
      %ne3A_494 = arith.cmpi ne, %rem3A_492, %ne3A_493 : i32
      %and3A_495 = arith.andi %ne3A_491, %ne3A_494 : i1
      %sub3A_496 = arith.constant 1 : i32
      %sub3A_497 = arith.subi %div3A_476, %sub3A_496 : i32
      %select_n3A_498 = arith.select %and3A_495, %sub3A_497, %div3A_476 : i32
      %add3A_499 = arith.addi %mul3A_2, %select_n3A_498 : i32
      %rem3A_500 = arith.constant 3 : i32
      %rem3A_501 = arith.remsi %add3A_460, %rem3A_500 : i32
      %mul3A_502 = arith.constant 16 : i32
      %mul3A_503 = arith.muli %rem3A_501, %mul3A_502 : i32
      %multiple_of3A_504 = tpu.assume_multiple %mul3A_503, 16 : i32
      %dma_start3A_505 = arith.constant 4 : i32
      %dma_start3A_506 = arith.constant 0 : i32
      %dma_start3A_507 = arith.constant 0 : i32
      %dma_start3A_508 = tpu.memref_slice %arg6[%dma_start3A_505, %dma_start3A_506, %dma_start3A_507] : memref<8x16x896xf32, #tpu.memory_space<vmem>> -> memref<1x16x896xf32, #tpu.memory_space<vmem>>
      %dma_start3A_509 = tpu.memref_squeeze %dma_start3A_508 : memref<1x16x896xf32, #tpu.memory_space<vmem>> -> memref<16x896xf32, #tpu.memory_space<vmem>>
      %dma_start3A_510 = arith.constant 0 : i32
      %dma_start3A_511 = tpu.memref_slice %arg4[%add3A_499, %multiple_of3A_504, %dma_start3A_510] : memref<1024x50x1000xf32, #tpu.memory_space<hbm>> -> memref<1x16x896xf32, #tpu.memory_space<hbm>>
      %dma_start3A_512 = tpu.memref_squeeze %dma_start3A_511 : memref<1x16x896xf32, #tpu.memory_space<hbm>> -> memref<16x896xf32, #tpu.memory_space<hbm>>
      %dma_start3A_513 = arith.constant 0 : i32
      %dma_start3A_514 = tpu.memref_slice %arg4[%add3A_499, %multiple_of3A_504, %dma_start3A_513] : memref<1024x50x1000xf32, #tpu.memory_space<hbm>> -> memref<1x16x896xf32, #tpu.memory_space<hbm>>
      %dma_start3A_515 = tpu.memref_squeeze %dma_start3A_514 : memref<1x16x896xf32, #tpu.memory_space<hbm>> -> memref<16x896xf32, #tpu.memory_space<hbm>>
      %dma_start3A_516 = arith.constant 0 : i32
      %dma_start3A_517 = arith.constant 0 : i32
      %dma_start3A_518 = tpu.memref_slice %arg6[%dma_start3A_505, %dma_start3A_516, %dma_start3A_517] : memref<8x16x896xf32, #tpu.memory_space<vmem>> -> memref<1x16x896xf32, #tpu.memory_space<vmem>>
      %dma_start3A_519 = tpu.memref_squeeze %dma_start3A_518 : memref<1x16x896xf32, #tpu.memory_space<vmem>> -> memref<16x896xf32, #tpu.memory_space<vmem>>
      tpu.enqueue_dma source(%dma_start3A_519 : memref<16x896xf32, #tpu.memory_space<vmem>>) target(%dma_start3A_515 : memref<16x896xf32, #tpu.memory_space<hbm>>) target_semaphore(%arg19 : memref<!tpu.dma_semaphore, #tpu.memory_space<semaphore_mem>>)
      %add3A_520 = arith.constant 4 : i32
      %add3A_521 = arith.addi %add3A_460, %add3A_520 : i32
      %sub3A_522 = arith.constant 8 : i32
      %sub3A_523 = arith.subi %add3A_521, %sub3A_522 : i32
      %ge3A_524 = arith.constant 0 : i32
      %ge3A_525 = arith.cmpi sge, %sub3A_523, %ge3A_524 : i32
      %convert_element_type3A_526 = arith.extui %ge3A_525 : i1 to i32
      %cond3A_527 = arith.constant 0 : i32
      %cond3A_528 = arith.cmpi ne, %convert_element_type3A_526, %cond3A_527 : i32
      scf.if %cond3A_528 {
        %jit3A_773 = arith.constant 3 : i32
        %div3A_774 = arith.divsi %sub3A_523, %jit3A_773 : i32
        %sign3A_775 = arith.constant 0 : i32
        %sign3A_776 = arith.cmpi sgt, %sub3A_523, %sign3A_775 : i32
        %sign3A_777 = arith.extui %sign3A_776 : i1 to i32
        %sign3A_778 = arith.constant 0 : i32
        %sign3A_779 = arith.cmpi slt, %sub3A_523, %sign3A_778 : i32
        %sign3A_780 = arith.extui %sign3A_779 : i1 to i32
        %sign3A_781 = arith.subi %sign3A_777, %sign3A_780 : i32
        %sign3A_782 = arith.constant 0 : i32
        %sign3A_783 = arith.cmpi sgt, %jit3A_773, %sign3A_782 : i32
        %sign3A_784 = arith.extui %sign3A_783 : i1 to i32
        %sign3A_785 = arith.constant 0 : i32
        %sign3A_786 = arith.cmpi slt, %jit3A_773, %sign3A_785 : i32
        %sign3A_787 = arith.extui %sign3A_786 : i1 to i32
        %sign3A_788 = arith.subi %sign3A_784, %sign3A_787 : i32
        %ne3A_789 = arith.cmpi ne, %sign3A_781, %sign3A_788 : i32
        %rem3A_790 = arith.remsi %sub3A_523, %jit3A_773 : i32
        %ne3A_791 = arith.constant 0 : i32
        %ne3A_792 = arith.cmpi ne, %rem3A_790, %ne3A_791 : i32
        %and3A_793 = arith.andi %ne3A_789, %ne3A_792 : i1
        %sub3A_794 = arith.constant 1 : i32
        %sub3A_795 = arith.subi %div3A_774, %sub3A_794 : i32
        %select_n3A_796 = arith.select %and3A_793, %sub3A_795, %div3A_774 : i32
        %add3A_797 = arith.addi %mul3A_2, %select_n3A_796 : i32
        %rem3A_798 = arith.constant 3 : i32
        %rem3A_799 = arith.remsi %sub3A_523, %rem3A_798 : i32
        %mul3A_800 = arith.constant 16 : i32
        %mul3A_801 = arith.muli %rem3A_799, %mul3A_800 : i32
        %multiple_of3A_802 = tpu.assume_multiple %mul3A_801, 16 : i32
        %dma_wait3A_803 = arith.constant 0 : i32
        %dma_wait3A_804 = arith.constant 0 : i32
        %dma_wait3A_805 = arith.constant 0 : i32
        %dma_wait3A_806 = tpu.memref_slice %arg6[%dma_wait3A_803, %dma_wait3A_804, %dma_wait3A_805] : memref<8x16x896xf32, #tpu.memory_space<vmem>> -> memref<1x16x896xf32, #tpu.memory_space<vmem>>
        %dma_wait3A_807 = tpu.memref_squeeze %dma_wait3A_806 : memref<1x16x896xf32, #tpu.memory_space<vmem>> -> memref<16x896xf32, #tpu.memory_space<vmem>>
        %dma_wait3A_808 = arith.constant 0 : i32
        %dma_wait3A_809 = tpu.memref_slice %arg4[%add3A_797, %multiple_of3A_802, %dma_wait3A_808] : memref<1024x50x1000xf32, #tpu.memory_space<hbm>> -> memref<1x16x896xf32, #tpu.memory_space<hbm>>
        %dma_wait3A_810 = tpu.memref_squeeze %dma_wait3A_809 : memref<1x16x896xf32, #tpu.memory_space<hbm>> -> memref<16x896xf32, #tpu.memory_space<hbm>>
        %dma_wait3A_811 = arith.constant 0 : i32
        %dma_wait3A_812 = tpu.memref_slice %arg4[%add3A_797, %multiple_of3A_802, %dma_wait3A_811] : memref<1024x50x1000xf32, #tpu.memory_space<hbm>> -> memref<1x16x896xf32, #tpu.memory_space<hbm>>
        %dma_wait3A_813 = tpu.memref_squeeze %dma_wait3A_812 : memref<1x16x896xf32, #tpu.memory_space<hbm>> -> memref<16x896xf32, #tpu.memory_space<hbm>>
        %dma_wait3A_814 = arith.constant 0 : i32
        %dma_wait3A_815 = arith.constant 0 : i32
        %dma_wait3A_816 = tpu.memref_slice %arg6[%dma_wait3A_803, %dma_wait3A_814, %dma_wait3A_815] : memref<8x16x896xf32, #tpu.memory_space<vmem>> -> memref<1x16x896xf32, #tpu.memory_space<vmem>>
        %dma_wait3A_817 = tpu.memref_squeeze %dma_wait3A_816 : memref<1x16x896xf32, #tpu.memory_space<vmem>> -> memref<16x896xf32, #tpu.memory_space<vmem>>
        tpu.wait_dma2 semaphore(%arg15 : memref<!tpu.dma_semaphore, #tpu.memory_space<semaphore_mem>>) src(%dma_wait3A_817 : memref<16x896xf32, #tpu.memory_space<vmem>>) dst(%dma_wait3A_813 : memref<16x896xf32, #tpu.memory_space<hbm>>)
      } else {
      }
      %add3A_529 = arith.constant 4 : i32
      %add3A_530 = arith.addi %add3A_460, %add3A_529 : i32
      %lt3A_531 = arith.constant 96 : i32
      %lt3A_532 = arith.cmpi slt, %add3A_530, %lt3A_531 : i32
      %convert_element_type3A_533 = arith.extui %lt3A_532 : i1 to i32
      %cond3A_534 = arith.constant 0 : i32
      %cond3A_535 = arith.cmpi ne, %convert_element_type3A_533, %cond3A_534 : i32
      scf.if %cond3A_535 {
        %add3A_773 = arith.constant 4 : i32
        %add3A_774 = arith.addi %add3A_460, %add3A_773 : i32
        %mul3A_775 = arith.constant 16 : i32
        %mul3A_776 = arith.muli %add3A_774, %mul3A_775 : i32
        %multiple_of3A_777 = tpu.assume_multiple %mul3A_776, 16 : i32
        %get3A_778 = arith.index_cast %multiple_of3A_777 : i32 to index
        %get3A_779 = tpu.vector_load %arg5[%get3A_778] {strides = array<i32>} : memref<1536xi32, #tpu.memory_space<vmem>>, vector<16xi32>,
        %get3A_780 = vector.shape_cast %get3A_779 : vector<16xi32> to vector<16xi32>
        %dma_start3A_781 = arith.constant 0 : i32
        %dma_start3A_782 = arith.constant 0 : i32
        %dma_start3A_783 = arith.constant 0 : i32
        %dma_start3A_784 = tpu.memref_slice %arg6[%dma_start3A_781, %dma_start3A_782, %dma_start3A_783] : memref<8x16x896xf32, #tpu.memory_space<vmem>> -> memref<1x16x896xf32, #tpu.memory_space<vmem>>
        %dma_start3A_785 = tpu.memref_squeeze %dma_start3A_784 : memref<1x16x896xf32, #tpu.memory_space<vmem>> -> memref<16x896xf32, #tpu.memory_space<vmem>>
        %dma_start3A_786 = arith.constant 0 : i32
        %dma_start3A_787 = arith.constant 0 : i32
        %dma_start3A_788 = tpu.memref_slice %arg2[%dma_start3A_786, %dma_start3A_787] : memref<1000x896xf32, #tpu.memory_space<hbm>> -> memref<1000x896xf32, #tpu.memory_space<hbm>>
        tpu.enqueue_indirect_dma source(%dma_start3A_788 : memref<1000x896xf32, #tpu.memory_space<hbm>>) target(%dma_start3A_785 : memref<16x896xf32, #tpu.memory_space<vmem>>) offsets(%get3A_780 : vector<16xi32>) semaphore(%arg7 : memref<!tpu.dma_semaphore, #tpu.memory_space<semaphore_mem>>)
      } else {
      }
      %mul3A_536 = arith.constant 8 : i32
      %mul3A_537 = arith.muli %scan3A_151, %mul3A_536 : i32
      %add3A_538 = arith.constant 5 : i32
      %add3A_539 = arith.addi %mul3A_537, %add3A_538 : i32
      %mul3A_540 = arith.constant 16 : i32
      %mul3A_541 = arith.muli %add3A_539, %mul3A_540 : i32
      %multiple_of3A_542 = tpu.assume_multiple %mul3A_541, 16 : i32
      %get3A_543 = arith.index_cast %multiple_of3A_542 : i32 to index
      %get3A_544 = tpu.vector_load %arg5[%get3A_543] {strides = array<i32>} : memref<1536xi32, #tpu.memory_space<vmem>>, vector<16xi32>,
      %get3A_545 = vector.shape_cast %get3A_544 : vector<16xi32> to vector<16xi32>
      %dma_wait3A_546 = arith.constant 5 : i32
      %dma_wait3A_547 = arith.constant 0 : i32
      %dma_wait3A_548 = arith.constant 0 : i32
      %dma_wait3A_549 = tpu.memref_slice %arg6[%dma_wait3A_546, %dma_wait3A_547, %dma_wait3A_548] : memref<8x16x896xf32, #tpu.memory_space<vmem>> -> memref<1x16x896xf32, #tpu.memory_space<vmem>>
      %dma_wait3A_550 = tpu.memref_squeeze %dma_wait3A_549 : memref<1x16x896xf32, #tpu.memory_space<vmem>> -> memref<16x896xf32, #tpu.memory_space<vmem>>
      %dma_wait3A_551 = arith.constant 0 : i32
      %dma_wait3A_552 = arith.constant 0 : i32
      %dma_wait3A_553 = tpu.memref_slice %arg2[%dma_wait3A_551, %dma_wait3A_552] : memref<1000x896xf32, #tpu.memory_space<hbm>> -> memref<1000x896xf32, #tpu.memory_space<hbm>>
      tpu.wait_indirect_dma semaphore(%arg12 : memref<!tpu.dma_semaphore, #tpu.memory_space<semaphore_mem>>) src(%dma_wait3A_553 : memref<1000x896xf32, #tpu.memory_space<hbm>>) dst(%dma_wait3A_550 : memref<16x896xf32, #tpu.memory_space<vmem>>)
      %jit3A_554 = arith.constant 3 : i32
      %div3A_555 = arith.divsi %add3A_539, %jit3A_554 : i32
      %sign3A_556 = arith.constant 0 : i32
      %sign3A_557 = arith.cmpi sgt, %add3A_539, %sign3A_556 : i32
      %sign3A_558 = arith.extui %sign3A_557 : i1 to i32
      %sign3A_559 = arith.constant 0 : i32
      %sign3A_560 = arith.cmpi slt, %add3A_539, %sign3A_559 : i32
      %sign3A_561 = arith.extui %sign3A_560 : i1 to i32
      %sign3A_562 = arith.subi %sign3A_558, %sign3A_561 : i32
      %sign3A_563 = arith.constant 0 : i32
      %sign3A_564 = arith.cmpi sgt, %jit3A_554, %sign3A_563 : i32
      %sign3A_565 = arith.extui %sign3A_564 : i1 to i32
      %sign3A_566 = arith.constant 0 : i32
      %sign3A_567 = arith.cmpi slt, %jit3A_554, %sign3A_566 : i32
      %sign3A_568 = arith.extui %sign3A_567 : i1 to i32
      %sign3A_569 = arith.subi %sign3A_565, %sign3A_568 : i32
      %ne3A_570 = arith.cmpi ne, %sign3A_562, %sign3A_569 : i32
      %rem3A_571 = arith.remsi %add3A_539, %jit3A_554 : i32
      %ne3A_572 = arith.constant 0 : i32
      %ne3A_573 = arith.cmpi ne, %rem3A_571, %ne3A_572 : i32
      %and3A_574 = arith.andi %ne3A_570, %ne3A_573 : i1
      %sub3A_575 = arith.constant 1 : i32
      %sub3A_576 = arith.subi %div3A_555, %sub3A_575 : i32
      %select_n3A_577 = arith.select %and3A_574, %sub3A_576, %div3A_555 : i32
      %add3A_578 = arith.addi %mul3A_2, %select_n3A_577 : i32
      %rem3A_579 = arith.constant 3 : i32
      %rem3A_580 = arith.remsi %add3A_539, %rem3A_579 : i32
      %mul3A_581 = arith.constant 16 : i32
      %mul3A_582 = arith.muli %rem3A_580, %mul3A_581 : i32
      %multiple_of3A_583 = tpu.assume_multiple %mul3A_582, 16 : i32
      %dma_start3A_584 = arith.constant 5 : i32
      %dma_start3A_585 = arith.constant 0 : i32
      %dma_start3A_586 = arith.constant 0 : i32
      %dma_start3A_587 = tpu.memref_slice %arg6[%dma_start3A_584, %dma_start3A_585, %dma_start3A_586] : memref<8x16x896xf32, #tpu.memory_space<vmem>> -> memref<1x16x896xf32, #tpu.memory_space<vmem>>
      %dma_start3A_588 = tpu.memref_squeeze %dma_start3A_587 : memref<1x16x896xf32, #tpu.memory_space<vmem>> -> memref<16x896xf32, #tpu.memory_space<vmem>>
      %dma_start3A_589 = arith.constant 0 : i32
      %dma_start3A_590 = tpu.memref_slice %arg4[%add3A_578, %multiple_of3A_583, %dma_start3A_589] : memref<1024x50x1000xf32, #tpu.memory_space<hbm>> -> memref<1x16x896xf32, #tpu.memory_space<hbm>>
      %dma_start3A_591 = tpu.memref_squeeze %dma_start3A_590 : memref<1x16x896xf32, #tpu.memory_space<hbm>> -> memref<16x896xf32, #tpu.memory_space<hbm>>
      %dma_start3A_592 = arith.constant 0 : i32
      %dma_start3A_593 = tpu.memref_slice %arg4[%add3A_578, %multiple_of3A_583, %dma_start3A_592] : memref<1024x50x1000xf32, #tpu.memory_space<hbm>> -> memref<1x16x896xf32, #tpu.memory_space<hbm>>
      %dma_start3A_594 = tpu.memref_squeeze %dma_start3A_593 : memref<1x16x896xf32, #tpu.memory_space<hbm>> -> memref<16x896xf32, #tpu.memory_space<hbm>>
      %dma_start3A_595 = arith.constant 0 : i32
      %dma_start3A_596 = arith.constant 0 : i32
      %dma_start3A_597 = tpu.memref_slice %arg6[%dma_start3A_584, %dma_start3A_595, %dma_start3A_596] : memref<8x16x896xf32, #tpu.memory_space<vmem>> -> memref<1x16x896xf32, #tpu.memory_space<vmem>>
      %dma_start3A_598 = tpu.memref_squeeze %dma_start3A_597 : memref<1x16x896xf32, #tpu.memory_space<vmem>> -> memref<16x896xf32, #tpu.memory_space<vmem>>
      tpu.enqueue_dma source(%dma_start3A_598 : memref<16x896xf32, #tpu.memory_space<vmem>>) target(%dma_start3A_594 : memref<16x896xf32, #tpu.memory_space<hbm>>) target_semaphore(%arg20 : memref<!tpu.dma_semaphore, #tpu.memory_space<semaphore_mem>>)
      %add3A_599 = arith.constant 4 : i32
      %add3A_600 = arith.addi %add3A_539, %add3A_599 : i32
      %sub3A_601 = arith.constant 8 : i32
      %sub3A_602 = arith.subi %add3A_600, %sub3A_601 : i32
      %ge3A_603 = arith.constant 0 : i32
      %ge3A_604 = arith.cmpi sge, %sub3A_602, %ge3A_603 : i32
      %convert_element_type3A_605 = arith.extui %ge3A_604 : i1 to i32
      %cond3A_606 = arith.constant 0 : i32
      %cond3A_607 = arith.cmpi ne, %convert_element_type3A_605, %cond3A_606 : i32
      scf.if %cond3A_607 {
        %jit3A_773 = arith.constant 3 : i32
        %div3A_774 = arith.divsi %sub3A_602, %jit3A_773 : i32
        %sign3A_775 = arith.constant 0 : i32
        %sign3A_776 = arith.cmpi sgt, %sub3A_602, %sign3A_775 : i32
        %sign3A_777 = arith.extui %sign3A_776 : i1 to i32
        %sign3A_778 = arith.constant 0 : i32
        %sign3A_779 = arith.cmpi slt, %sub3A_602, %sign3A_778 : i32
        %sign3A_780 = arith.extui %sign3A_779 : i1 to i32
        %sign3A_781 = arith.subi %sign3A_777, %sign3A_780 : i32
        %sign3A_782 = arith.constant 0 : i32
        %sign3A_783 = arith.cmpi sgt, %jit3A_773, %sign3A_782 : i32
        %sign3A_784 = arith.extui %sign3A_783 : i1 to i32
        %sign3A_785 = arith.constant 0 : i32
        %sign3A_786 = arith.cmpi slt, %jit3A_773, %sign3A_785 : i32
        %sign3A_787 = arith.extui %sign3A_786 : i1 to i32
        %sign3A_788 = arith.subi %sign3A_784, %sign3A_787 : i32
        %ne3A_789 = arith.cmpi ne, %sign3A_781, %sign3A_788 : i32
        %rem3A_790 = arith.remsi %sub3A_602, %jit3A_773 : i32
        %ne3A_791 = arith.constant 0 : i32
        %ne3A_792 = arith.cmpi ne, %rem3A_790, %ne3A_791 : i32
        %and3A_793 = arith.andi %ne3A_789, %ne3A_792 : i1
        %sub3A_794 = arith.constant 1 : i32
        %sub3A_795 = arith.subi %div3A_774, %sub3A_794 : i32
        %select_n3A_796 = arith.select %and3A_793, %sub3A_795, %div3A_774 : i32
        %add3A_797 = arith.addi %mul3A_2, %select_n3A_796 : i32
        %rem3A_798 = arith.constant 3 : i32
        %rem3A_799 = arith.remsi %sub3A_602, %rem3A_798 : i32
        %mul3A_800 = arith.constant 16 : i32
        %mul3A_801 = arith.muli %rem3A_799, %mul3A_800 : i32
        %multiple_of3A_802 = tpu.assume_multiple %mul3A_801, 16 : i32
        %dma_wait3A_803 = arith.constant 1 : i32
        %dma_wait3A_804 = arith.constant 0 : i32
        %dma_wait3A_805 = arith.constant 0 : i32
        %dma_wait3A_806 = tpu.memref_slice %arg6[%dma_wait3A_803, %dma_wait3A_804, %dma_wait3A_805] : memref<8x16x896xf32, #tpu.memory_space<vmem>> -> memref<1x16x896xf32, #tpu.memory_space<vmem>>
        %dma_wait3A_807 = tpu.memref_squeeze %dma_wait3A_806 : memref<1x16x896xf32, #tpu.memory_space<vmem>> -> memref<16x896xf32, #tpu.memory_space<vmem>>
        %dma_wait3A_808 = arith.constant 0 : i32
        %dma_wait3A_809 = tpu.memref_slice %arg4[%add3A_797, %multiple_of3A_802, %dma_wait3A_808] : memref<1024x50x1000xf32, #tpu.memory_space<hbm>> -> memref<1x16x896xf32, #tpu.memory_space<hbm>>
        %dma_wait3A_810 = tpu.memref_squeeze %dma_wait3A_809 : memref<1x16x896xf32, #tpu.memory_space<hbm>> -> memref<16x896xf32, #tpu.memory_space<hbm>>
        %dma_wait3A_811 = arith.constant 0 : i32
        %dma_wait3A_812 = tpu.memref_slice %arg4[%add3A_797, %multiple_of3A_802, %dma_wait3A_811] : memref<1024x50x1000xf32, #tpu.memory_space<hbm>> -> memref<1x16x896xf32, #tpu.memory_space<hbm>>
        %dma_wait3A_813 = tpu.memref_squeeze %dma_wait3A_812 : memref<1x16x896xf32, #tpu.memory_space<hbm>> -> memref<16x896xf32, #tpu.memory_space<hbm>>
        %dma_wait3A_814 = arith.constant 0 : i32
        %dma_wait3A_815 = arith.constant 0 : i32
        %dma_wait3A_816 = tpu.memref_slice %arg6[%dma_wait3A_803, %dma_wait3A_814, %dma_wait3A_815] : memref<8x16x896xf32, #tpu.memory_space<vmem>> -> memref<1x16x896xf32, #tpu.memory_space<vmem>>
        %dma_wait3A_817 = tpu.memref_squeeze %dma_wait3A_816 : memref<1x16x896xf32, #tpu.memory_space<vmem>> -> memref<16x896xf32, #tpu.memory_space<vmem>>
        tpu.wait_dma2 semaphore(%arg16 : memref<!tpu.dma_semaphore, #tpu.memory_space<semaphore_mem>>) src(%dma_wait3A_817 : memref<16x896xf32, #tpu.memory_space<vmem>>) dst(%dma_wait3A_813 : memref<16x896xf32, #tpu.memory_space<hbm>>)
      } else {
      }
      %add3A_608 = arith.constant 4 : i32
      %add3A_609 = arith.addi %add3A_539, %add3A_608 : i32
      %lt3A_610 = arith.constant 96 : i32
      %lt3A_611 = arith.cmpi slt, %add3A_609, %lt3A_610 : i32
      %convert_element_type3A_612 = arith.extui %lt3A_611 : i1 to i32
      %cond3A_613 = arith.constant 0 : i32
      %cond3A_614 = arith.cmpi ne, %convert_element_type3A_612, %cond3A_613 : i32
      scf.if %cond3A_614 {
        %add3A_773 = arith.constant 4 : i32
        %add3A_774 = arith.addi %add3A_539, %add3A_773 : i32
        %mul3A_775 = arith.constant 16 : i32
        %mul3A_776 = arith.muli %add3A_774, %mul3A_775 : i32
        %multiple_of3A_777 = tpu.assume_multiple %mul3A_776, 16 : i32
        %get3A_778 = arith.index_cast %multiple_of3A_777 : i32 to index
        %get3A_779 = tpu.vector_load %arg5[%get3A_778] {strides = array<i32>} : memref<1536xi32, #tpu.memory_space<vmem>>, vector<16xi32>,
        %get3A_780 = vector.shape_cast %get3A_779 : vector<16xi32> to vector<16xi32>
        %dma_start3A_781 = arith.constant 1 : i32
        %dma_start3A_782 = arith.constant 0 : i32
        %dma_start3A_783 = arith.constant 0 : i32
        %dma_start3A_784 = tpu.memref_slice %arg6[%dma_start3A_781, %dma_start3A_782, %dma_start3A_783] : memref<8x16x896xf32, #tpu.memory_space<vmem>> -> memref<1x16x896xf32, #tpu.memory_space<vmem>>
        %dma_start3A_785 = tpu.memref_squeeze %dma_start3A_784 : memref<1x16x896xf32, #tpu.memory_space<vmem>> -> memref<16x896xf32, #tpu.memory_space<vmem>>
        %dma_start3A_786 = arith.constant 0 : i32
        %dma_start3A_787 = arith.constant 0 : i32
        %dma_start3A_788 = tpu.memref_slice %arg2[%dma_start3A_786, %dma_start3A_787] : memref<1000x896xf32, #tpu.memory_space<hbm>> -> memref<1000x896xf32, #tpu.memory_space<hbm>>
        tpu.enqueue_indirect_dma source(%dma_start3A_788 : memref<1000x896xf32, #tpu.memory_space<hbm>>) target(%dma_start3A_785 : memref<16x896xf32, #tpu.memory_space<vmem>>) offsets(%get3A_780 : vector<16xi32>) semaphore(%arg8 : memref<!tpu.dma_semaphore, #tpu.memory_space<semaphore_mem>>)
      } else {
      }
      %mul3A_615 = arith.constant 8 : i32
      %mul3A_616 = arith.muli %scan3A_151, %mul3A_615 : i32
      %add3A_617 = arith.constant 6 : i32
      %add3A_618 = arith.addi %mul3A_616, %add3A_617 : i32
      %mul3A_619 = arith.constant 16 : i32
      %mul3A_620 = arith.muli %add3A_618, %mul3A_619 : i32
      %multiple_of3A_621 = tpu.assume_multiple %mul3A_620, 16 : i32
      %get3A_622 = arith.index_cast %multiple_of3A_621 : i32 to index
      %get3A_623 = tpu.vector_load %arg5[%get3A_622] {strides = array<i32>} : memref<1536xi32, #tpu.memory_space<vmem>>, vector<16xi32>,
      %get3A_624 = vector.shape_cast %get3A_623 : vector<16xi32> to vector<16xi32>
      %dma_wait3A_625 = arith.constant 6 : i32
      %dma_wait3A_626 = arith.constant 0 : i32
      %dma_wait3A_627 = arith.constant 0 : i32
      %dma_wait3A_628 = tpu.memref_slice %arg6[%dma_wait3A_625, %dma_wait3A_626, %dma_wait3A_627] : memref<8x16x896xf32, #tpu.memory_space<vmem>> -> memref<1x16x896xf32, #tpu.memory_space<vmem>>
      %dma_wait3A_629 = tpu.memref_squeeze %dma_wait3A_628 : memref<1x16x896xf32, #tpu.memory_space<vmem>> -> memref<16x896xf32, #tpu.memory_space<vmem>>
      %dma_wait3A_630 = arith.constant 0 : i32
      %dma_wait3A_631 = arith.constant 0 : i32
      %dma_wait3A_632 = tpu.memref_slice %arg2[%dma_wait3A_630, %dma_wait3A_631] : memref<1000x896xf32, #tpu.memory_space<hbm>> -> memref<1000x896xf32, #tpu.memory_space<hbm>>
      tpu.wait_indirect_dma semaphore(%arg13 : memref<!tpu.dma_semaphore, #tpu.memory_space<semaphore_mem>>) src(%dma_wait3A_632 : memref<1000x896xf32, #tpu.memory_space<hbm>>) dst(%dma_wait3A_629 : memref<16x896xf32, #tpu.memory_space<vmem>>)
      %jit3A_633 = arith.constant 3 : i32
      %div3A_634 = arith.divsi %add3A_618, %jit3A_633 : i32
      %sign3A_635 = arith.constant 0 : i32
      %sign3A_636 = arith.cmpi sgt, %add3A_618, %sign3A_635 : i32
      %sign3A_637 = arith.extui %sign3A_636 : i1 to i32
      %sign3A_638 = arith.constant 0 : i32
      %sign3A_639 = arith.cmpi slt, %add3A_618, %sign3A_638 : i32
      %sign3A_640 = arith.extui %sign3A_639 : i1 to i32
      %sign3A_641 = arith.subi %sign3A_637, %sign3A_640 : i32
      %sign3A_642 = arith.constant 0 : i32
      %sign3A_643 = arith.cmpi sgt, %jit3A_633, %sign3A_642 : i32
      %sign3A_644 = arith.extui %sign3A_643 : i1 to i32
      %sign3A_645 = arith.constant 0 : i32
      %sign3A_646 = arith.cmpi slt, %jit3A_633, %sign3A_645 : i32
      %sign3A_647 = arith.extui %sign3A_646 : i1 to i32
      %sign3A_648 = arith.subi %sign3A_644, %sign3A_647 : i32
      %ne3A_649 = arith.cmpi ne, %sign3A_641, %sign3A_648 : i32
      %rem3A_650 = arith.remsi %add3A_618, %jit3A_633 : i32
      %ne3A_651 = arith.constant 0 : i32
      %ne3A_652 = arith.cmpi ne, %rem3A_650, %ne3A_651 : i32
      %and3A_653 = arith.andi %ne3A_649, %ne3A_652 : i1
      %sub3A_654 = arith.constant 1 : i32
      %sub3A_655 = arith.subi %div3A_634, %sub3A_654 : i32
      %select_n3A_656 = arith.select %and3A_653, %sub3A_655, %div3A_634 : i32
      %add3A_657 = arith.addi %mul3A_2, %select_n3A_656 : i32
      %rem3A_658 = arith.constant 3 : i32
      %rem3A_659 = arith.remsi %add3A_618, %rem3A_658 : i32
      %mul3A_660 = arith.constant 16 : i32
      %mul3A_661 = arith.muli %rem3A_659, %mul3A_660 : i32
      %multiple_of3A_662 = tpu.assume_multiple %mul3A_661, 16 : i32
      %dma_start3A_663 = arith.constant 6 : i32
      %dma_start3A_664 = arith.constant 0 : i32
      %dma_start3A_665 = arith.constant 0 : i32
      %dma_start3A_666 = tpu.memref_slice %arg6[%dma_start3A_663, %dma_start3A_664, %dma_start3A_665] : memref<8x16x896xf32, #tpu.memory_space<vmem>> -> memref<1x16x896xf32, #tpu.memory_space<vmem>>
      %dma_start3A_667 = tpu.memref_squeeze %dma_start3A_666 : memref<1x16x896xf32, #tpu.memory_space<vmem>> -> memref<16x896xf32, #tpu.memory_space<vmem>>
      %dma_start3A_668 = arith.constant 0 : i32
      %dma_start3A_669 = tpu.memref_slice %arg4[%add3A_657, %multiple_of3A_662, %dma_start3A_668] : memref<1024x50x1000xf32, #tpu.memory_space<hbm>> -> memref<1x16x896xf32, #tpu.memory_space<hbm>>
      %dma_start3A_670 = tpu.memref_squeeze %dma_start3A_669 : memref<1x16x896xf32, #tpu.memory_space<hbm>> -> memref<16x896xf32, #tpu.memory_space<hbm>>
      %dma_start3A_671 = arith.constant 0 : i32
      %dma_start3A_672 = tpu.memref_slice %arg4[%add3A_657, %multiple_of3A_662, %dma_start3A_671] : memref<1024x50x1000xf32, #tpu.memory_space<hbm>> -> memref<1x16x896xf32, #tpu.memory_space<hbm>>
      %dma_start3A_673 = tpu.memref_squeeze %dma_start3A_672 : memref<1x16x896xf32, #tpu.memory_space<hbm>> -> memref<16x896xf32, #tpu.memory_space<hbm>>
      %dma_start3A_674 = arith.constant 0 : i32
      %dma_start3A_675 = arith.constant 0 : i32
      %dma_start3A_676 = tpu.memref_slice %arg6[%dma_start3A_663, %dma_start3A_674, %dma_start3A_675] : memref<8x16x896xf32, #tpu.memory_space<vmem>> -> memref<1x16x896xf32, #tpu.memory_space<vmem>>
      %dma_start3A_677 = tpu.memref_squeeze %dma_start3A_676 : memref<1x16x896xf32, #tpu.memory_space<vmem>> -> memref<16x896xf32, #tpu.memory_space<vmem>>
      tpu.enqueue_dma source(%dma_start3A_677 : memref<16x896xf32, #tpu.memory_space<vmem>>) target(%dma_start3A_673 : memref<16x896xf32, #tpu.memory_space<hbm>>) target_semaphore(%arg21 : memref<!tpu.dma_semaphore, #tpu.memory_space<semaphore_mem>>)
      %add3A_678 = arith.constant 4 : i32
      %add3A_679 = arith.addi %add3A_618, %add3A_678 : i32
      %sub3A_680 = arith.constant 8 : i32
      %sub3A_681 = arith.subi %add3A_679, %sub3A_680 : i32
      %ge3A_682 = arith.constant 0 : i32
      %ge3A_683 = arith.cmpi sge, %sub3A_681, %ge3A_682 : i32
      %convert_element_type3A_684 = arith.extui %ge3A_683 : i1 to i32
      %cond3A_685 = arith.constant 0 : i32
      %cond3A_686 = arith.cmpi ne, %convert_element_type3A_684, %cond3A_685 : i32
      scf.if %cond3A_686 {
        %jit3A_773 = arith.constant 3 : i32
        %div3A_774 = arith.divsi %sub3A_681, %jit3A_773 : i32
        %sign3A_775 = arith.constant 0 : i32
        %sign3A_776 = arith.cmpi sgt, %sub3A_681, %sign3A_775 : i32
        %sign3A_777 = arith.extui %sign3A_776 : i1 to i32
        %sign3A_778 = arith.constant 0 : i32
        %sign3A_779 = arith.cmpi slt, %sub3A_681, %sign3A_778 : i32
        %sign3A_780 = arith.extui %sign3A_779 : i1 to i32
        %sign3A_781 = arith.subi %sign3A_777, %sign3A_780 : i32
        %sign3A_782 = arith.constant 0 : i32
        %sign3A_783 = arith.cmpi sgt, %jit3A_773, %sign3A_782 : i32
        %sign3A_784 = arith.extui %sign3A_783 : i1 to i32
        %sign3A_785 = arith.constant 0 : i32
        %sign3A_786 = arith.cmpi slt, %jit3A_773, %sign3A_785 : i32
        %sign3A_787 = arith.extui %sign3A_786 : i1 to i32
        %sign3A_788 = arith.subi %sign3A_784, %sign3A_787 : i32
        %ne3A_789 = arith.cmpi ne, %sign3A_781, %sign3A_788 : i32
        %rem3A_790 = arith.remsi %sub3A_681, %jit3A_773 : i32
        %ne3A_791 = arith.constant 0 : i32
        %ne3A_792 = arith.cmpi ne, %rem3A_790, %ne3A_791 : i32
        %and3A_793 = arith.andi %ne3A_789, %ne3A_792 : i1
        %sub3A_794 = arith.constant 1 : i32
        %sub3A_795 = arith.subi %div3A_774, %sub3A_794 : i32
        %select_n3A_796 = arith.select %and3A_793, %sub3A_795, %div3A_774 : i32
        %add3A_797 = arith.addi %mul3A_2, %select_n3A_796 : i32
        %rem3A_798 = arith.constant 3 : i32
        %rem3A_799 = arith.remsi %sub3A_681, %rem3A_798 : i32
        %mul3A_800 = arith.constant 16 : i32
        %mul3A_801 = arith.muli %rem3A_799, %mul3A_800 : i32
        %multiple_of3A_802 = tpu.assume_multiple %mul3A_801, 16 : i32
        %dma_wait3A_803 = arith.constant 2 : i32
        %dma_wait3A_804 = arith.constant 0 : i32
        %dma_wait3A_805 = arith.constant 0 : i32
        %dma_wait3A_806 = tpu.memref_slice %arg6[%dma_wait3A_803, %dma_wait3A_804, %dma_wait3A_805] : memref<8x16x896xf32, #tpu.memory_space<vmem>> -> memref<1x16x896xf32, #tpu.memory_space<vmem>>
        %dma_wait3A_807 = tpu.memref_squeeze %dma_wait3A_806 : memref<1x16x896xf32, #tpu.memory_space<vmem>> -> memref<16x896xf32, #tpu.memory_space<vmem>>
        %dma_wait3A_808 = arith.constant 0 : i32
        %dma_wait3A_809 = tpu.memref_slice %arg4[%add3A_797, %multiple_of3A_802, %dma_wait3A_808] : memref<1024x50x1000xf32, #tpu.memory_space<hbm>> -> memref<1x16x896xf32, #tpu.memory_space<hbm>>
        %dma_wait3A_810 = tpu.memref_squeeze %dma_wait3A_809 : memref<1x16x896xf32, #tpu.memory_space<hbm>> -> memref<16x896xf32, #tpu.memory_space<hbm>>
        %dma_wait3A_811 = arith.constant 0 : i32
        %dma_wait3A_812 = tpu.memref_slice %arg4[%add3A_797, %multiple_of3A_802, %dma_wait3A_811] : memref<1024x50x1000xf32, #tpu.memory_space<hbm>> -> memref<1x16x896xf32, #tpu.memory_space<hbm>>
        %dma_wait3A_813 = tpu.memref_squeeze %dma_wait3A_812 : memref<1x16x896xf32, #tpu.memory_space<hbm>> -> memref<16x896xf32, #tpu.memory_space<hbm>>
        %dma_wait3A_814 = arith.constant 0 : i32
        %dma_wait3A_815 = arith.constant 0 : i32
        %dma_wait3A_816 = tpu.memref_slice %arg6[%dma_wait3A_803, %dma_wait3A_814, %dma_wait3A_815] : memref<8x16x896xf32, #tpu.memory_space<vmem>> -> memref<1x16x896xf32, #tpu.memory_space<vmem>>
        %dma_wait3A_817 = tpu.memref_squeeze %dma_wait3A_816 : memref<1x16x896xf32, #tpu.memory_space<vmem>> -> memref<16x896xf32, #tpu.memory_space<vmem>>
        tpu.wait_dma2 semaphore(%arg17 : memref<!tpu.dma_semaphore, #tpu.memory_space<semaphore_mem>>) src(%dma_wait3A_817 : memref<16x896xf32, #tpu.memory_space<vmem>>) dst(%dma_wait3A_813 : memref<16x896xf32, #tpu.memory_space<hbm>>)
      } else {
      }
      %add3A_687 = arith.constant 4 : i32
      %add3A_688 = arith.addi %add3A_618, %add3A_687 : i32
      %lt3A_689 = arith.constant 96 : i32
      %lt3A_690 = arith.cmpi slt, %add3A_688, %lt3A_689 : i32
      %convert_element_type3A_691 = arith.extui %lt3A_690 : i1 to i32
      %cond3A_692 = arith.constant 0 : i32
      %cond3A_693 = arith.cmpi ne, %convert_element_type3A_691, %cond3A_692 : i32
      scf.if %cond3A_693 {
        %add3A_773 = arith.constant 4 : i32
        %add3A_774 = arith.addi %add3A_618, %add3A_773 : i32
        %mul3A_775 = arith.constant 16 : i32
        %mul3A_776 = arith.muli %add3A_774, %mul3A_775 : i32
        %multiple_of3A_777 = tpu.assume_multiple %mul3A_776, 16 : i32
        %get3A_778 = arith.index_cast %multiple_of3A_777 : i32 to index
        %get3A_779 = tpu.vector_load %arg5[%get3A_778] {strides = array<i32>} : memref<1536xi32, #tpu.memory_space<vmem>>, vector<16xi32>,
        %get3A_780 = vector.shape_cast %get3A_779 : vector<16xi32> to vector<16xi32>
        %dma_start3A_781 = arith.constant 2 : i32
        %dma_start3A_782 = arith.constant 0 : i32
        %dma_start3A_783 = arith.constant 0 : i32
        %dma_start3A_784 = tpu.memref_slice %arg6[%dma_start3A_781, %dma_start3A_782, %dma_start3A_783] : memref<8x16x896xf32, #tpu.memory_space<vmem>> -> memref<1x16x896xf32, #tpu.memory_space<vmem>>
        %dma_start3A_785 = tpu.memref_squeeze %dma_start3A_784 : memref<1x16x896xf32, #tpu.memory_space<vmem>> -> memref<16x896xf32, #tpu.memory_space<vmem>>
        %dma_start3A_786 = arith.constant 0 : i32
        %dma_start3A_787 = arith.constant 0 : i32
        %dma_start3A_788 = tpu.memref_slice %arg2[%dma_start3A_786, %dma_start3A_787] : memref<1000x896xf32, #tpu.memory_space<hbm>> -> memref<1000x896xf32, #tpu.memory_space<hbm>>
        tpu.enqueue_indirect_dma source(%dma_start3A_788 : memref<1000x896xf32, #tpu.memory_space<hbm>>) target(%dma_start3A_785 : memref<16x896xf32, #tpu.memory_space<vmem>>) offsets(%get3A_780 : vector<16xi32>) semaphore(%arg9 : memref<!tpu.dma_semaphore, #tpu.memory_space<semaphore_mem>>)
      } else {
      }
      %mul3A_694 = arith.constant 8 : i32
      %mul3A_695 = arith.muli %scan3A_151, %mul3A_694 : i32
      %add3A_696 = arith.constant 7 : i32
      %add3A_697 = arith.addi %mul3A_695, %add3A_696 : i32
      %mul3A_698 = arith.constant 16 : i32
      %mul3A_699 = arith.muli %add3A_697, %mul3A_698 : i32
      %multiple_of3A_700 = tpu.assume_multiple %mul3A_699, 16 : i32
      %get3A_701 = arith.index_cast %multiple_of3A_700 : i32 to index
      %get3A_702 = tpu.vector_load %arg5[%get3A_701] {strides = array<i32>} : memref<1536xi32, #tpu.memory_space<vmem>>, vector<16xi32>,
      %get3A_703 = vector.shape_cast %get3A_702 : vector<16xi32> to vector<16xi32>
      %dma_wait3A_704 = arith.constant 7 : i32
      %dma_wait3A_705 = arith.constant 0 : i32
      %dma_wait3A_706 = arith.constant 0 : i32
      %dma_wait3A_707 = tpu.memref_slice %arg6[%dma_wait3A_704, %dma_wait3A_705, %dma_wait3A_706] : memref<8x16x896xf32, #tpu.memory_space<vmem>> -> memref<1x16x896xf32, #tpu.memory_space<vmem>>
      %dma_wait3A_708 = tpu.memref_squeeze %dma_wait3A_707 : memref<1x16x896xf32, #tpu.memory_space<vmem>> -> memref<16x896xf32, #tpu.memory_space<vmem>>
      %dma_wait3A_709 = arith.constant 0 : i32
      %dma_wait3A_710 = arith.constant 0 : i32
      %dma_wait3A_711 = tpu.memref_slice %arg2[%dma_wait3A_709, %dma_wait3A_710] : memref<1000x896xf32, #tpu.memory_space<hbm>> -> memref<1000x896xf32, #tpu.memory_space<hbm>>
      tpu.wait_indirect_dma semaphore(%arg14 : memref<!tpu.dma_semaphore, #tpu.memory_space<semaphore_mem>>) src(%dma_wait3A_711 : memref<1000x896xf32, #tpu.memory_space<hbm>>) dst(%dma_wait3A_708 : memref<16x896xf32, #tpu.memory_space<vmem>>)
      %jit3A_712 = arith.constant 3 : i32
      %div3A_713 = arith.divsi %add3A_697, %jit3A_712 : i32
      %sign3A_714 = arith.constant 0 : i32
      %sign3A_715 = arith.cmpi sgt, %add3A_697, %sign3A_714 : i32
      %sign3A_716 = arith.extui %sign3A_715 : i1 to i32
      %sign3A_717 = arith.constant 0 : i32
      %sign3A_718 = arith.cmpi slt, %add3A_697, %sign3A_717 : i32
      %sign3A_719 = arith.extui %sign3A_718 : i1 to i32
      %sign3A_720 = arith.subi %sign3A_716, %sign3A_719 : i32
      %sign3A_721 = arith.constant 0 : i32
      %sign3A_722 = arith.cmpi sgt, %jit3A_712, %sign3A_721 : i32
      %sign3A_723 = arith.extui %sign3A_722 : i1 to i32
      %sign3A_724 = arith.constant 0 : i32
      %sign3A_725 = arith.cmpi slt, %jit3A_712, %sign3A_724 : i32
      %sign3A_726 = arith.extui %sign3A_725 : i1 to i32
      %sign3A_727 = arith.subi %sign3A_723, %sign3A_726 : i32
      %ne3A_728 = arith.cmpi ne, %sign3A_720, %sign3A_727 : i32
      %rem3A_729 = arith.remsi %add3A_697, %jit3A_712 : i32
      %ne3A_730 = arith.constant 0 : i32
      %ne3A_731 = arith.cmpi ne, %rem3A_729, %ne3A_730 : i32
      %and3A_732 = arith.andi %ne3A_728, %ne3A_731 : i1
      %sub3A_733 = arith.constant 1 : i32
      %sub3A_734 = arith.subi %div3A_713, %sub3A_733 : i32
      %select_n3A_735 = arith.select %and3A_732, %sub3A_734, %div3A_713 : i32
      %add3A_736 = arith.addi %mul3A_2, %select_n3A_735 : i32
      %rem3A_737 = arith.constant 3 : i32
      %rem3A_738 = arith.remsi %add3A_697, %rem3A_737 : i32
      %mul3A_739 = arith.constant 16 : i32
      %mul3A_740 = arith.muli %rem3A_738, %mul3A_739 : i32
      %multiple_of3A_741 = tpu.assume_multiple %mul3A_740, 16 : i32
      %dma_start3A_742 = arith.constant 7 : i32
      %dma_start3A_743 = arith.constant 0 : i32
      %dma_start3A_744 = arith.constant 0 : i32
      %dma_start3A_745 = tpu.memref_slice %arg6[%dma_start3A_742, %dma_start3A_743, %dma_start3A_744] : memref<8x16x896xf32, #tpu.memory_space<vmem>> -> memref<1x16x896xf32, #tpu.memory_space<vmem>>
      %dma_start3A_746 = tpu.memref_squeeze %dma_start3A_745 : memref<1x16x896xf32, #tpu.memory_space<vmem>> -> memref<16x896xf32, #tpu.memory_space<vmem>>
      %dma_start3A_747 = arith.constant 0 : i32
      %dma_start3A_748 = tpu.memref_slice %arg4[%add3A_736, %multiple_of3A_741, %dma_start3A_747] : memref<1024x50x1000xf32, #tpu.memory_space<hbm>> -> memref<1x16x896xf32, #tpu.memory_space<hbm>>
      %dma_start3A_749 = tpu.memref_squeeze %dma_start3A_748 : memref<1x16x896xf32, #tpu.memory_space<hbm>> -> memref<16x896xf32, #tpu.memory_space<hbm>>
      %dma_start3A_750 = arith.constant 0 : i32
      %dma_start3A_751 = tpu.memref_slice %arg4[%add3A_736, %multiple_of3A_741, %dma_start3A_750] : memref<1024x50x1000xf32, #tpu.memory_space<hbm>> -> memref<1x16x896xf32, #tpu.memory_space<hbm>>
      %dma_start3A_752 = tpu.memref_squeeze %dma_start3A_751 : memref<1x16x896xf32, #tpu.memory_space<hbm>> -> memref<16x896xf32, #tpu.memory_space<hbm>>
      %dma_start3A_753 = arith.constant 0 : i32
      %dma_start3A_754 = arith.constant 0 : i32
      %dma_start3A_755 = tpu.memref_slice %arg6[%dma_start3A_742, %dma_start3A_753, %dma_start3A_754] : memref<8x16x896xf32, #tpu.memory_space<vmem>> -> memref<1x16x896xf32, #tpu.memory_space<vmem>>
      %dma_start3A_756 = tpu.memref_squeeze %dma_start3A_755 : memref<1x16x896xf32, #tpu.memory_space<vmem>> -> memref<16x896xf32, #tpu.memory_space<vmem>>
      tpu.enqueue_dma source(%dma_start3A_756 : memref<16x896xf32, #tpu.memory_space<vmem>>) target(%dma_start3A_752 : memref<16x896xf32, #tpu.memory_space<hbm>>) target_semaphore(%arg22 : memref<!tpu.dma_semaphore, #tpu.memory_space<semaphore_mem>>)
      %add3A_757 = arith.constant 4 : i32
      %add3A_758 = arith.addi %add3A_697, %add3A_757 : i32
      %sub3A_759 = arith.constant 8 : i32
      %sub3A_760 = arith.subi %add3A_758, %sub3A_759 : i32
      %ge3A_761 = arith.constant 0 : i32
      %ge3A_762 = arith.cmpi sge, %sub3A_760, %ge3A_761 : i32
      %convert_element_type3A_763 = arith.extui %ge3A_762 : i1 to i32
      %cond3A_764 = arith.constant 0 : i32
      %cond3A_765 = arith.cmpi ne, %convert_element_type3A_763, %cond3A_764 : i32
      scf.if %cond3A_765 {
        %jit3A_773 = arith.constant 3 : i32
        %div3A_774 = arith.divsi %sub3A_760, %jit3A_773 : i32
        %sign3A_775 = arith.constant 0 : i32
        %sign3A_776 = arith.cmpi sgt, %sub3A_760, %sign3A_775 : i32
        %sign3A_777 = arith.extui %sign3A_776 : i1 to i32
        %sign3A_778 = arith.constant 0 : i32
        %sign3A_779 = arith.cmpi slt, %sub3A_760, %sign3A_778 : i32
        %sign3A_780 = arith.extui %sign3A_779 : i1 to i32
        %sign3A_781 = arith.subi %sign3A_777, %sign3A_780 : i32
        %sign3A_782 = arith.constant 0 : i32
        %sign3A_783 = arith.cmpi sgt, %jit3A_773, %sign3A_782 : i32
        %sign3A_784 = arith.extui %sign3A_783 : i1 to i32
        %sign3A_785 = arith.constant 0 : i32
        %sign3A_786 = arith.cmpi slt, %jit3A_773, %sign3A_785 : i32
        %sign3A_787 = arith.extui %sign3A_786 : i1 to i32
        %sign3A_788 = arith.subi %sign3A_784, %sign3A_787 : i32
        %ne3A_789 = arith.cmpi ne, %sign3A_781, %sign3A_788 : i32
        %rem3A_790 = arith.remsi %sub3A_760, %jit3A_773 : i32
        %ne3A_791 = arith.constant 0 : i32
        %ne3A_792 = arith.cmpi ne, %rem3A_790, %ne3A_791 : i32
        %and3A_793 = arith.andi %ne3A_789, %ne3A_792 : i1
        %sub3A_794 = arith.constant 1 : i32
        %sub3A_795 = arith.subi %div3A_774, %sub3A_794 : i32
        %select_n3A_796 = arith.select %and3A_793, %sub3A_795, %div3A_774 : i32
        %add3A_797 = arith.addi %mul3A_2, %select_n3A_796 : i32
        %rem3A_798 = arith.constant 3 : i32
        %rem3A_799 = arith.remsi %sub3A_760, %rem3A_798 : i32
        %mul3A_800 = arith.constant 16 : i32
        %mul3A_801 = arith.muli %rem3A_799, %mul3A_800 : i32
        %multiple_of3A_802 = tpu.assume_multiple %mul3A_801, 16 : i32
        %dma_wait3A_803 = arith.constant 3 : i32
        %dma_wait3A_804 = arith.constant 0 : i32
        %dma_wait3A_805 = arith.constant 0 : i32
        %dma_wait3A_806 = tpu.memref_slice %arg6[%dma_wait3A_803, %dma_wait3A_804, %dma_wait3A_805] : memref<8x16x896xf32, #tpu.memory_space<vmem>> -> memref<1x16x896xf32, #tpu.memory_space<vmem>>
        %dma_wait3A_807 = tpu.memref_squeeze %dma_wait3A_806 : memref<1x16x896xf32, #tpu.memory_space<vmem>> -> memref<16x896xf32, #tpu.memory_space<vmem>>
        %dma_wait3A_808 = arith.constant 0 : i32
        %dma_wait3A_809 = tpu.memref_slice %arg4[%add3A_797, %multiple_of3A_802, %dma_wait3A_808] : memref<1024x50x1000xf32, #tpu.memory_space<hbm>> -> memref<1x16x896xf32, #tpu.memory_space<hbm>>
        %dma_wait3A_810 = tpu.memref_squeeze %dma_wait3A_809 : memref<1x16x896xf32, #tpu.memory_space<hbm>> -> memref<16x896xf32, #tpu.memory_space<hbm>>
        %dma_wait3A_811 = arith.constant 0 : i32
        %dma_wait3A_812 = tpu.memref_slice %arg4[%add3A_797, %multiple_of3A_802, %dma_wait3A_811] : memref<1024x50x1000xf32, #tpu.memory_space<hbm>> -> memref<1x16x896xf32, #tpu.memory_space<hbm>>
        %dma_wait3A_813 = tpu.memref_squeeze %dma_wait3A_812 : memref<1x16x896xf32, #tpu.memory_space<hbm>> -> memref<16x896xf32, #tpu.memory_space<hbm>>
        %dma_wait3A_814 = arith.constant 0 : i32
        %dma_wait3A_815 = arith.constant 0 : i32
        %dma_wait3A_816 = tpu.memref_slice %arg6[%dma_wait3A_803, %dma_wait3A_814, %dma_wait3A_815] : memref<8x16x896xf32, #tpu.memory_space<vmem>> -> memref<1x16x896xf32, #tpu.memory_space<vmem>>
        %dma_wait3A_817 = tpu.memref_squeeze %dma_wait3A_816 : memref<1x16x896xf32, #tpu.memory_space<vmem>> -> memref<16x896xf32, #tpu.memory_space<vmem>>
        tpu.wait_dma2 semaphore(%arg18 : memref<!tpu.dma_semaphore, #tpu.memory_space<semaphore_mem>>) src(%dma_wait3A_817 : memref<16x896xf32, #tpu.memory_space<vmem>>) dst(%dma_wait3A_813 : memref<16x896xf32, #tpu.memory_space<hbm>>)
      } else {
      }
      %add3A_766 = arith.constant 4 : i32
      %add3A_767 = arith.addi %add3A_697, %add3A_766 : i32
      %lt3A_768 = arith.constant 96 : i32
      %lt3A_769 = arith.cmpi slt, %add3A_767, %lt3A_768 : i32
      %convert_element_type3A_770 = arith.extui %lt3A_769 : i1 to i32
      %cond3A_771 = arith.constant 0 : i32
      %cond3A_772 = arith.cmpi ne, %convert_element_type3A_770, %cond3A_771 : i32
      scf.if %cond3A_772 {
        %add3A_773 = arith.constant 4 : i32
        %add3A_774 = arith.addi %add3A_697, %add3A_773 : i32
        %mul3A_775 = arith.constant 16 : i32
        %mul3A_776 = arith.muli %add3A_774, %mul3A_775 : i32
        %multiple_of3A_777 = tpu.assume_multiple %mul3A_776, 16 : i32
        %get3A_778 = arith.index_cast %multiple_of3A_777 : i32 to index
        %get3A_779 = tpu.vector_load %arg5[%get3A_778] {strides = array<i32>} : memref<1536xi32, #tpu.memory_space<vmem>>, vector<16xi32>,
        %get3A_780 = vector.shape_cast %get3A_779 : vector<16xi32> to vector<16xi32>
        %dma_start3A_781 = arith.constant 3 : i32
        %dma_start3A_782 = arith.constant 0 : i32
        %dma_start3A_783 = arith.constant 0 : i32
        %dma_start3A_784 = tpu.memref_slice %arg6[%dma_start3A_781, %dma_start3A_782, %dma_start3A_783] : memref<8x16x896xf32, #tpu.memory_space<vmem>> -> memref<1x16x896xf32, #tpu.memory_space<vmem>>
        %dma_start3A_785 = tpu.memref_squeeze %dma_start3A_784 : memref<1x16x896xf32, #tpu.memory_space<vmem>> -> memref<16x896xf32, #tpu.memory_space<vmem>>
        %dma_start3A_786 = arith.constant 0 : i32
        %dma_start3A_787 = arith.constant 0 : i32
        %dma_start3A_788 = tpu.memref_slice %arg2[%dma_start3A_786, %dma_start3A_787] : memref<1000x896xf32, #tpu.memory_space<hbm>> -> memref<1000x896xf32, #tpu.memory_space<hbm>>
        tpu.enqueue_indirect_dma source(%dma_start3A_788 : memref<1000x896xf32, #tpu.memory_space<hbm>>) target(%dma_start3A_785 : memref<16x896xf32, #tpu.memory_space<vmem>>) offsets(%get3A_780 : vector<16xi32>) semaphore(%arg10 : memref<!tpu.dma_semaphore, #tpu.memory_space<semaphore_mem>>)
      } else {
      }
    }
    %scan3A_60 = arith.constant 12 : i32
    %add3A_61 = arith.constant 30 : i32
    %add3A_62 = arith.addi %mul3A_2, %add3A_61 : i32
    %rem3A = arith.constant 92 : i32
    %rem3A_63 = arith.constant 3 : i32
    %rem3A_64 = arith.remsi %rem3A, %rem3A_63 : i32
    %mul3A_65 = arith.constant 16 : i32
    %mul3A_66 = arith.muli %rem3A_64, %mul3A_65 : i32
    %multiple_of3A_67 = tpu.assume_multiple %mul3A_66, 16 : i32
    %dma_wait3A = arith.constant 4 : i32
    %dma_wait3A_68 = arith.constant 0 : i32
    %dma_wait3A_69 = arith.constant 0 : i32
    %dma_wait3A_70 = tpu.memref_slice %arg6[%dma_wait3A, %dma_wait3A_68, %dma_wait3A_69] : memref<8x16x896xf32, #tpu.memory_space<vmem>> -> memref<1x16x896xf32, #tpu.memory_space<vmem>>
    %dma_wait3A_71 = tpu.memref_squeeze %dma_wait3A_70 : memref<1x16x896xf32, #tpu.memory_space<vmem>> -> memref<16x896xf32, #tpu.memory_space<vmem>>
    %dma_wait3A_72 = arith.constant 0 : i32
    %dma_wait3A_73 = tpu.memref_slice %arg4[%add3A_62, %multiple_of3A_67, %dma_wait3A_72] : memref<1024x50x1000xf32, #tpu.memory_space<hbm>> -> memref<1x16x896xf32, #tpu.memory_space<hbm>>
    %dma_wait3A_74 = tpu.memref_squeeze %dma_wait3A_73 : memref<1x16x896xf32, #tpu.memory_space<hbm>> -> memref<16x896xf32, #tpu.memory_space<hbm>>
    %dma_wait3A_75 = arith.constant 0 : i32
    %dma_wait3A_76 = tpu.memref_slice %arg4[%add3A_62, %multiple_of3A_67, %dma_wait3A_75] : memref<1024x50x1000xf32, #tpu.memory_space<hbm>> -> memref<1x16x896xf32, #tpu.memory_space<hbm>>
    %dma_wait3A_77 = tpu.memref_squeeze %dma_wait3A_76 : memref<1x16x896xf32, #tpu.memory_space<hbm>> -> memref<16x896xf32, #tpu.memory_space<hbm>>
    %dma_wait3A_78 = arith.constant 0 : i32
    %dma_wait3A_79 = arith.constant 0 : i32
    %dma_wait3A_80 = tpu.memref_slice %arg6[%dma_wait3A, %dma_wait3A_78, %dma_wait3A_79] : memref<8x16x896xf32, #tpu.memory_space<vmem>> -> memref<1x16x896xf32, #tpu.memory_space<vmem>>
    %dma_wait3A_81 = tpu.memref_squeeze %dma_wait3A_80 : memref<1x16x896xf32, #tpu.memory_space<vmem>> -> memref<16x896xf32, #tpu.memory_space<vmem>>
    tpu.wait_dma2 semaphore(%arg19 : memref<!tpu.dma_semaphore, #tpu.memory_space<semaphore_mem>>) src(%dma_wait3A_81 : memref<16x896xf32, #tpu.memory_space<vmem>>) dst(%dma_wait3A_77 : memref<16x896xf32, #tpu.memory_space<hbm>>)
    %add3A_82 = arith.constant 31 : i32
    %add3A_83 = arith.addi %mul3A_2, %add3A_82 : i32
    %rem3A_84 = arith.constant 93 : i32
    %rem3A_85 = arith.constant 3 : i32
    %rem3A_86 = arith.remsi %rem3A_84, %rem3A_85 : i32
    %mul3A_87 = arith.constant 16 : i32
    %mul3A_88 = arith.muli %rem3A_86, %mul3A_87 : i32
    %multiple_of3A_89 = tpu.assume_multiple %mul3A_88, 16 : i32
    %dma_wait3A_90 = arith.constant 5 : i32
    %dma_wait3A_91 = arith.constant 0 : i32
    %dma_wait3A_92 = arith.constant 0 : i32
    %dma_wait3A_93 = tpu.memref_slice %arg6[%dma_wait3A_90, %dma_wait3A_91, %dma_wait3A_92] : memref<8x16x896xf32, #tpu.memory_space<vmem>> -> memref<1x16x896xf32, #tpu.memory_space<vmem>>
    %dma_wait3A_94 = tpu.memref_squeeze %dma_wait3A_93 : memref<1x16x896xf32, #tpu.memory_space<vmem>> -> memref<16x896xf32, #tpu.memory_space<vmem>>
    %dma_wait3A_95 = arith.constant 0 : i32
    %dma_wait3A_96 = tpu.memref_slice %arg4[%add3A_83, %multiple_of3A_89, %dma_wait3A_95] : memref<1024x50x1000xf32, #tpu.memory_space<hbm>> -> memref<1x16x896xf32, #tpu.memory_space<hbm>>
    %dma_wait3A_97 = tpu.memref_squeeze %dma_wait3A_96 : memref<1x16x896xf32, #tpu.memory_space<hbm>> -> memref<16x896xf32, #tpu.memory_space<hbm>>
    %dma_wait3A_98 = arith.constant 0 : i32
    %dma_wait3A_99 = tpu.memref_slice %arg4[%add3A_83, %multiple_of3A_89, %dma_wait3A_98] : memref<1024x50x1000xf32, #tpu.memory_space<hbm>> -> memref<1x16x896xf32, #tpu.memory_space<hbm>>
    %dma_wait3A_100 = tpu.memref_squeeze %dma_wait3A_99 : memref<1x16x896xf32, #tpu.memory_space<hbm>> -> memref<16x896xf32, #tpu.memory_space<hbm>>
    %dma_wait3A_101 = arith.constant 0 : i32
    %dma_wait3A_102 = arith.constant 0 : i32
    %dma_wait3A_103 = tpu.memref_slice %arg6[%dma_wait3A_90, %dma_wait3A_101, %dma_wait3A_102] : memref<8x16x896xf32, #tpu.memory_space<vmem>> -> memref<1x16x896xf32, #tpu.memory_space<vmem>>
    %dma_wait3A_104 = tpu.memref_squeeze %dma_wait3A_103 : memref<1x16x896xf32, #tpu.memory_space<vmem>> -> memref<16x896xf32, #tpu.memory_space<vmem>>
    tpu.wait_dma2 semaphore(%arg20 : memref<!tpu.dma_semaphore, #tpu.memory_space<semaphore_mem>>) src(%dma_wait3A_104 : memref<16x896xf32, #tpu.memory_space<vmem>>) dst(%dma_wait3A_100 : memref<16x896xf32, #tpu.memory_space<hbm>>)
    %add3A_105 = arith.constant 31 : i32
    %add3A_106 = arith.addi %mul3A_2, %add3A_105 : i32
    %rem3A_107 = arith.constant 94 : i32
    %rem3A_108 = arith.constant 3 : i32
    %rem3A_109 = arith.remsi %rem3A_107, %rem3A_108 : i32
    %mul3A_110 = arith.constant 16 : i32
    %mul3A_111 = arith.muli %rem3A_109, %mul3A_110 : i32
    %multiple_of3A_112 = tpu.assume_multiple %mul3A_111, 16 : i32
    %dma_wait3A_113 = arith.constant 6 : i32
    %dma_wait3A_114 = arith.constant 0 : i32
    %dma_wait3A_115 = arith.constant 0 : i32
    %dma_wait3A_116 = tpu.memref_slice %arg6[%dma_wait3A_113, %dma_wait3A_114, %dma_wait3A_115] : memref<8x16x896xf32, #tpu.memory_space<vmem>> -> memref<1x16x896xf32, #tpu.memory_space<vmem>>
    %dma_wait3A_117 = tpu.memref_squeeze %dma_wait3A_116 : memref<1x16x896xf32, #tpu.memory_space<vmem>> -> memref<16x896xf32, #tpu.memory_space<vmem>>
    %dma_wait3A_118 = arith.constant 0 : i32
    %dma_wait3A_119 = tpu.memref_slice %arg4[%add3A_106, %multiple_of3A_112, %dma_wait3A_118] : memref<1024x50x1000xf32, #tpu.memory_space<hbm>> -> memref<1x16x896xf32, #tpu.memory_space<hbm>>
    %dma_wait3A_120 = tpu.memref_squeeze %dma_wait3A_119 : memref<1x16x896xf32, #tpu.memory_space<hbm>> -> memref<16x896xf32, #tpu.memory_space<hbm>>
    %dma_wait3A_121 = arith.constant 0 : i32
    %dma_wait3A_122 = tpu.memref_slice %arg4[%add3A_106, %multiple_of3A_112, %dma_wait3A_121] : memref<1024x50x1000xf32, #tpu.memory_space<hbm>> -> memref<1x16x896xf32, #tpu.memory_space<hbm>>
    %dma_wait3A_123 = tpu.memref_squeeze %dma_wait3A_122 : memref<1x16x896xf32, #tpu.memory_space<hbm>> -> memref<16x896xf32, #tpu.memory_space<hbm>>
    %dma_wait3A_124 = arith.constant 0 : i32
    %dma_wait3A_125 = arith.constant 0 : i32
    %dma_wait3A_126 = tpu.memref_slice %arg6[%dma_wait3A_113, %dma_wait3A_124, %dma_wait3A_125] : memref<8x16x896xf32, #tpu.memory_space<vmem>> -> memref<1x16x896xf32, #tpu.memory_space<vmem>>
    %dma_wait3A_127 = tpu.memref_squeeze %dma_wait3A_126 : memref<1x16x896xf32, #tpu.memory_space<vmem>> -> memref<16x896xf32, #tpu.memory_space<vmem>>
    tpu.wait_dma2 semaphore(%arg21 : memref<!tpu.dma_semaphore, #tpu.memory_space<semaphore_mem>>) src(%dma_wait3A_127 : memref<16x896xf32, #tpu.memory_space<vmem>>) dst(%dma_wait3A_123 : memref<16x896xf32, #tpu.memory_space<hbm>>)
    %add3A_128 = arith.constant 31 : i32
    %add3A_129 = arith.addi %mul3A_2, %add3A_128 : i32
    %rem3A_130 = arith.constant 95 : i32
    %rem3A_131 = arith.constant 3 : i32
    %rem3A_132 = arith.remsi %rem3A_130, %rem3A_131 : i32
    %mul3A_133 = arith.constant 16 : i32
    %mul3A_134 = arith.muli %rem3A_132, %mul3A_133 : i32
    %multiple_of3A_135 = tpu.assume_multiple %mul3A_134, 16 : i32
    %dma_wait3A_136 = arith.constant 7 : i32
    %dma_wait3A_137 = arith.constant 0 : i32
    %dma_wait3A_138 = arith.constant 0 : i32
    %dma_wait3A_139 = tpu.memref_slice %arg6[%dma_wait3A_136, %dma_wait3A_137, %dma_wait3A_138] : memref<8x16x896xf32, #tpu.memory_space<vmem>> -> memref<1x16x896xf32, #tpu.memory_space<vmem>>
    %dma_wait3A_140 = tpu.memref_squeeze %dma_wait3A_139 : memref<1x16x896xf32, #tpu.memory_space<vmem>> -> memref<16x896xf32, #tpu.memory_space<vmem>>
    %dma_wait3A_141 = arith.constant 0 : i32
    %dma_wait3A_142 = tpu.memref_slice %arg4[%add3A_129, %multiple_of3A_135, %dma_wait3A_141] : memref<1024x50x1000xf32, #tpu.memory_space<hbm>> -> memref<1x16x896xf32, #tpu.memory_space<hbm>>
    %dma_wait3A_143 = tpu.memref_squeeze %dma_wait3A_142 : memref<1x16x896xf32, #tpu.memory_space<hbm>> -> memref<16x896xf32, #tpu.memory_space<hbm>>
    %dma_wait3A_144 = arith.constant 0 : i32
    %dma_wait3A_145 = tpu.memref_slice %arg4[%add3A_129, %multiple_of3A_135, %dma_wait3A_144] : memref<1024x50x1000xf32, #tpu.memory_space<hbm>> -> memref<1x16x896xf32, #tpu.memory_space<hbm>>
    %dma_wait3A_146 = tpu.memref_squeeze %dma_wait3A_145 : memref<1x16x896xf32, #tpu.memory_space<hbm>> -> memref<16x896xf32, #tpu.memory_space<hbm>>
    %dma_wait3A_147 = arith.constant 0 : i32
    %dma_wait3A_148 = arith.constant 0 : i32
    %dma_wait3A_149 = tpu.memref_slice %arg6[%dma_wait3A_136, %dma_wait3A_147, %dma_wait3A_148] : memref<8x16x896xf32, #tpu.memory_space<vmem>> -> memref<1x16x896xf32, #tpu.memory_space<vmem>>
    %dma_wait3A_150 = tpu.memref_squeeze %dma_wait3A_149 : memref<1x16x896xf32, #tpu.memory_space<vmem>> -> memref<16x896xf32, #tpu.memory_space<vmem>>
    tpu.wait_dma2 semaphore(%arg22 : memref<!tpu.dma_semaphore, #tpu.memory_space<semaphore_mem>>) src(%dma_wait3A_150 : memref<16x896xf32, #tpu.memory_space<vmem>>) dst(%dma_wait3A_146 : memref<16x896xf32, #tpu.memory_space<hbm>>)
    return
  }
}

#map = affine_map<(d0, d1) -> (0)>
#map1 = affine_map<(d0, d1) -> (0, 0)>
module attributes {stable_mosaic.version = 14 : i64} {
  func.func @_aux_body(%arg0: i32, %arg1: i32, %arg2: memref<1000000xf32, #tpu.memory_space<hbm>>, %arg3: memref<51200xi32, #tpu.memory_space<hbm>>, %arg4: memref<51200xi32, #tpu.memory_space<hbm>>, %arg5: memref<32x16xf32, #tpu.memory_space<hbm>>, %arg6: memref<1600xi32, #tpu.memory_space<vmem>>, %arg7: memref<1600xi32, #tpu.memory_space<vmem>>, %arg8: memref<1600xi32, #tpu.memory_space<vmem>>, %arg9: memref<1600xf32, #tpu.memory_space<vmem>>, %arg10: memref<16xf32, #tpu.memory_space<vmem>>, %arg11: memref<!tpu.dma_semaphore, #tpu.memory_space<semaphore_mem>>) attributes {dimension_semantics = [#tpu.dimension_semantics<core_parallel>, #tpu.dimension_semantics<subcore_parallel>], iteration_bounds = array<i64: 2, 16>, scalar_prefetch = 0 : i64, scratch_operands = 6 : i64, tpu.core_type = #tpu.core_type<sc_vector_subcore>, window_params = [{transform_indices = #map}, {transform_indices = #map}, {transform_indices = #map}, {transform_indices = #map1}]} {
    %mul3A = arith.constant 2 : i32
    %mul3A_0 = arith.muli %arg1, %mul3A : i32
    %add3A = arith.addi %mul3A_0, %arg0 : i32
    %mul3A_1 = arith.constant 1600 : i32
    %mul3A_2 = arith.muli %add3A, %mul3A_1 : i32
    "tpu.region"() ({
      %run_scoped3A = tpu.sem_alloc : memref<!tpu.dma_semaphore, #tpu.memory_space<semaphore_mem>>
      %dma_start3A_172 = tpu.memref_slice %arg3[%mul3A_2] : memref<51200xi32, #tpu.memory_space<hbm>> -> memref<1600xi32, #tpu.memory_space<hbm>>
      %dma_start3A_173 = tpu.memref_slice %arg3[%mul3A_2] : memref<51200xi32, #tpu.memory_space<hbm>> -> memref<1600xi32, #tpu.memory_space<hbm>>
      tpu.enqueue_dma source(%dma_start3A_173 : memref<1600xi32, #tpu.memory_space<hbm>>) target(%arg6 : memref<1600xi32, #tpu.memory_space<vmem>>) target_semaphore(%run_scoped3A : memref<!tpu.dma_semaphore, #tpu.memory_space<semaphore_mem>>)
      %dma_wait3A_174 = tpu.memref_slice %arg3[%mul3A_2] : memref<51200xi32, #tpu.memory_space<hbm>> -> memref<1600xi32, #tpu.memory_space<hbm>>
      %dma_wait3A_175 = tpu.memref_slice %arg3[%mul3A_2] : memref<51200xi32, #tpu.memory_space<hbm>> -> memref<1600xi32, #tpu.memory_space<hbm>>
      tpu.wait_dma2 semaphore(%run_scoped3A : memref<!tpu.dma_semaphore, #tpu.memory_space<semaphore_mem>>) src(%dma_wait3A_175 : memref<1600xi32, #tpu.memory_space<hbm>>) dst(%arg6 : memref<1600xi32, #tpu.memory_space<vmem>>)
      tpu.yield
    }) : () -> ()
    "tpu.region"() ({
      %run_scoped3A = tpu.sem_alloc : memref<!tpu.dma_semaphore, #tpu.memory_space<semaphore_mem>>
      %dma_start3A_172 = tpu.memref_slice %arg4[%mul3A_2] : memref<51200xi32, #tpu.memory_space<hbm>> -> memref<1600xi32, #tpu.memory_space<hbm>>
      %dma_start3A_173 = tpu.memref_slice %arg4[%mul3A_2] : memref<51200xi32, #tpu.memory_space<hbm>> -> memref<1600xi32, #tpu.memory_space<hbm>>
      tpu.enqueue_dma source(%dma_start3A_173 : memref<1600xi32, #tpu.memory_space<hbm>>) target(%arg7 : memref<1600xi32, #tpu.memory_space<vmem>>) target_semaphore(%run_scoped3A : memref<!tpu.dma_semaphore, #tpu.memory_space<semaphore_mem>>)
      %dma_wait3A_174 = tpu.memref_slice %arg4[%mul3A_2] : memref<51200xi32, #tpu.memory_space<hbm>> -> memref<1600xi32, #tpu.memory_space<hbm>>
      %dma_wait3A_175 = tpu.memref_slice %arg4[%mul3A_2] : memref<51200xi32, #tpu.memory_space<hbm>> -> memref<1600xi32, #tpu.memory_space<hbm>>
      tpu.wait_dma2 semaphore(%run_scoped3A : memref<!tpu.dma_semaphore, #tpu.memory_space<semaphore_mem>>) src(%dma_wait3A_175 : memref<1600xi32, #tpu.memory_space<hbm>>) dst(%arg7 : memref<1600xi32, #tpu.memory_space<vmem>>)
      tpu.yield
    }) : () -> ()
    %scan3A = arith.constant 0 : i32
    %scan3A_3 = arith.constant 0 : i32
    %scan3A_4 = arith.constant 100 : i32
    %scan3A_5 = arith.addi %scan3A_3, %scan3A_4 : i32
    %scan3A_6 = arith.constant 1 : i32
    scf.for %scan3A_172 = %scan3A_3 to %scan3A_5 step %scan3A_6  : i32 {
      %mul3A_173 = arith.constant 16 : i32
      %mul3A_174 = arith.muli %scan3A_172, %mul3A_173 : i32
      %multiple_of3A = tpu.assume_multiple %mul3A_174, 16 : i32
      %get3A = arith.index_cast %multiple_of3A : i32 to index
      %get3A_175 = tpu.vector_load %arg6[%get3A] {strides = array<i32>} : memref<1600xi32, #tpu.memory_space<vmem>>, vector<16xi32>,
      %get3A_176 = vector.shape_cast %get3A_175 : vector<16xi32> to vector<16xi32>
      %mul3A_177 = arith.constant 1000 : i32
      %mul3A_178 = vector.broadcast %mul3A_177 : i32 to vector<16xi32>
      %mul3A_179 = arith.muli %get3A_176, %mul3A_178 : vector<16xi32>
      %get3A_180 = arith.index_cast %multiple_of3A : i32 to index
      %get3A_181 = tpu.vector_load %arg7[%get3A_180] {strides = array<i32>} : memref<1600xi32, #tpu.memory_space<vmem>>, vector<16xi32>,
      %get3A_182 = vector.shape_cast %get3A_181 : vector<16xi32> to vector<16xi32>
      %add3A_183 = arith.addi %mul3A_179, %get3A_182 : vector<16xi32>
      %swap3A_184 = arith.index_cast %multiple_of3A : i32 to index
      %swap3A_185 = tpu.vector_load %arg8[%swap3A_184] {strides = array<i32>} : memref<1600xi32, #tpu.memory_space<vmem>>, vector<16xi32>,
      %swap3A_186 = vector.shape_cast %swap3A_185 : vector<16xi32> to vector<16xi32>
      %swap3A_187 = vector.shape_cast %add3A_183 : vector<16xi32> to vector<16xi32>
      tpu.vector_store %arg8[%swap3A_184], %swap3A_187 {strides = array<i32>} : memref<1600xi32, #tpu.memory_space<vmem>>, vector<16xi32>,
    }
    %scan3A_7 = arith.constant 100 : i32
    %dma_start3A = arith.constant 0 : i32
    %dma_start3A_8 = tpu.memref_slice %arg9[%dma_start3A] : memref<1600xf32, #tpu.memory_space<vmem>> -> memref<128xf32, #tpu.memory_space<vmem>>
    %dma_start3A_9 = arith.constant 0 : i32
    %dma_start3A_10 = tpu.memref_slice %arg8[%dma_start3A_9] : memref<1600xi32, #tpu.memory_space<vmem>> -> memref<128xi32, #tpu.memory_space<vmem>>
    %dma_start3A_11 = arith.constant 0 : i32
    %dma_start3A_12 = tpu.memref_slice %arg2[%dma_start3A_11] : memref<1000000xf32, #tpu.memory_space<hbm>> -> memref<1000000xf32, #tpu.memory_space<hbm>>
    tpu.enqueue_indirect_dma source(%dma_start3A_12 : memref<1000000xf32, #tpu.memory_space<hbm>>) target(%dma_start3A_8 : memref<128xf32, #tpu.memory_space<vmem>>) offsets(%dma_start3A_10 : memref<128xi32, #tpu.memory_space<vmem>>) semaphore(%arg11 : memref<!tpu.dma_semaphore, #tpu.memory_space<semaphore_mem>>)
    %dma_start3A_13 = arith.constant 128 : i32
    %dma_start3A_14 = tpu.memref_slice %arg9[%dma_start3A_13] : memref<1600xf32, #tpu.memory_space<vmem>> -> memref<128xf32, #tpu.memory_space<vmem>>
    %dma_start3A_15 = arith.constant 128 : i32
    %dma_start3A_16 = tpu.memref_slice %arg8[%dma_start3A_15] : memref<1600xi32, #tpu.memory_space<vmem>> -> memref<128xi32, #tpu.memory_space<vmem>>
    %dma_start3A_17 = arith.constant 0 : i32
    %dma_start3A_18 = tpu.memref_slice %arg2[%dma_start3A_17] : memref<1000000xf32, #tpu.memory_space<hbm>> -> memref<1000000xf32, #tpu.memory_space<hbm>>
    tpu.enqueue_indirect_dma source(%dma_start3A_18 : memref<1000000xf32, #tpu.memory_space<hbm>>) target(%dma_start3A_14 : memref<128xf32, #tpu.memory_space<vmem>>) offsets(%dma_start3A_16 : memref<128xi32, #tpu.memory_space<vmem>>) semaphore(%arg11 : memref<!tpu.dma_semaphore, #tpu.memory_space<semaphore_mem>>)
    %dma_start3A_19 = arith.constant 256 : i32
    %dma_start3A_20 = tpu.memref_slice %arg9[%dma_start3A_19] : memref<1600xf32, #tpu.memory_space<vmem>> -> memref<128xf32, #tpu.memory_space<vmem>>
    %dma_start3A_21 = arith.constant 256 : i32
    %dma_start3A_22 = tpu.memref_slice %arg8[%dma_start3A_21] : memref<1600xi32, #tpu.memory_space<vmem>> -> memref<128xi32, #tpu.memory_space<vmem>>
    %dma_start3A_23 = arith.constant 0 : i32
    %dma_start3A_24 = tpu.memref_slice %arg2[%dma_start3A_23] : memref<1000000xf32, #tpu.memory_space<hbm>> -> memref<1000000xf32, #tpu.memory_space<hbm>>
    tpu.enqueue_indirect_dma source(%dma_start3A_24 : memref<1000000xf32, #tpu.memory_space<hbm>>) target(%dma_start3A_20 : memref<128xf32, #tpu.memory_space<vmem>>) offsets(%dma_start3A_22 : memref<128xi32, #tpu.memory_space<vmem>>) semaphore(%arg11 : memref<!tpu.dma_semaphore, #tpu.memory_space<semaphore_mem>>)
    %dma_start3A_25 = arith.constant 384 : i32
    %dma_start3A_26 = tpu.memref_slice %arg9[%dma_start3A_25] : memref<1600xf32, #tpu.memory_space<vmem>> -> memref<128xf32, #tpu.memory_space<vmem>>
    %dma_start3A_27 = arith.constant 384 : i32
    %dma_start3A_28 = tpu.memref_slice %arg8[%dma_start3A_27] : memref<1600xi32, #tpu.memory_space<vmem>> -> memref<128xi32, #tpu.memory_space<vmem>>
    %dma_start3A_29 = arith.constant 0 : i32
    %dma_start3A_30 = tpu.memref_slice %arg2[%dma_start3A_29] : memref<1000000xf32, #tpu.memory_space<hbm>> -> memref<1000000xf32, #tpu.memory_space<hbm>>
    tpu.enqueue_indirect_dma source(%dma_start3A_30 : memref<1000000xf32, #tpu.memory_space<hbm>>) target(%dma_start3A_26 : memref<128xf32, #tpu.memory_space<vmem>>) offsets(%dma_start3A_28 : memref<128xi32, #tpu.memory_space<vmem>>) semaphore(%arg11 : memref<!tpu.dma_semaphore, #tpu.memory_space<semaphore_mem>>)
    %dma_start3A_31 = arith.constant 512 : i32
    %dma_start3A_32 = tpu.memref_slice %arg9[%dma_start3A_31] : memref<1600xf32, #tpu.memory_space<vmem>> -> memref<128xf32, #tpu.memory_space<vmem>>
    %dma_start3A_33 = arith.constant 512 : i32
    %dma_start3A_34 = tpu.memref_slice %arg8[%dma_start3A_33] : memref<1600xi32, #tpu.memory_space<vmem>> -> memref<128xi32, #tpu.memory_space<vmem>>
    %dma_start3A_35 = arith.constant 0 : i32
    %dma_start3A_36 = tpu.memref_slice %arg2[%dma_start3A_35] : memref<1000000xf32, #tpu.memory_space<hbm>> -> memref<1000000xf32, #tpu.memory_space<hbm>>
    tpu.enqueue_indirect_dma source(%dma_start3A_36 : memref<1000000xf32, #tpu.memory_space<hbm>>) target(%dma_start3A_32 : memref<128xf32, #tpu.memory_space<vmem>>) offsets(%dma_start3A_34 : memref<128xi32, #tpu.memory_space<vmem>>) semaphore(%arg11 : memref<!tpu.dma_semaphore, #tpu.memory_space<semaphore_mem>>)
    %dma_start3A_37 = arith.constant 640 : i32
    %dma_start3A_38 = tpu.memref_slice %arg9[%dma_start3A_37] : memref<1600xf32, #tpu.memory_space<vmem>> -> memref<128xf32, #tpu.memory_space<vmem>>
    %dma_start3A_39 = arith.constant 640 : i32
    %dma_start3A_40 = tpu.memref_slice %arg8[%dma_start3A_39] : memref<1600xi32, #tpu.memory_space<vmem>> -> memref<128xi32, #tpu.memory_space<vmem>>
    %dma_start3A_41 = arith.constant 0 : i32
    %dma_start3A_42 = tpu.memref_slice %arg2[%dma_start3A_41] : memref<1000000xf32, #tpu.memory_space<hbm>> -> memref<1000000xf32, #tpu.memory_space<hbm>>
    tpu.enqueue_indirect_dma source(%dma_start3A_42 : memref<1000000xf32, #tpu.memory_space<hbm>>) target(%dma_start3A_38 : memref<128xf32, #tpu.memory_space<vmem>>) offsets(%dma_start3A_40 : memref<128xi32, #tpu.memory_space<vmem>>) semaphore(%arg11 : memref<!tpu.dma_semaphore, #tpu.memory_space<semaphore_mem>>)
    %dma_start3A_43 = arith.constant 768 : i32
    %dma_start3A_44 = tpu.memref_slice %arg9[%dma_start3A_43] : memref<1600xf32, #tpu.memory_space<vmem>> -> memref<128xf32, #tpu.memory_space<vmem>>
    %dma_start3A_45 = arith.constant 768 : i32
    %dma_start3A_46 = tpu.memref_slice %arg8[%dma_start3A_45] : memref<1600xi32, #tpu.memory_space<vmem>> -> memref<128xi32, #tpu.memory_space<vmem>>
    %dma_start3A_47 = arith.constant 0 : i32
    %dma_start3A_48 = tpu.memref_slice %arg2[%dma_start3A_47] : memref<1000000xf32, #tpu.memory_space<hbm>> -> memref<1000000xf32, #tpu.memory_space<hbm>>
    tpu.enqueue_indirect_dma source(%dma_start3A_48 : memref<1000000xf32, #tpu.memory_space<hbm>>) target(%dma_start3A_44 : memref<128xf32, #tpu.memory_space<vmem>>) offsets(%dma_start3A_46 : memref<128xi32, #tpu.memory_space<vmem>>) semaphore(%arg11 : memref<!tpu.dma_semaphore, #tpu.memory_space<semaphore_mem>>)
    %dma_start3A_49 = arith.constant 896 : i32
    %dma_start3A_50 = tpu.memref_slice %arg9[%dma_start3A_49] : memref<1600xf32, #tpu.memory_space<vmem>> -> memref<128xf32, #tpu.memory_space<vmem>>
    %dma_start3A_51 = arith.constant 896 : i32
    %dma_start3A_52 = tpu.memref_slice %arg8[%dma_start3A_51] : memref<1600xi32, #tpu.memory_space<vmem>> -> memref<128xi32, #tpu.memory_space<vmem>>
    %dma_start3A_53 = arith.constant 0 : i32
    %dma_start3A_54 = tpu.memref_slice %arg2[%dma_start3A_53] : memref<1000000xf32, #tpu.memory_space<hbm>> -> memref<1000000xf32, #tpu.memory_space<hbm>>
    tpu.enqueue_indirect_dma source(%dma_start3A_54 : memref<1000000xf32, #tpu.memory_space<hbm>>) target(%dma_start3A_50 : memref<128xf32, #tpu.memory_space<vmem>>) offsets(%dma_start3A_52 : memref<128xi32, #tpu.memory_space<vmem>>) semaphore(%arg11 : memref<!tpu.dma_semaphore, #tpu.memory_space<semaphore_mem>>)
    %dma_start3A_55 = arith.constant 1024 : i32
    %dma_start3A_56 = tpu.memref_slice %arg9[%dma_start3A_55] : memref<1600xf32, #tpu.memory_space<vmem>> -> memref<128xf32, #tpu.memory_space<vmem>>
    %dma_start3A_57 = arith.constant 1024 : i32
    %dma_start3A_58 = tpu.memref_slice %arg8[%dma_start3A_57] : memref<1600xi32, #tpu.memory_space<vmem>> -> memref<128xi32, #tpu.memory_space<vmem>>
    %dma_start3A_59 = arith.constant 0 : i32
    %dma_start3A_60 = tpu.memref_slice %arg2[%dma_start3A_59] : memref<1000000xf32, #tpu.memory_space<hbm>> -> memref<1000000xf32, #tpu.memory_space<hbm>>
    tpu.enqueue_indirect_dma source(%dma_start3A_60 : memref<1000000xf32, #tpu.memory_space<hbm>>) target(%dma_start3A_56 : memref<128xf32, #tpu.memory_space<vmem>>) offsets(%dma_start3A_58 : memref<128xi32, #tpu.memory_space<vmem>>) semaphore(%arg11 : memref<!tpu.dma_semaphore, #tpu.memory_space<semaphore_mem>>)
    %dma_start3A_61 = arith.constant 1152 : i32
    %dma_start3A_62 = tpu.memref_slice %arg9[%dma_start3A_61] : memref<1600xf32, #tpu.memory_space<vmem>> -> memref<128xf32, #tpu.memory_space<vmem>>
    %dma_start3A_63 = arith.constant 1152 : i32
    %dma_start3A_64 = tpu.memref_slice %arg8[%dma_start3A_63] : memref<1600xi32, #tpu.memory_space<vmem>> -> memref<128xi32, #tpu.memory_space<vmem>>
    %dma_start3A_65 = arith.constant 0 : i32
    %dma_start3A_66 = tpu.memref_slice %arg2[%dma_start3A_65] : memref<1000000xf32, #tpu.memory_space<hbm>> -> memref<1000000xf32, #tpu.memory_space<hbm>>
    tpu.enqueue_indirect_dma source(%dma_start3A_66 : memref<1000000xf32, #tpu.memory_space<hbm>>) target(%dma_start3A_62 : memref<128xf32, #tpu.memory_space<vmem>>) offsets(%dma_start3A_64 : memref<128xi32, #tpu.memory_space<vmem>>) semaphore(%arg11 : memref<!tpu.dma_semaphore, #tpu.memory_space<semaphore_mem>>)
    %dma_start3A_67 = arith.constant 1280 : i32
    %dma_start3A_68 = tpu.memref_slice %arg9[%dma_start3A_67] : memref<1600xf32, #tpu.memory_space<vmem>> -> memref<128xf32, #tpu.memory_space<vmem>>
    %dma_start3A_69 = arith.constant 1280 : i32
    %dma_start3A_70 = tpu.memref_slice %arg8[%dma_start3A_69] : memref<1600xi32, #tpu.memory_space<vmem>> -> memref<128xi32, #tpu.memory_space<vmem>>
    %dma_start3A_71 = arith.constant 0 : i32
    %dma_start3A_72 = tpu.memref_slice %arg2[%dma_start3A_71] : memref<1000000xf32, #tpu.memory_space<hbm>> -> memref<1000000xf32, #tpu.memory_space<hbm>>
    tpu.enqueue_indirect_dma source(%dma_start3A_72 : memref<1000000xf32, #tpu.memory_space<hbm>>) target(%dma_start3A_68 : memref<128xf32, #tpu.memory_space<vmem>>) offsets(%dma_start3A_70 : memref<128xi32, #tpu.memory_space<vmem>>) semaphore(%arg11 : memref<!tpu.dma_semaphore, #tpu.memory_space<semaphore_mem>>)
    %dma_start3A_73 = arith.constant 1408 : i32
    %dma_start3A_74 = tpu.memref_slice %arg9[%dma_start3A_73] : memref<1600xf32, #tpu.memory_space<vmem>> -> memref<128xf32, #tpu.memory_space<vmem>>
    %dma_start3A_75 = arith.constant 1408 : i32
    %dma_start3A_76 = tpu.memref_slice %arg8[%dma_start3A_75] : memref<1600xi32, #tpu.memory_space<vmem>> -> memref<128xi32, #tpu.memory_space<vmem>>
    %dma_start3A_77 = arith.constant 0 : i32
    %dma_start3A_78 = tpu.memref_slice %arg2[%dma_start3A_77] : memref<1000000xf32, #tpu.memory_space<hbm>> -> memref<1000000xf32, #tpu.memory_space<hbm>>
    tpu.enqueue_indirect_dma source(%dma_start3A_78 : memref<1000000xf32, #tpu.memory_space<hbm>>) target(%dma_start3A_74 : memref<128xf32, #tpu.memory_space<vmem>>) offsets(%dma_start3A_76 : memref<128xi32, #tpu.memory_space<vmem>>) semaphore(%arg11 : memref<!tpu.dma_semaphore, #tpu.memory_space<semaphore_mem>>)
    %dma_start3A_79 = arith.constant 1536 : i32
    %dma_start3A_80 = tpu.memref_slice %arg9[%dma_start3A_79] : memref<1600xf32, #tpu.memory_space<vmem>> -> memref<64xf32, #tpu.memory_space<vmem>>
    %dma_start3A_81 = arith.constant 1536 : i32
    %dma_start3A_82 = tpu.memref_slice %arg8[%dma_start3A_81] : memref<1600xi32, #tpu.memory_space<vmem>> -> memref<64xi32, #tpu.memory_space<vmem>>
    %dma_start3A_83 = arith.constant 0 : i32
    %dma_start3A_84 = tpu.memref_slice %arg2[%dma_start3A_83] : memref<1000000xf32, #tpu.memory_space<hbm>> -> memref<1000000xf32, #tpu.memory_space<hbm>>
    tpu.enqueue_indirect_dma source(%dma_start3A_84 : memref<1000000xf32, #tpu.memory_space<hbm>>) target(%dma_start3A_80 : memref<64xf32, #tpu.memory_space<vmem>>) offsets(%dma_start3A_82 : memref<64xi32, #tpu.memory_space<vmem>>) semaphore(%arg11 : memref<!tpu.dma_semaphore, #tpu.memory_space<semaphore_mem>>)
    %dma_wait3A = arith.constant 0 : i32
    %dma_wait3A_85 = tpu.memref_slice %arg9[%dma_wait3A] : memref<1600xf32, #tpu.memory_space<vmem>> -> memref<128xf32, #tpu.memory_space<vmem>>
    %dma_wait3A_86 = arith.constant 0 : i32
    %dma_wait3A_87 = tpu.memref_slice %arg8[%dma_wait3A_86] : memref<1600xi32, #tpu.memory_space<vmem>> -> memref<128xi32, #tpu.memory_space<vmem>>
    %dma_wait3A_88 = arith.constant 0 : i32
    %dma_wait3A_89 = tpu.memref_slice %arg2[%dma_wait3A_88] : memref<1000000xf32, #tpu.memory_space<hbm>> -> memref<1000000xf32, #tpu.memory_space<hbm>>
    tpu.wait_indirect_dma semaphore(%arg11 : memref<!tpu.dma_semaphore, #tpu.memory_space<semaphore_mem>>) src(%dma_wait3A_89 : memref<1000000xf32, #tpu.memory_space<hbm>>) dst(%dma_wait3A_85 : memref<128xf32, #tpu.memory_space<vmem>>)
    %dma_wait3A_90 = arith.constant 128 : i32
    %dma_wait3A_91 = tpu.memref_slice %arg9[%dma_wait3A_90] : memref<1600xf32, #tpu.memory_space<vmem>> -> memref<128xf32, #tpu.memory_space<vmem>>
    %dma_wait3A_92 = arith.constant 128 : i32
    %dma_wait3A_93 = tpu.memref_slice %arg8[%dma_wait3A_92] : memref<1600xi32, #tpu.memory_space<vmem>> -> memref<128xi32, #tpu.memory_space<vmem>>
    %dma_wait3A_94 = arith.constant 0 : i32
    %dma_wait3A_95 = tpu.memref_slice %arg2[%dma_wait3A_94] : memref<1000000xf32, #tpu.memory_space<hbm>> -> memref<1000000xf32, #tpu.memory_space<hbm>>
    tpu.wait_indirect_dma semaphore(%arg11 : memref<!tpu.dma_semaphore, #tpu.memory_space<semaphore_mem>>) src(%dma_wait3A_95 : memref<1000000xf32, #tpu.memory_space<hbm>>) dst(%dma_wait3A_91 : memref<128xf32, #tpu.memory_space<vmem>>)
    %dma_wait3A_96 = arith.constant 256 : i32
    %dma_wait3A_97 = tpu.memref_slice %arg9[%dma_wait3A_96] : memref<1600xf32, #tpu.memory_space<vmem>> -> memref<128xf32, #tpu.memory_space<vmem>>
    %dma_wait3A_98 = arith.constant 256 : i32
    %dma_wait3A_99 = tpu.memref_slice %arg8[%dma_wait3A_98] : memref<1600xi32, #tpu.memory_space<vmem>> -> memref<128xi32, #tpu.memory_space<vmem>>
    %dma_wait3A_100 = arith.constant 0 : i32
    %dma_wait3A_101 = tpu.memref_slice %arg2[%dma_wait3A_100] : memref<1000000xf32, #tpu.memory_space<hbm>> -> memref<1000000xf32, #tpu.memory_space<hbm>>
    tpu.wait_indirect_dma semaphore(%arg11 : memref<!tpu.dma_semaphore, #tpu.memory_space<semaphore_mem>>) src(%dma_wait3A_101 : memref<1000000xf32, #tpu.memory_space<hbm>>) dst(%dma_wait3A_97 : memref<128xf32, #tpu.memory_space<vmem>>)
    %dma_wait3A_102 = arith.constant 384 : i32
    %dma_wait3A_103 = tpu.memref_slice %arg9[%dma_wait3A_102] : memref<1600xf32, #tpu.memory_space<vmem>> -> memref<128xf32, #tpu.memory_space<vmem>>
    %dma_wait3A_104 = arith.constant 384 : i32
    %dma_wait3A_105 = tpu.memref_slice %arg8[%dma_wait3A_104] : memref<1600xi32, #tpu.memory_space<vmem>> -> memref<128xi32, #tpu.memory_space<vmem>>
    %dma_wait3A_106 = arith.constant 0 : i32
    %dma_wait3A_107 = tpu.memref_slice %arg2[%dma_wait3A_106] : memref<1000000xf32, #tpu.memory_space<hbm>> -> memref<1000000xf32, #tpu.memory_space<hbm>>
    tpu.wait_indirect_dma semaphore(%arg11 : memref<!tpu.dma_semaphore, #tpu.memory_space<semaphore_mem>>) src(%dma_wait3A_107 : memref<1000000xf32, #tpu.memory_space<hbm>>) dst(%dma_wait3A_103 : memref<128xf32, #tpu.memory_space<vmem>>)
    %dma_wait3A_108 = arith.constant 512 : i32
    %dma_wait3A_109 = tpu.memref_slice %arg9[%dma_wait3A_108] : memref<1600xf32, #tpu.memory_space<vmem>> -> memref<128xf32, #tpu.memory_space<vmem>>
    %dma_wait3A_110 = arith.constant 512 : i32
    %dma_wait3A_111 = tpu.memref_slice %arg8[%dma_wait3A_110] : memref<1600xi32, #tpu.memory_space<vmem>> -> memref<128xi32, #tpu.memory_space<vmem>>
    %dma_wait3A_112 = arith.constant 0 : i32
    %dma_wait3A_113 = tpu.memref_slice %arg2[%dma_wait3A_112] : memref<1000000xf32, #tpu.memory_space<hbm>> -> memref<1000000xf32, #tpu.memory_space<hbm>>
    tpu.wait_indirect_dma semaphore(%arg11 : memref<!tpu.dma_semaphore, #tpu.memory_space<semaphore_mem>>) src(%dma_wait3A_113 : memref<1000000xf32, #tpu.memory_space<hbm>>) dst(%dma_wait3A_109 : memref<128xf32, #tpu.memory_space<vmem>>)
    %dma_wait3A_114 = arith.constant 640 : i32
    %dma_wait3A_115 = tpu.memref_slice %arg9[%dma_wait3A_114] : memref<1600xf32, #tpu.memory_space<vmem>> -> memref<128xf32, #tpu.memory_space<vmem>>
    %dma_wait3A_116 = arith.constant 640 : i32
    %dma_wait3A_117 = tpu.memref_slice %arg8[%dma_wait3A_116] : memref<1600xi32, #tpu.memory_space<vmem>> -> memref<128xi32, #tpu.memory_space<vmem>>
    %dma_wait3A_118 = arith.constant 0 : i32
    %dma_wait3A_119 = tpu.memref_slice %arg2[%dma_wait3A_118] : memref<1000000xf32, #tpu.memory_space<hbm>> -> memref<1000000xf32, #tpu.memory_space<hbm>>
    tpu.wait_indirect_dma semaphore(%arg11 : memref<!tpu.dma_semaphore, #tpu.memory_space<semaphore_mem>>) src(%dma_wait3A_119 : memref<1000000xf32, #tpu.memory_space<hbm>>) dst(%dma_wait3A_115 : memref<128xf32, #tpu.memory_space<vmem>>)
    %dma_wait3A_120 = arith.constant 768 : i32
    %dma_wait3A_121 = tpu.memref_slice %arg9[%dma_wait3A_120] : memref<1600xf32, #tpu.memory_space<vmem>> -> memref<128xf32, #tpu.memory_space<vmem>>
    %dma_wait3A_122 = arith.constant 768 : i32
    %dma_wait3A_123 = tpu.memref_slice %arg8[%dma_wait3A_122] : memref<1600xi32, #tpu.memory_space<vmem>> -> memref<128xi32, #tpu.memory_space<vmem>>
    %dma_wait3A_124 = arith.constant 0 : i32
    %dma_wait3A_125 = tpu.memref_slice %arg2[%dma_wait3A_124] : memref<1000000xf32, #tpu.memory_space<hbm>> -> memref<1000000xf32, #tpu.memory_space<hbm>>
    tpu.wait_indirect_dma semaphore(%arg11 : memref<!tpu.dma_semaphore, #tpu.memory_space<semaphore_mem>>) src(%dma_wait3A_125 : memref<1000000xf32, #tpu.memory_space<hbm>>) dst(%dma_wait3A_121 : memref<128xf32, #tpu.memory_space<vmem>>)
    %dma_wait3A_126 = arith.constant 896 : i32
    %dma_wait3A_127 = tpu.memref_slice %arg9[%dma_wait3A_126] : memref<1600xf32, #tpu.memory_space<vmem>> -> memref<128xf32, #tpu.memory_space<vmem>>
    %dma_wait3A_128 = arith.constant 896 : i32
    %dma_wait3A_129 = tpu.memref_slice %arg8[%dma_wait3A_128] : memref<1600xi32, #tpu.memory_space<vmem>> -> memref<128xi32, #tpu.memory_space<vmem>>
    %dma_wait3A_130 = arith.constant 0 : i32
    %dma_wait3A_131 = tpu.memref_slice %arg2[%dma_wait3A_130] : memref<1000000xf32, #tpu.memory_space<hbm>> -> memref<1000000xf32, #tpu.memory_space<hbm>>
    tpu.wait_indirect_dma semaphore(%arg11 : memref<!tpu.dma_semaphore, #tpu.memory_space<semaphore_mem>>) src(%dma_wait3A_131 : memref<1000000xf32, #tpu.memory_space<hbm>>) dst(%dma_wait3A_127 : memref<128xf32, #tpu.memory_space<vmem>>)
    %dma_wait3A_132 = arith.constant 1024 : i32
    %dma_wait3A_133 = tpu.memref_slice %arg9[%dma_wait3A_132] : memref<1600xf32, #tpu.memory_space<vmem>> -> memref<128xf32, #tpu.memory_space<vmem>>
    %dma_wait3A_134 = arith.constant 1024 : i32
    %dma_wait3A_135 = tpu.memref_slice %arg8[%dma_wait3A_134] : memref<1600xi32, #tpu.memory_space<vmem>> -> memref<128xi32, #tpu.memory_space<vmem>>
    %dma_wait3A_136 = arith.constant 0 : i32
    %dma_wait3A_137 = tpu.memref_slice %arg2[%dma_wait3A_136] : memref<1000000xf32, #tpu.memory_space<hbm>> -> memref<1000000xf32, #tpu.memory_space<hbm>>
    tpu.wait_indirect_dma semaphore(%arg11 : memref<!tpu.dma_semaphore, #tpu.memory_space<semaphore_mem>>) src(%dma_wait3A_137 : memref<1000000xf32, #tpu.memory_space<hbm>>) dst(%dma_wait3A_133 : memref<128xf32, #tpu.memory_space<vmem>>)
    %dma_wait3A_138 = arith.constant 1152 : i32
    %dma_wait3A_139 = tpu.memref_slice %arg9[%dma_wait3A_138] : memref<1600xf32, #tpu.memory_space<vmem>> -> memref<128xf32, #tpu.memory_space<vmem>>
    %dma_wait3A_140 = arith.constant 1152 : i32
    %dma_wait3A_141 = tpu.memref_slice %arg8[%dma_wait3A_140] : memref<1600xi32, #tpu.memory_space<vmem>> -> memref<128xi32, #tpu.memory_space<vmem>>
    %dma_wait3A_142 = arith.constant 0 : i32
    %dma_wait3A_143 = tpu.memref_slice %arg2[%dma_wait3A_142] : memref<1000000xf32, #tpu.memory_space<hbm>> -> memref<1000000xf32, #tpu.memory_space<hbm>>
    tpu.wait_indirect_dma semaphore(%arg11 : memref<!tpu.dma_semaphore, #tpu.memory_space<semaphore_mem>>) src(%dma_wait3A_143 : memref<1000000xf32, #tpu.memory_space<hbm>>) dst(%dma_wait3A_139 : memref<128xf32, #tpu.memory_space<vmem>>)
    %dma_wait3A_144 = arith.constant 1280 : i32
    %dma_wait3A_145 = tpu.memref_slice %arg9[%dma_wait3A_144] : memref<1600xf32, #tpu.memory_space<vmem>> -> memref<128xf32, #tpu.memory_space<vmem>>
    %dma_wait3A_146 = arith.constant 1280 : i32
    %dma_wait3A_147 = tpu.memref_slice %arg8[%dma_wait3A_146] : memref<1600xi32, #tpu.memory_space<vmem>> -> memref<128xi32, #tpu.memory_space<vmem>>
    %dma_wait3A_148 = arith.constant 0 : i32
    %dma_wait3A_149 = tpu.memref_slice %arg2[%dma_wait3A_148] : memref<1000000xf32, #tpu.memory_space<hbm>> -> memref<1000000xf32, #tpu.memory_space<hbm>>
    tpu.wait_indirect_dma semaphore(%arg11 : memref<!tpu.dma_semaphore, #tpu.memory_space<semaphore_mem>>) src(%dma_wait3A_149 : memref<1000000xf32, #tpu.memory_space<hbm>>) dst(%dma_wait3A_145 : memref<128xf32, #tpu.memory_space<vmem>>)
    %dma_wait3A_150 = arith.constant 1408 : i32
    %dma_wait3A_151 = tpu.memref_slice %arg9[%dma_wait3A_150] : memref<1600xf32, #tpu.memory_space<vmem>> -> memref<128xf32, #tpu.memory_space<vmem>>
    %dma_wait3A_152 = arith.constant 1408 : i32
    %dma_wait3A_153 = tpu.memref_slice %arg8[%dma_wait3A_152] : memref<1600xi32, #tpu.memory_space<vmem>> -> memref<128xi32, #tpu.memory_space<vmem>>
    %dma_wait3A_154 = arith.constant 0 : i32
    %dma_wait3A_155 = tpu.memref_slice %arg2[%dma_wait3A_154] : memref<1000000xf32, #tpu.memory_space<hbm>> -> memref<1000000xf32, #tpu.memory_space<hbm>>
    tpu.wait_indirect_dma semaphore(%arg11 : memref<!tpu.dma_semaphore, #tpu.memory_space<semaphore_mem>>) src(%dma_wait3A_155 : memref<1000000xf32, #tpu.memory_space<hbm>>) dst(%dma_wait3A_151 : memref<128xf32, #tpu.memory_space<vmem>>)
    %dma_wait3A_156 = arith.constant 1536 : i32
    %dma_wait3A_157 = tpu.memref_slice %arg9[%dma_wait3A_156] : memref<1600xf32, #tpu.memory_space<vmem>> -> memref<64xf32, #tpu.memory_space<vmem>>
    %dma_wait3A_158 = arith.constant 1536 : i32
    %dma_wait3A_159 = tpu.memref_slice %arg8[%dma_wait3A_158] : memref<1600xi32, #tpu.memory_space<vmem>> -> memref<64xi32, #tpu.memory_space<vmem>>
    %dma_wait3A_160 = arith.constant 0 : i32
    %dma_wait3A_161 = tpu.memref_slice %arg2[%dma_wait3A_160] : memref<1000000xf32, #tpu.memory_space<hbm>> -> memref<1000000xf32, #tpu.memory_space<hbm>>
    tpu.wait_indirect_dma semaphore(%arg11 : memref<!tpu.dma_semaphore, #tpu.memory_space<semaphore_mem>>) src(%dma_wait3A_161 : memref<1000000xf32, #tpu.memory_space<hbm>>) dst(%dma_wait3A_157 : memref<64xf32, #tpu.memory_space<vmem>>)
    %broadcast_in_dim3A = arith.constant 0.000000e+00 : f32
    %broadcast_in_dim3A_162 = vector.broadcast %broadcast_in_dim3A : f32 to vector<16xf32>
    %scan3A_163 = arith.constant 0 : i32
    %scan3A_164 = arith.constant 100 : i32
    %scan3A_165 = arith.addi %scan3A_163, %scan3A_164 : i32
    %scan3A_166 = arith.constant 1 : i32
    %scan3A_167 = scf.for %scan3A_172 = %scan3A_163 to %scan3A_165 step %scan3A_166 iter_args(%scan3A_173 = %broadcast_in_dim3A_162) -> (vector<16xf32>)  : i32 {
      %mul3A_174 = arith.constant 16 : i32
      %mul3A_175 = arith.muli %scan3A_172, %mul3A_174 : i32
      %multiple_of3A = tpu.assume_multiple %mul3A_175, 16 : i32
      %get3A = arith.index_cast %multiple_of3A : i32 to index
      %get3A_176 = tpu.vector_load %arg9[%get3A] {strides = array<i32>} : memref<1600xf32, #tpu.memory_space<vmem>>, vector<16xf32>,
      %get3A_177 = vector.shape_cast %get3A_176 : vector<16xf32> to vector<16xf32>
      %add3A_178 = arith.addf %scan3A_173, %get3A_177 : vector<16xf32>
      scf.yield %add3A_178 : vector<16xf32>
    }
    %scan3A_168 = arith.constant 100 : i32
    %swap3A = arith.constant 0 : index
    %swap3A_169 = tpu.vector_load %arg10[%swap3A] {strides = array<i32>} : memref<16xf32, #tpu.memory_space<vmem>>, vector<16xf32>,
    %swap3A_170 = vector.shape_cast %swap3A_169 : vector<16xf32> to vector<16xf32>
    %swap3A_171 = vector.shape_cast %scan3A_167 : vector<16xf32> to vector<16xf32>
    tpu.vector_store %arg10[%swap3A], %swap3A_171 {strides = array<i32>} : memref<16xf32, #tpu.memory_space<vmem>>, vector<16xf32>,
    "tpu.region"() ({
      %run_scoped3A = tpu.sem_alloc : memref<!tpu.dma_semaphore, #tpu.memory_space<semaphore_mem>>
      %dma_start3A_172 = arith.constant 0 : i32
      %dma_start3A_173 = tpu.memref_slice %arg5[%add3A, %dma_start3A_172] : memref<32x16xf32, #tpu.memory_space<hbm>> -> memref<1x16xf32, #tpu.memory_space<hbm>>
      %dma_start3A_174 = tpu.memref_squeeze %dma_start3A_173 : memref<1x16xf32, #tpu.memory_space<hbm>> -> memref<16xf32, #tpu.memory_space<hbm>>
      %dma_start3A_175 = arith.constant 0 : i32
      %dma_start3A_176 = tpu.memref_slice %arg5[%add3A, %dma_start3A_175] : memref<32x16xf32, #tpu.memory_space<hbm>> -> memref<1x16xf32, #tpu.memory_space<hbm>>
      %dma_start3A_177 = tpu.memref_squeeze %dma_start3A_176 : memref<1x16xf32, #tpu.memory_space<hbm>> -> memref<16xf32, #tpu.memory_space<hbm>>
      tpu.enqueue_dma source(%arg10 : memref<16xf32, #tpu.memory_space<vmem>>) target(%dma_start3A_177 : memref<16xf32, #tpu.memory_space<hbm>>) target_semaphore(%run_scoped3A : memref<!tpu.dma_semaphore, #tpu.memory_space<semaphore_mem>>)
      %dma_wait3A_178 = arith.constant 0 : i32
      %dma_wait3A_179 = tpu.memref_slice %arg5[%add3A, %dma_wait3A_178] : memref<32x16xf32, #tpu.memory_space<hbm>> -> memref<1x16xf32, #tpu.memory_space<hbm>>
      %dma_wait3A_180 = tpu.memref_squeeze %dma_wait3A_179 : memref<1x16xf32, #tpu.memory_space<hbm>> -> memref<16xf32, #tpu.memory_space<hbm>>
      %dma_wait3A_181 = arith.constant 0 : i32
      %dma_wait3A_182 = tpu.memref_slice %arg5[%add3A, %dma_wait3A_181] : memref<32x16xf32, #tpu.memory_space<hbm>> -> memref<1x16xf32, #tpu.memory_space<hbm>>
      %dma_wait3A_183 = tpu.memref_squeeze %dma_wait3A_182 : memref<1x16xf32, #tpu.memory_space<hbm>> -> memref<16xf32, #tpu.memory_space<hbm>>
      tpu.wait_dma2 semaphore(%run_scoped3A : memref<!tpu.dma_semaphore, #tpu.memory_space<semaphore_mem>>) src(%arg10 : memref<16xf32, #tpu.memory_space<vmem>>) dst(%dma_wait3A_183 : memref<16xf32, #tpu.memory_space<hbm>>)
      tpu.yield
    }) : () -> ()
    return
  }
}

module attributes {stable_mosaic.version = 14 : i64} {
  func.func @_prep_body(%arg0: memref<1000x1000xf32, #tpu.memory_space<vmem>>, %arg1: memref<1000x128xf32, #tpu.memory_space<vmem>>, %arg2: memref<1000x896xf32, #tpu.memory_space<vmem>>, %arg3: memref<1000x104xbf16, #tpu.memory_space<vmem>>, %arg4: memref<1000x104xbf16, #tpu.memory_space<vmem>>, %arg5: memref<1000x1000xbf16, #tpu.memory_space<vmem>>, %arg6: memref<1000x1000xbf16, #tpu.memory_space<vmem>>) attributes {dimension_semantics = [], scalar_prefetch = 0 : i64, scratch_operands = 0 : i64, tpu.core_type = #tpu.core_type<tc>} {
    %get3A = arith.constant 0 : index
    %get3A_0 = arith.constant 0 : index
    %get3A_1 = vector.load %arg0[%get3A, %get3A_0] : memref<1000x1000xf32, #tpu.memory_space<vmem>>, vector<1000x1000xf32>
    %reduce_max3A = arith.constant dense<0xFF800000> : vector<1000xf32>
    %reduce_max3A_2 = vector.multi_reduction <maximumf>, %get3A_1, %reduce_max3A [1] : vector<1000x1000xf32> to vector<1000xf32>
    %broadcast_in_dim3A = vector.shape_cast %reduce_max3A_2 : vector<1000xf32> to vector<1000x1xf32>
    %sub3A = vector.broadcast %broadcast_in_dim3A : vector<1000x1xf32> to vector<1000x1000xf32>
    %sub3A_3 = arith.subf %get3A_1, %sub3A : vector<1000x1000xf32>
    %exp3A = math.exp %sub3A_3 : vector<1000x1000xf32>
    %reduce_sum3A = arith.constant dense<0.000000e+00> : vector<1000xf32>
    %reduce_sum3A_4 = vector.multi_reduction <add>, %exp3A, %reduce_sum3A [1] : vector<1000x1000xf32> to vector<1000xf32>
    %broadcast_in_dim3A_5 = vector.shape_cast %reduce_sum3A_4 : vector<1000xf32> to vector<1000x1xf32>
    %log3A = math.log %broadcast_in_dim3A_5 : vector<1000x1xf32>
    %add3A = arith.addf %broadcast_in_dim3A, %log3A : vector<1000x1xf32>
    %broadcast_in_dim3A_6 = vector.shape_cast %add3A : vector<1000x1xf32> to vector<1000x1xf32>
    %broadcast_in_dim3A_7 = vector.broadcast %broadcast_in_dim3A_6 : vector<1000x1xf32> to vector<1000x128xf32>
    %swap3A = arith.constant 0 : index
    %swap3A_8 = arith.constant 0 : index
    %swap3A_9 = vector.load %arg1[%swap3A, %swap3A_8] : memref<1000x128xf32, #tpu.memory_space<vmem>>, vector<1000x128xf32>
    tpu.vector_store %arg1[%swap3A, %swap3A_8], %broadcast_in_dim3A_7 {strides = array<i32>} : memref<1000x128xf32, #tpu.memory_space<vmem>>, vector<1000x128xf32>,
    %slice3A = vector.extract_strided_slice %get3A_1 {offsets = [0, 0], sizes = [1000, 896], strides = [1, 1]} : vector<1000x1000xf32> to vector<1000x896xf32>
    %swap3A_10 = arith.constant 0 : index
    %swap3A_11 = arith.constant 0 : index
    %swap3A_12 = vector.load %arg2[%swap3A_10, %swap3A_11] : memref<1000x896xf32, #tpu.memory_space<vmem>>, vector<1000x896xf32>
    tpu.vector_store %arg2[%swap3A_10, %swap3A_11], %slice3A {strides = array<i32>} : memref<1000x896xf32, #tpu.memory_space<vmem>>, vector<1000x896xf32>,
    %convert_element_type3A = arith.truncf %get3A_1 : vector<1000x1000xf32> to vector<1000x1000xbf16>
    %convert_element_type3A_13 = arith.extf %convert_element_type3A : vector<1000x1000xbf16> to vector<1000x1000xf32>
    %sub3A_14 = arith.subf %get3A_1, %convert_element_type3A_13 : vector<1000x1000xf32>
    %convert_element_type3A_15 = arith.truncf %sub3A_14 : vector<1000x1000xf32> to vector<1000x1000xbf16>
    %slice3A_16 = vector.extract_strided_slice %convert_element_type3A {offsets = [0, 896], sizes = [1000, 104], strides = [1, 1]} : vector<1000x1000xbf16> to vector<1000x104xbf16>
    %swap3A_17 = arith.constant 0 : index
    %swap3A_18 = arith.constant 0 : index
    %swap3A_19 = vector.load %arg3[%swap3A_17, %swap3A_18] : memref<1000x104xbf16, #tpu.memory_space<vmem>>, vector<1000x104xbf16>
    tpu.vector_store %arg3[%swap3A_17, %swap3A_18], %slice3A_16 {strides = array<i32>} : memref<1000x104xbf16, #tpu.memory_space<vmem>>, vector<1000x104xbf16>,
    %slice3A_20 = vector.extract_strided_slice %convert_element_type3A_15 {offsets = [0, 896], sizes = [1000, 104], strides = [1, 1]} : vector<1000x1000xbf16> to vector<1000x104xbf16>
    %swap3A_21 = arith.constant 0 : index
    %swap3A_22 = arith.constant 0 : index
    %swap3A_23 = vector.load %arg4[%swap3A_21, %swap3A_22] : memref<1000x104xbf16, #tpu.memory_space<vmem>>, vector<1000x104xbf16>
    tpu.vector_store %arg4[%swap3A_21, %swap3A_22], %slice3A_20 {strides = array<i32>} : memref<1000x104xbf16, #tpu.memory_space<vmem>>, vector<1000x104xbf16>,
    %swap3A_24 = arith.constant 0 : index
    %swap3A_25 = arith.constant 0 : index
    %swap3A_26 = vector.load %arg5[%swap3A_24, %swap3A_25] : memref<1000x1000xbf16, #tpu.memory_space<vmem>>, vector<1000x1000xbf16>
    tpu.vector_store %arg5[%swap3A_24, %swap3A_25], %convert_element_type3A {strides = array<i32>} : memref<1000x1000xbf16, #tpu.memory_space<vmem>>, vector<1000x1000xbf16>,
    %swap3A_27 = arith.constant 0 : index
    %swap3A_28 = arith.constant 0 : index
    %swap3A_29 = vector.load %arg6[%swap3A_27, %swap3A_28] : memref<1000x1000xbf16, #tpu.memory_space<vmem>>, vector<1000x1000xbf16>
    tpu.vector_store %arg6[%swap3A_27, %swap3A_28], %convert_element_type3A_15 {strides = array<i32>} : memref<1000x1000xbf16, #tpu.memory_space<vmem>>, vector<1000x1000xbf16>,
    return
  }
}

module attributes {stable_mosaic.version = 14 : i64} {
  func.func @_onehot_mm_body(%arg0: i32, %arg1: memref<1x512xi32, #tpu.memory_space<vmem>>, %arg2: memref<1000x104xbf16, #tpu.memory_space<vmem>>, %arg3: memref<1000x104xbf16, #tpu.memory_space<vmem>>, %arg4: memref<512x104xf32, #tpu.memory_space<vmem>>, %arg5: memref<1000x128xf32, #tpu.memory_space<vmem>>) attributes {dimension_semantics = [#tpu.dimension_semantics<arbitrary>], iteration_bounds = array<i64: 100>, scalar_prefetch = 0 : i64, scratch_operands = 0 : i64, tpu.core_type = #tpu.core_type<tc>, window_params = [{transform_indices = @transform_0, window_bounds = array<i64: 1, 512>}, {pipeline_mode = #tpu.pipeline_mode<synchronous>, transform_indices = @transform_1, window_bounds = array<i64: 1000, 104>}, {pipeline_mode = #tpu.pipeline_mode<synchronous>, transform_indices = @transform_2, window_bounds = array<i64: 1000, 104>}, {transform_indices = @transform_3, window_bounds = array<i64: 512, 104>}, {pipeline_mode = #tpu.pipeline_mode<synchronous>, transform_indices = @transform_4, window_bounds = array<i64: 1000, 128>}]} {
    %get3A = arith.constant 0 : index
    %get3A_0 = arith.constant 0 : index
    %get3A_1 = vector.load %arg1[%get3A, %get3A_0] : memref<1x512xi32, #tpu.memory_space<vmem>>, vector<1x512xi32>
    %convert_element_type3A = arith.trunci %get3A_1 : vector<1x512xi32> to vector<1x512xi16>
    %broadcast_in_dim3A = vector.shape_cast %convert_element_type3A : vector<1x512xi16> to vector<1x512xi16>
    %broadcast_in_dim3A_2 = vector.broadcast %broadcast_in_dim3A : vector<1x512xi16> to vector<1000x512xi16>
    %iota3A = tpu.iota {dimensions = array<i32: 0>} : vector<1000x512xi16>
    %eq3A = arith.cmpi eq, %broadcast_in_dim3A_2, %iota3A : vector<1000x512xi16>
    %convert_element_type3A_3 = arith.extui %eq3A : vector<1000x512xi1> to vector<1000x512xi32>
    %convert_element_type3A_4 = arith.sitofp %convert_element_type3A_3 : vector<1000x512xi32> to vector<1000x512xf32>
    %convert_element_type3A_5 = arith.truncf %convert_element_type3A_4 : vector<1000x512xf32> to vector<1000x512xbf16>
    %get3A_6 = arith.constant 0 : index
    %get3A_7 = arith.constant 0 : index
    %get3A_8 = vector.load %arg2[%get3A_6, %get3A_7] : memref<1000x104xbf16, #tpu.memory_space<vmem>>, vector<1000x104xbf16>
    %dot_general3A = arith.constant dense<0.000000e+00> : vector<512x104xf32>
    %dot_general3A_9 = tpu.matmul %convert_element_type3A_5, %get3A_8, %dot_general3A {dimension_numbers = #tpu.dot_dimension_numbers<[0], [0], [1], [1], [0, 1, 1, 1], [], []>, transpose_lhs_hint = false} : vector<1000x512xbf16>, vector<1000x104xbf16>, vector<512x104xf32> -> vector<512x104xf32>
    %get3A_10 = arith.constant 0 : index
    %get3A_11 = arith.constant 0 : index
    %get3A_12 = vector.load %arg3[%get3A_10, %get3A_11] : memref<1000x104xbf16, #tpu.memory_space<vmem>>, vector<1000x104xbf16>
    %dot_general3A_13 = arith.constant dense<0.000000e+00> : vector<512x104xf32>
    %dot_general3A_14 = tpu.matmul %convert_element_type3A_5, %get3A_12, %dot_general3A_13 {dimension_numbers = #tpu.dot_dimension_numbers<[0], [0], [1], [1], [0, 1, 1, 1], [], []>, transpose_lhs_hint = false} : vector<1000x512xbf16>, vector<1000x104xbf16>, vector<512x104xf32> -> vector<512x104xf32>
    %add3A = arith.addf %dot_general3A_9, %dot_general3A_14 : vector<512x104xf32>
    %swap3A = arith.constant 0 : index
    %swap3A_15 = arith.constant 0 : index
    %swap3A_16 = vector.load %arg4[%swap3A, %swap3A_15] : memref<512x104xf32, #tpu.memory_space<vmem>>, vector<512x104xf32>
    tpu.vector_store %arg4[%swap3A, %swap3A_15], %add3A {strides = array<i32>} : memref<512x104xf32, #tpu.memory_space<vmem>>, vector<512x104xf32>,
    %convert_element_type3A_17 = arith.extf %convert_element_type3A_5 : vector<1000x512xbf16> to vector<1000x512xf32>
    %reduce_sum3A = arith.constant dense<0.000000e+00> : vector<1000xf32>
    %reduce_sum3A_18 = vector.multi_reduction <add>, %convert_element_type3A_17, %reduce_sum3A [1] : vector<1000x512xf32> to vector<1000xf32>
    %broadcast_in_dim3A_19 = vector.shape_cast %reduce_sum3A_18 : vector<1000xf32> to vector<1000x1xf32>
    %broadcast_in_dim3A_20 = vector.shape_cast %broadcast_in_dim3A_19 : vector<1000x1xf32> to vector<1000x1xf32>
    %broadcast_in_dim3A_21 = vector.broadcast %broadcast_in_dim3A_20 : vector<1000x1xf32> to vector<1000x128xf32>
    %eq3A_22 = arith.constant 0 : i32
    %eq3A_23 = arith.cmpi eq, %arg0, %eq3A_22 : i32
    %convert_element_type3A_24 = arith.extui %eq3A_23 : i1 to i32
    %cond3A = arith.constant 0 : i32
    %cond3A_25 = arith.cmpi ne, %convert_element_type3A_24, %cond3A : i32
    scf.if %cond3A_25 {
      %swap3A_30 = arith.constant 0 : index
      %swap3A_31 = arith.constant 0 : index
      %swap3A_32 = vector.load %arg5[%swap3A_30, %swap3A_31] : memref<1000x128xf32, #tpu.memory_space<vmem>>, vector<1000x128xf32>
      tpu.vector_store %arg5[%swap3A_30, %swap3A_31], %broadcast_in_dim3A_21 {strides = array<i32>} : memref<1000x128xf32, #tpu.memory_space<vmem>>, vector<1000x128xf32>,
    } else {
    }
    %ne3A = arith.constant 0 : i32
    %ne3A_26 = arith.cmpi ne, %arg0, %ne3A : i32
    %convert_element_type3A_27 = arith.extui %ne3A_26 : i1 to i32
    %cond3A_28 = arith.constant 0 : i32
    %cond3A_29 = arith.cmpi ne, %convert_element_type3A_27, %cond3A_28 : i32
    scf.if %cond3A_29 {
      %get3A_30 = arith.constant 0 : index
      %get3A_31 = arith.constant 0 : index
      %get3A_32 = vector.load %arg5[%get3A_30, %get3A_31] : memref<1000x128xf32, #tpu.memory_space<vmem>>, vector<1000x128xf32>
      %add3A_33 = arith.addf %get3A_32, %broadcast_in_dim3A_21 : vector<1000x128xf32>
      %swap3A_34 = arith.constant 0 : index
      %swap3A_35 = arith.constant 0 : index
      %swap3A_36 = vector.load %arg5[%swap3A_34, %swap3A_35] : memref<1000x128xf32, #tpu.memory_space<vmem>>, vector<1000x128xf32>
      tpu.vector_store %arg5[%swap3A_34, %swap3A_35], %add3A_33 {strides = array<i32>} : memref<1000x128xf32, #tpu.memory_space<vmem>>, vector<1000x128xf32>,
    } else {
    }
    return
  }
  func.func @transform_0(%arg0: i32) -> (i32, i32) {
    %c0_i32 = arith.constant 0 : i32
    %c0_i32_0 = arith.constant 0 : i32
    return %c0_i32, %arg0 : i32, i32
  }
  func.func @transform_1(%arg0: i32) -> (i32, i32) {
    %c0_i32 = arith.constant 0 : i32
    %c0_i32_0 = arith.constant 0 : i32
    %c0_i32_1 = arith.constant 0 : i32
    return %c0_i32, %c0_i32_0 : i32, i32
  }
  func.func @transform_2(%arg0: i32) -> (i32, i32) {
    %c0_i32 = arith.constant 0 : i32
    %c0_i32_0 = arith.constant 0 : i32
    %c0_i32_1 = arith.constant 0 : i32
    return %c0_i32, %c0_i32_0 : i32, i32
  }
  func.func @transform_3(%arg0: i32) -> (i32, i32) {
    %c0_i32 = arith.constant 0 : i32
    %c0_i32_0 = arith.constant 0 : i32
    return %arg0, %c0_i32 : i32, i32
  }
  func.func @transform_4(%arg0: i32) -> (i32, i32) {
    %c0_i32 = arith.constant 0 : i32
    %c0_i32_0 = arith.constant 0 : i32
    %c0_i32_1 = arith.constant 0 : i32
    return %c0_i32, %c0_i32_0 : i32, i32
  }
}

module attributes {stable_mosaic.version = 14 : i64} {
  func.func @_onehot_mm_body(%arg0: i32, %arg1: memref<1x2048xi32, #tpu.memory_space<vmem>>, %arg2: memref<1000x1000xbf16, #tpu.memory_space<vmem>>, %arg3: memref<1000x1000xbf16, #tpu.memory_space<vmem>>, %arg4: memref<2048x1000xf32, #tpu.memory_space<vmem>>) attributes {dimension_semantics = [#tpu.dimension_semantics<arbitrary>], iteration_bounds = array<i64: 1>, scalar_prefetch = 0 : i64, scratch_operands = 0 : i64, tpu.core_type = #tpu.core_type<tc>, window_params = [{transform_indices = @transform_0, window_bounds = array<i64: 1, 2048>}, {pipeline_mode = #tpu.pipeline_mode<synchronous>, transform_indices = @transform_1, window_bounds = array<i64: 1000, 1000>}, {pipeline_mode = #tpu.pipeline_mode<synchronous>, transform_indices = @transform_2, window_bounds = array<i64: 1000, 1000>}, {transform_indices = @transform_3, window_bounds = array<i64: 2048, 1000>}]} {
    %get3A = arith.constant 0 : index
    %get3A_0 = arith.constant 0 : index
    %get3A_1 = vector.load %arg1[%get3A, %get3A_0] : memref<1x2048xi32, #tpu.memory_space<vmem>>, vector<1x2048xi32>
    %broadcast_in_dim3A = vector.shape_cast %get3A_1 : vector<1x2048xi32> to vector<1x2048xi32>
    %broadcast_in_dim3A_2 = vector.broadcast %broadcast_in_dim3A : vector<1x2048xi32> to vector<1000x2048xi32>
    %iota3A = tpu.iota {dimensions = array<i32: 0>} : vector<1000x2048xi32>
    %eq3A = arith.cmpi eq, %broadcast_in_dim3A_2, %iota3A : vector<1000x2048xi32>
    %convert_element_type3A = arith.extui %eq3A : vector<1000x2048xi1> to vector<1000x2048xi32>
    %convert_element_type3A_3 = arith.sitofp %convert_element_type3A : vector<1000x2048xi32> to vector<1000x2048xf32>
    %convert_element_type3A_4 = arith.truncf %convert_element_type3A_3 : vector<1000x2048xf32> to vector<1000x2048xbf16>
    %get3A_5 = arith.constant 0 : index
    %get3A_6 = arith.constant 0 : index
    %get3A_7 = vector.load %arg2[%get3A_5, %get3A_6] : memref<1000x1000xbf16, #tpu.memory_space<vmem>>, vector<1000x1000xbf16>
    %dot_general3A = arith.constant dense<0.000000e+00> : vector<2048x1000xf32>
    %dot_general3A_8 = tpu.matmul %convert_element_type3A_4, %get3A_7, %dot_general3A {dimension_numbers = #tpu.dot_dimension_numbers<[0], [0], [1], [1], [0, 1, 1, 1], [], []>, transpose_lhs_hint = false} : vector<1000x2048xbf16>, vector<1000x1000xbf16>, vector<2048x1000xf32> -> vector<2048x1000xf32>
    %get3A_9 = arith.constant 0 : index
    %get3A_10 = arith.constant 0 : index
    %get3A_11 = vector.load %arg3[%get3A_9, %get3A_10] : memref<1000x1000xbf16, #tpu.memory_space<vmem>>, vector<1000x1000xbf16>
    %dot_general3A_12 = arith.constant dense<0.000000e+00> : vector<2048x1000xf32>
    %dot_general3A_13 = tpu.matmul %convert_element_type3A_4, %get3A_11, %dot_general3A_12 {dimension_numbers = #tpu.dot_dimension_numbers<[0], [0], [1], [1], [0, 1, 1, 1], [], []>, transpose_lhs_hint = false} : vector<1000x2048xbf16>, vector<1000x1000xbf16>, vector<2048x1000xf32> -> vector<2048x1000xf32>
    %add3A = arith.addf %dot_general3A_8, %dot_general3A_13 : vector<2048x1000xf32>
    %swap3A = arith.constant 0 : index
    %swap3A_14 = arith.constant 0 : index
    %swap3A_15 = vector.load %arg4[%swap3A, %swap3A_14] : memref<2048x1000xf32, #tpu.memory_space<vmem>>, vector<2048x1000xf32>
    tpu.vector_store %arg4[%swap3A, %swap3A_14], %add3A {strides = array<i32>} : memref<2048x1000xf32, #tpu.memory_space<vmem>>, vector<2048x1000xf32>,
    return
  }
  func.func @transform_0(%arg0: i32) -> (i32, i32) {
    %c0_i32 = arith.constant 0 : i32
    %c0_i32_0 = arith.constant 0 : i32
    return %c0_i32, %arg0 : i32, i32
  }
  func.func @transform_1(%arg0: i32) -> (i32, i32) {
    %c0_i32 = arith.constant 0 : i32
    %c0_i32_0 = arith.constant 0 : i32
    %c0_i32_1 = arith.constant 0 : i32
    return %c0_i32, %c0_i32_0 : i32, i32
  }
  func.func @transform_2(%arg0: i32) -> (i32, i32) {
    %c0_i32 = arith.constant 0 : i32
    %c0_i32_0 = arith.constant 0 : i32
    %c0_i32_1 = arith.constant 0 : i32
    return %c0_i32, %c0_i32_0 : i32, i32
  }
  func.func @transform_3(%arg0: i32) -> (i32, i32) {
    %c0_i32 = arith.constant 0 : i32
    %c0_i32_0 = arith.constant 0 : i32
    return %arg0, %c0_i32 : i32, i32
  }
}

module attributes {stable_mosaic.version = 14 : i64} {
  func.func @_loss_body(%arg0: memref<32x16xf32, #tpu.memory_space<vmem>>, %arg1: memref<1000x128xf32, #tpu.memory_space<vmem>>, %arg2: memref<1000x128xf32, #tpu.memory_space<vmem>>, %arg3: memref<1x1xf32, #tpu.memory_space<smem>>) attributes {dimension_semantics = [], scalar_prefetch = 0 : i64, scratch_operands = 0 : i64, tpu.core_type = #tpu.core_type<tc>} {
    %get3A = arith.constant 0 : index
    %get3A_0 = arith.constant 0 : index
    %get3A_1 = vector.load %arg1[%get3A, %get3A_0] : memref<1000x128xf32, #tpu.memory_space<vmem>>, vector<1000x1xf32>
    %get3A_2 = arith.constant 0 : index
    %get3A_3 = arith.constant 0 : index
    %get3A_4 = vector.load %arg2[%get3A_2, %get3A_3] : memref<1000x128xf32, #tpu.memory_space<vmem>>, vector<1000x1xf32>
    %mul3A = arith.mulf %get3A_1, %get3A_4 : vector<1000x1xf32>
    %reduce_sum3A = vector.shape_cast %mul3A : vector<1000x1xf32> to vector<1x1000x1xf32>
    %reduce_sum3A_5 = arith.constant dense<0.000000e+00> : vector<1xf32>
    %reduce_sum3A_6 = vector.multi_reduction <add>, %reduce_sum3A, %reduce_sum3A_5 [1, 2] : vector<1x1000x1xf32> to vector<1xf32>
    %reduce_sum3A_7 = vector.shape_cast %reduce_sum3A_6 : vector<1xf32> to vector<1x1x1xf32>
    %reduce_sum3A_8 = vector.extract %reduce_sum3A_7[0, 0, 0] : f32 from vector<1x1x1xf32>
    %get3A_9 = arith.constant 0 : index
    %get3A_10 = arith.constant 0 : index
    %get3A_11 = vector.load %arg0[%get3A_9, %get3A_10] : memref<32x16xf32, #tpu.memory_space<vmem>>, vector<32x16xf32>
    %reduce_sum3A_12 = vector.shape_cast %get3A_11 : vector<32x16xf32> to vector<1x32x16xf32>
    %reduce_sum3A_13 = arith.constant dense<0.000000e+00> : vector<1xf32>
    %reduce_sum3A_14 = vector.multi_reduction <add>, %reduce_sum3A_12, %reduce_sum3A_13 [1, 2] : vector<1x32x16xf32> to vector<1xf32>
    %reduce_sum3A_15 = vector.shape_cast %reduce_sum3A_14 : vector<1xf32> to vector<1x1x1xf32>
    %reduce_sum3A_16 = vector.extract %reduce_sum3A_15[0, 0, 0] : f32 from vector<1x1x1xf32>
    %sub3A = arith.subf %reduce_sum3A_8, %reduce_sum3A_16 : f32
    %div3A = arith.constant 5.120000e+04 : f32
    %div3A_17 = arith.divf %sub3A, %div3A : f32
    %swap3A = arith.constant 0 : index
    %swap3A_18 = arith.constant 0 : index
    %swap3A_19 = memref.load %arg3[%swap3A, %swap3A_18] : memref<1x1xf32, #tpu.memory_space<smem>>
    memref.store %div3A_17, %arg3[%swap3A, %swap3A_18] : memref<1x1xf32, #tpu.memory_space<smem>>
    return
  }
}

</mosaic_0001>

<sc_bundles>
// kernel: kernel.11.cloned.1.call-start
scs
__scs_entry_jumppad:
0x0: {  	(pc) =	sbr.rel $0x88, $3  }
0x1: {  	(tag) =	ssettag $0x0;
	lr =	simm.s32 $0x1  }
0x2: {  	[smem:$0x3F9E] =	sst lr;
	_ =	strace $0xD0000000  }
0x3: {  	_ = 	snop  }
0x4: {  	_ = 	snop  }
0x5: {  	_ = 	snop  }
0x6: {  	_ = 	snop  }
0x7: {  	_ = 	snop  }
__scs_overlays_trampoline_lowered:
0x8: {  	[smem:$0x3FAD] =	sst s0  }
0x9: {  	[smem:$0x3FAE] =	sst s1  }
0xa: {  	[smem:$0x3FAF] =	sst s2  }
0xb: {  	[smem:$0x3FB0] =	sst s3  }
0xc: {  	[smem:$0x3FB1] =	sst s4  }
0xd: {  	[smem:$0x3FB2] =	sst s5  }
0xe: {  	[smem:$0x3FB3] =	sst s6  }
0xf: {  	[smem:$0x3FB4] =	sst s7  }
0x10: {  	[smem:$0x3FB5] =	sst s8  }
0x11: {  	[smem:$0x3FB6] =	sst s9;
	s0 =	simm.s32 @!p0 $0x0  }
0x12: {  	s1 =	sld [smem:$0x3F9C];
	s0 =	simm.s32 @p0 $0x1  }
0x13: {  	[smem:$0x3FB7] =	sst s0;
	s0 =	simm.s32 @!p1 $0x0  }
0x14: {  	s2 =	sld [smem:$0x3F9B];
	s0 =	simm.s32 @p1 $0x1  }
0x15: {  	[smem:$0x3FB8] =	sst s0;
	s0 =	simm.s32 @!p2 $0x0  }
0x16: {  	s3 =	sld [smem:$0x3FDB];
	s0 =	simm.s32 @p2 $0x1  }
0x17: {  	s4 =	simm.s32 $0x1BF5;
	[smem:$0x3FBA] =	sst s0  }
0x18: {  	s0 =	sld [smem:$0x3F9D];
	_ =	swait.ge [sflag:s4], $0x0  }
0x19: {  	s7 =	sld [smem:$0x3F9E]  }
0x1a: {  	s8 =	sadd.s32 $0xFFFFE003, lr  }
0x1b: {  	s9 =	sadd.s32 $0xFFFFFEF7, lr;
	s5 =	simm.s32 $0xFFFFFFFF;
	p2 =	slt.u32 s8, $0xFFFFF086  }
0x1c: {  	p1 =	slt.u32 s9, $0xF7A;
	s5 =	simm.s32 @!p2 $0x0  }
0x1d: {  	s5 =	simm.s32 @p1 $0x1;
	p0 =	seq.s32 s7, s2  }
0x1e: {  	s7 =	smul.u32 @!p0 $0xF7A, s2;
	p2 =	seq.s32 @!p0 s5, $0x0  }
0x1f: {  	s9 =	smul.u32 $0xF7A, s1;
	s8 =	simm.s32 @!p0 $0x1BF5;
	p2 =	por !p2, p0  }
0x20: {  	[sflag:s8] =	ssyncset.s32 @!p0 $0xFFFFF086;
	s6 =	sadd.s32 @!p0 s3, s7;
	s7 =	simm.s32 @!p0 $0x108  }
0x21: {  	s3 =	sadd.s32 s3, s9;
	s6 =	sadd.s32 @!p0 $0x88, s6;
	s7 =	simm.s32 @p2 $0x1082  }
0x22: {  	[simem:s7], [sflag:s8] =	dma.local @!p0 [hbm:s6], $0xF7A  }
0x23: {  	s9 =	sor.u32 $0xD0000000, s2;
	s6 =	simm.s32 $0x108;
	_ =	swait.ge @!p0 [sflag:s8], $0x0  }
0x24: {  	s3 =	sadd.s32 $0x88, s3;
	s6 =	simm.s32 @!p1 $0x1082;
	[sflag:s4] =	ssyncset.s32 $0xFFFFF086  }
0x25: {  	[simem:s6], [sflag:s4] =	dma.local [hbm:s3], $0xF7A  }
0x26: {  	[smem:$0x3F9E] =	sst s1;
	(tag) =	ssettag s2;
	_ =	strace s9  }
0x27: {  	s1 =	sld [smem:$0x3FAE]  }
0x28: {  	s2 =	sld [smem:$0x3FAF]  }
0x29: {  	s4 =	sld [smem:$0x3FB1]  }
0x2a: {  	p0 =	seq.s32 s5, $0x0;
	s5 =	sld [smem:$0x3FB2]  }
0x2b: {  	s6 =	sld [smem:$0x3FB3]  }
0x2c: {  	s7 =	sld [smem:$0x3FB4]  }
0x2d: {  	s3 =	simm.s32 $0x108;
	s8 =	sld [smem:$0x3FB5]  }
0x2e: {  	s3 =	simm.s32 @!p0 $0x1082;
	s9 =	sld [smem:$0x3FB6]  }
0x2f: {  	lr =	sadd.s32 s0, s3;
	s0 =	sld [smem:$0x3FAD]  }
0x30: {  	s3 =	sld [smem:$0x3FB0]  }
0x31: {  	[smem:$0x3FB9] =	sst s10  }
0x32: {  	s10 =	sld [smem:$0x3FB7];
	_ =	sdelay $0x3  }
0x33: {  	p0 =	seq.s32 s10, $0x1;
	s10 =	sld [smem:$0x3FB9];
	_ =	sdelay $0x3  }
0x34: {  	[smem:$0x3FB9] =	sst s10  }
0x35: {  	s10 =	sld [smem:$0x3FB8];
	_ =	sdelay $0x3  }
0x36: {  	p1 =	seq.s32 s10, $0x1;
	s10 =	sld [smem:$0x3FB9];
	_ =	sdelay $0x3  }
0x37: {  	[smem:$0x3FB9] =	sst s10  }
0x38: {  	s10 =	sld [smem:$0x3FBA]  }
0x39: {  	_ = 	snop;
	(pc) =	sbr.ind lr, $3  }
0x3a: {  	_ = 	snop  }
0x3b: {  	_ = 	snop  }
0x3c: {  	p2 =	seq.s32 s10, $0x1;
	s10 =	sld [smem:$0x3FB9]  }
0x3d: {  	_ =	shalt  }
0x3e: {  	_ =	shalt  }
0x3f: {  	_ =	shalt  }
0x40: {  	_ =	shalt  }
0x41: {  	_ =	shalt  }
0x42: {  	_ =	shalt  }
0x43: {  	_ =	shalt  }
0x44: {  	_ =	shalt  }
0x45: {  	_ =	shalt  }
0x46: {  	_ =	shalt  }
0x47: {  	_ =	shalt  }
0x48: {  	_ =	shalt  }
0x49: {  	_ =	shalt  }
0x4a: {  	_ =	shalt  }
0x4b: {  	_ =	shalt  }
0x4c: {  	_ =	shalt  }
0x4d: {  	_ =	shalt  }
0x4e: {  	_ =	shalt  }
0x4f: {  	_ =	shalt  }
0x50: {  	_ =	shalt  }
0x51: {  	_ =	shalt  }
0x52: {  	_ =	shalt  }
0x53: {  	_ =	shalt  }
0x54: {  	_ =	shalt  }
0x55: {  	_ =	shalt  }
0x56: {  	_ =	shalt  }
0x57: {  	_ =	shalt  }
0x58: {  	_ =	shalt  }
0x59: {  	_ =	shalt  }
0x5a: {  	_ =	shalt  }
0x5b: {  	_ =	shalt  }
0x5c: {  	_ =	shalt  }
0x5d: {  	_ =	shalt  }
0x5e: {  	_ =	shalt  }
0x5f: {  	_ =	shalt  }
0x60: {  	_ =	shalt  }
0x61: {  	_ =	shalt  }
0x62: {  	_ =	shalt  }
0x63: {  	_ =	shalt  }
0x64: {  	_ =	shalt  }
0x65: {  	_ =	shalt  }
0x66: {  	_ =	shalt  }
0x67: {  	_ =	shalt  }
0x68: {  	_ =	shalt  }
0x69: {  	_ =	shalt  }
0x6a: {  	_ =	shalt  }
0x6b: {  	_ =	shalt  }
0x6c: {  	_ =	shalt  }
0x6d: {  	_ =	shalt  }
0x6e: {  	_ =	shalt  }
0x6f: {  	_ =	shalt  }
0x70: {  	_ =	shalt  }
0x71: {  	_ =	shalt  }
0x72: {  	_ =	shalt  }
0x73: {  	_ =	shalt  }
0x74: {  	_ =	shalt  }
0x75: {  	_ =	shalt  }
0x76: {  	_ =	shalt  }
0x77: {  	_ =	shalt  }
0x78: {  	_ =	shalt  }
0x79: {  	_ =	shalt  }
0x7a: {  	_ =	shalt  }
0x7b: {  	_ =	shalt  }
0x7c: {  	_ =	shalt  }
0x7d: {  	_ =	shalt  }
0x7e: {  	_ =	shalt  }
0x7f: {  	_ =	shalt  }
0x80: {  	_ =	shalt  }
0x81: {  	_ =	shalt  }
0x82: {  	_ =	shalt  }
0x83: {  	_ =	shalt  }
0x84: {  	_ =	shalt  }
0x85: {  	_ =	shalt  }
0x86: {  	_ =	shalt  }
0x87: {  	_ =	shalt  }
.Lfunc_end0:
.L_simem_size_0:
called_computation.2_lowered:
.L_overlay_start_0:
0x88: {  	s2 =	sld [smem:$0x3FD9]  }
0x89: {  	s3 =	sld [smem:$0x3FFE];
	_ =	sdelay $0x1  }
0x8a: {  	s1 =	srdreg.scid  }
0x8b: {  	s0 =	sand.u32 $0x1, s1  }
0x8c: {  	s16 =	sshll.u32 s0, $0xA;
	s2 =	sadd.s32 s3, s2  }
0x8d: {  	s2 =	sadd.s32 s2, s16  }
0x8e: {  	[smem:$0x3FC5] =	sst s2  }
0x8f: {  	_ = 	snop  }
0x90: {  	(tm) =	ssettm $0x1  }
0x91: {  	s17 =	sld [smem:$0x3FFB];
	_ =	sdelay $0x3  }
0x92: {  	_ =	strace s17  }
0x93: {  	s2 =	sld [smem:$0x3FFC];
	_ =	sdelay $0x3  }
0x94: {  	_ =	strace s2  }
0x95: {  	s2 =	sld [smem:$0x3FFD];
	_ =	sdelay $0x3  }
0x96: {  	_ =	strace s2  }
0x97: {  	_ =	strace $0x8FFFFFFF  }
0x98: {  	s18 =	sld [smem:$0x3FDB];
	_ =	sdelay $0x1  }
0x99: {  	s19 =	simm.s32 $_scs_section_size  }
0x9a: {  	s4 =	simm.s32 $_size__tile_overlayer_lowered;
	s5 =	simm.s32 $_tile_overlayer_lowered  }
0x9b: {  	s22 =	simm.s32 $0x1BFF;
	s21 =	sshll.u32 s5, $0x1;
	s2 =	sadd.s32 s19, s18  }
0x9c: {  	s6 =	simm.s32 $0x0;
	s20 =	sshll.u32 s4, $0x1;
	s4 =	sadd.s32 s21, s2  }
0x9d: {  	[timem:s6], [sflag:s22] =	dma.local [hbm:s4], s20  }
0x9e: {  	_ =	swait.ge [sflag:s22], s20  }
0x9f: {  	s3 =	ssub.s32 $0x0, s20;
	[sflag:s22] =	ssyncset.done $0x0  }
0xa0: {  	[sflag:s22] =	ssyncadd.s32 s3;
	_ =	sdelay $0x1  }
0xa1: {  	s23 =	simm.s32 $0x1B8B  }
0xa2: {  	_ =	swait.ge [sflag:s23], $0x1  }
0xa3: {  	[sflag:s23] =	ssyncset.done $0x0  }
0xa4: {  	s25 =	simm.s32 $0x1B8E;
	s24 =	sld [smem:$0x3FFE];
	[sflag:s23] =	ssyncadd.s32 $0xFFFFFFFF  }
0xa5: {  	s26 =	simm.s32 $execute0_lowered;
	[smem:$0x3FD2] =	sst s25  }
0xa6: {  	s4 =	sshll.u32 s26, $0x1;
	_ =	strace $0x80000046;
	[dreg:$0x1] =	wrdreg $0xFFFFFFFF  }
0xa7: {  	s28 =	simm.s32 $_size_execute0_lowered;
	s2 =	sadd.s32 s2, s4;
	[dreg:$0x0] =	wrdreg $0x0  }
0xa8: {  	s4 =	sshll.u32 s28, $0x1;
	[dreg:$0x2] =	wrdreg s2  }
0xa9: {  	[dreg:$0x3] =	wrdreg s4  }
0xaa: {  	[dreg:$0x4] =	wrdreg $0xC0  }
0xab: {  	_ =	task [dreg:s6], $0x5FFFF  }
0xac: {  	[dreg:$0x1] =	wrdreg $0xFFFFFFFF  }
0xad: {  	[dreg:$0x0] =	wrdreg $0x60  }
0xae: {  	[dreg:$0x2] =	wrdreg s24  }
0xaf: {  	[dreg:$0x3] =	wrdreg $0xA  }
0xb0: {  	_ =	task.clear_ibuf [dreg:s6], $0x4FFFF;
	_ =	strace $0x90000046  }
0xb1: {  	s29 =	simm.s32 $0xA;
	_ =	strace $0x80000048  }
0xb2: {  	_ =	swait.ge [sflag:s29], $0x1  }
0xb3: {  	[sflag:s29] =	ssyncadd.s32 $0xFFFFFFFF  }
0xb4: {  	_ =	strace $0x90000048  }
0xb5: {  	_ =	sfence  }
0xb6: {  	s30 =	sld [smem:$0x0];
	_ =	sdelay $0x2  }
0xb7: {  	s31 =	sshll.u32 s1, $0xD;
	s1 =	sshrl.u32 s1, $0x2  }
0xb8: {  	s3 =	sand.u32 $0x4000, s31;
	s1 =	sadd.s32 s1, s30  }
0xb9: {  	s0 =	sor.u32 s3, s0;
	s1 =	sshll.u32 s1, $0x11  }
0xba: {  	s0 =	sor.u32 s1, s0  }
0xbb: {  	s0 =	sadd.s32 $0x8F2B, s0  }
0xbc: {  	[sflag:s0] =	ssyncadd.remote.s32 $0x1  }
0xbd: {  	_ =	sfence.sel $0xFFFF  }
0xbe: {  	[dreg:$0x0] =	wrdreg $0xFFFFFFFF;
	(pc) =	sbr.abs _section_cstart, $3  }
0xbf: {  	[dreg:$0x1] =	wrdreg $0xFFFFFFFF  }
0xc0: {  	_ =	task.clear_ibuf [dreg:s6], $0x2FFFF;
	_ =	strace $0x9FFFFFFF  }
0xc1: {  	(tm) =	ssettm $0x7FFFFFFF  }
tec
execute0_lowered:
.L_overlay_start_1:
0x0: {  	(tag) =	ssettag $0x1  }
0x1: {  	s0 =	srdreg.scid  }
0x2: {  	s2 =	stileid.u32;
	s1 =	rddreg [dreg:$0x0];
	s30 =	simm.s32 $0xAE00  }
0x3: {  	s26 =	simm.s32 $0x1C00;
	s28 =	simm.s32 $0x2000;
	s23 =	simm.s32 $0x3  }
0x4: {  	s31 =	simm.s32 $0x5;
	s13 =	simm.s32 $0xA;
	s14 =	simm.s32 $0x7  }
0x5: {  	s15 =	simm.s32 $0xB;
	s20 =	simm.s32 $0x8;
	s17 =	simm.s32 $0xC  }
0x6: {  	s12 =	simm.s32 $0x0;
	s25 =	simm.s32 $0x15600;
	s0 =	sand.u32 $0x1, s0  }
0x7: {  	s3 =	sshll.u32 s2, $0x1;
	s2 =	simm.s32 $0x0;
	s8 =	sadd.s32 $0x3800, s1  }
0x8: {  	s9 =	sadd.s32 $0x3900, s1;
	s5 =	sor.u32 s0, s3;
	[smem:$0x7FF] =	sst s2  }
0x9: {  	s0 =	ssub.s32 $0x2, s0;
	s3 =	sadd.s32 $0x3600, s1;
	s4 =	smul.u32 $0xC0, s5  }
.Ltmp0:
0xa: {  	_ =	strace $0x80000047;
	s6 =	sshrl.u32 s0, $0x1;
	(pc) =	sbr.rel .LBB2_1-.Ltmp0, $4  }
0xb: {  	s5 =	sshll.u32 s5, $0x5;
	s0 =	ssub.s32 s0, s6;
	s6 =	simm.s32 $0x4  }
0xc: {  	v2 =	vlaneseq.u32;
	s7 =	sadd.s32 s4, s1;
	s4 =	sadd.s32 $0x45800, s1;
	s0 =	smax.u32 s0, $0x1  }
0xd: {  	vm0 =	vmmov $0xffff;
	vm1 =	vmmov $0xff;
	v1 =	vshrl.u32 v2, $0x3;
	s29 =	sadd.s32 $0x44000, s7;
	s7 =	sadd.s32 $0x3700, s1;
	[dreg:$0x3] =	wrdreg s0  }
0xe: {  	v0 =	vand.u32 $0x7, v2;
	v2 =	vor.u32 $0x8, v2;
	v1 =	vmul.u32 $0x8, v1;
	s1 =	simm.s32 $0x9;
	s0 =	simm.s32 $0x6;
	[dreg:$0x2] =	wrdreg s29  }
.LBB2_4:
0xf: {  	s10 =	simm.s32 $0xD  }
0x10: {  	_ =	swait.ge [sflag:s10], $0x3800  }
0x11: {  	[sflag:s10] =	ssyncset.done $0x0  }
0x12: {  	s22 =	simm.s32 $0xE;
	[sflag:s10] =	ssyncadd.s32 $0xFFFFC800  }
0x13: {  	_ =	swait.ge [sflag:s22], $0x3800  }
0x14: {  	[sflag:s22] =	ssyncset.done $0x0  }
0x15: {  	s24 =	simm.s32 $0xF;
	[sflag:s22] =	ssyncadd.s32 $0xFFFFC800  }
0x16: {  	_ =	swait.ge [sflag:s24], $0x3800  }
0x17: {  	[sflag:s24] =	ssyncset.done $0x0  }
0x18: {  	s29 =	simm.s32 $0x10;
	[sflag:s24] =	ssyncadd.s32 $0xFFFFC800  }
0x19: {  	_ =	swait.ge [sflag:s29], $0x3800  }
0x1a: {  	s12 =	rddreg [dreg:$0x4]  }
0x1b: {  	s11 =	rddreg [dreg:$0x3];
	s12 =	sadd.s32 $0x1, s12  }
0x1c: {  	p0 =	sne.s32 s12, s11  }
.Ltmp1:
0x1d: {  	_ = 	snop;
	(pc) =	sbr.rel @!p0 .LBB2_5-.Ltmp1, $3  }
0x1e: {  	_ =	sdelay $0x1  }
0x1f: {  	[sflag:s29] =	ssyncset.done $0x0  }
0x20: {  	s30 =	simm.s32 $0xAE00;
	[sflag:s29] =	ssyncadd.s32 $0xFFFFC800  }
.LBB2_1:
0x21: {  	[dreg:$0x4] =	wrdreg s12  }
0x22: {  	s11 =	rddreg [dreg:$0x2];
	s19 =	simm.s32 $0x11  }
0x23: {  	[tilespmem:s2], [sflag:$0x11] =	stream.linear.gather [hbm4b:s11+s2], $0x600, $0x38;
	[tilespmem:$0x1C600] =	vst v63  }
0x24: {  	_ =	swait.ge [sflag:s19], $0x600  }
0x25: {  	[sflag:s19] =	ssyncset.done $0x0  }
0x26: {  	[sflag:s19] =	ssyncadd.s32 $0xFFFFFA00  }
0x27: {  	v3 =	vld [tilespmem:$0x0];
	_ =	sdelay $0x4  }
0x28: {  	v4 =	vshrl.u32 v3, $0x3  }
0x29: {  	v4 =	vmul.u32 $0x38, v4  }
0x2a: {  	v3 =	vand.u32 $0x7, v3  }
0x2b: {  	v3 =	vor.u32 v3, v4  }
0x2c: {  	v4 =	vperm.xlane v3, v0;
	_ =	sdelay $0x1  }
0x2d: {  	v4 =	vadd.s32 v1, v4;
	_ =	sdelay $0x3  }
0x2e: {  	s21 =	simm.s32 $0x600  }
0x2f: {  	[tilespmem:s21], [sflag:$0x1] =	stream.indirect_vreg.gather [hbm4b:s3+s2], $0x80, v4, vm0, $0xb8;
	[tilespmem:$0x1C600] =	vst v63  }
0x30: {  	s22 =	simm.s32 $0xE00;
	v3 =	vperm.xlane v3, v2  }
0x31: {  	[tilespmem:s22], [sflag:$0x1] =	stream.indirect_vreg.gather [hbm4b:s7+s2], $0x80, v4, vm0, $0xb8;
	[tilespmem:$0x1C600] =	vst v63  }
0x32: {  	s24 =	simm.s32 $0x1600;
	v3 =	vadd.s32 v1, v3  }
0x33: {  	[tilespmem:s24], [sflag:$0x1] =	stream.indirect_vreg.gather [hbm4b:s8+s2], $0x80, v4, vm0, $0xb8;
	[tilespmem:$0x1C600] =	vst v63  }
0x34: {  	s29 =	simm.s32 $0x1E00  }
0x35: {  	[tilespmem:s29], [sflag:$0x1] =	stream.indirect_vreg.gather [hbm4b:s9+s2], $0x80, v4, vm1, $0xb8;
	[tilespmem:$0x1C600] =	vst v63  }
0x36: {  	s10 =	simm.s32 $0x2200  }
0x37: {  	[tilespmem:s10], [sflag:$0x1] =	stream.indirect_vreg.gather [hbm4b:s3+s2], $0x80, v3, vm0, $0xb8;
	[tilespmem:$0x1C600] =	vst v63  }
0x38: {  	s12 =	simm.s32 $0x2A00  }
0x39: {  	[tilespmem:s12], [sflag:$0x1] =	stream.indirect_vreg.gather [hbm4b:s7+s2], $0x80, v3, vm0, $0xb8;
	[tilespmem:$0x1C600] =	vst v63  }
0x3a: {  	s16 =	simm.s32 $0x3200  }
0x3b: {  	[tilespmem:s16], [sflag:$0x1] =	stream.indirect_vreg.gather [hbm4b:s8+s2], $0x80, v3, vm0, $0xb8;
	[tilespmem:$0x1C600] =	vst v63  }
0x3c: {  	s18 =	simm.s32 $0x3A00  }
0x3d: {  	[tilespmem:s18], [sflag:$0x1] =	stream.indirect_vreg.gather [hbm4b:s9+s2], $0x80, v3, vm1, $0xb8;
	[tilespmem:$0x1C600] =	vst v63  }
0x3e: {  	v3 =	vld [tilespmem:$0x10];
	_ =	sdelay $0x4  }
0x3f: {  	v61 =	vshrl.u32 v3, $0x3  }
0x40: {  	v4 =	vmul.u32 $0x38, v61  }
0x41: {  	v3 =	vand.u32 $0x7, v3  }
0x42: {  	v3 =	vor.u32 v3, v4  }
0x43: {  	v4 =	vperm.xlane v3, v0;
	_ =	sdelay $0x1  }
0x44: {  	v4 =	vadd.s32 v1, v4;
	_ =	sdelay $0x3  }
0x45: {  	s19 =	simm.s32 $0x3E00  }
0x46: {  	[tilespmem:s19], [sflag:$0x2] =	stream.indirect_vreg.gather [hbm4b:s3+s2], $0x80, v4, vm0, $0xb8;
	[tilespmem:$0x1C600] =	vst v63  }
0x47: {  	s21 =	simm.s32 $0x4600;
	v3 =	vperm.xlane v3, v2  }
0x48: {  	[tilespmem:s21], [sflag:$0x2] =	stream.indirect_vreg.gather [hbm4b:s7+s2], $0x80, v4, vm0, $0xb8;
	[tilespmem:$0x1C600] =	vst v63  }
0x49: {  	s22 =	simm.s32 $0x4E00;
	v3 =	vadd.s32 v1, v3  }
0x4a: {  	[tilespmem:s22], [sflag:$0x2] =	stream.indirect_vreg.gather [hbm4b:s8+s2], $0x80, v4, vm0, $0xb8;
	[tilespmem:$0x1C600] =	vst v63  }
0x4b: {  	s24 =	simm.s32 $0x5600  }
0x4c: {  	[tilespmem:s24], [sflag:$0x2] =	stream.indirect_vreg.gather [hbm4b:s9+s2], $0x80, v4, vm1, $0xb8;
	[tilespmem:$0x1C600] =	vst v63  }
0x4d: {  	s29 =	simm.s32 $0x5A00  }
0x4e: {  	[tilespmem:s29], [sflag:$0x2] =	stream.indirect_vreg.gather [hbm4b:s3+s2], $0x80, v3, vm0, $0xb8;
	[tilespmem:$0x1C600] =	vst v63  }
0x4f: {  	s10 =	simm.s32 $0x6200  }
0x50: {  	[tilespmem:s10], [sflag:$0x2] =	stream.indirect_vreg.gather [hbm4b:s7+s2], $0x80, v3, vm0, $0xb8;
	[tilespmem:$0x1C600] =	vst v63  }
0x51: {  	s12 =	simm.s32 $0x6A00  }
0x52: {  	[tilespmem:s12], [sflag:$0x2] =	stream.indirect_vreg.gather [hbm4b:s8+s2], $0x80, v3, vm0, $0xb8;
	[tilespmem:$0x1C600] =	vst v63  }
0x53: {  	s16 =	simm.s32 $0x7200  }
0x54: {  	[tilespmem:s16], [sflag:$0x2] =	stream.indirect_vreg.gather [hbm4b:s9+s2], $0x80, v3, vm1, $0xb8;
	[tilespmem:$0x1C600] =	vst v63  }
0x55: {  	v3 =	vld [tilespmem:$0x20];
	_ =	sdelay $0x4  }
0x56: {  	v62 =	vshrl.u32 v3, $0x3  }
0x57: {  	v4 =	vmul.u32 $0x38, v62  }
0x58: {  	v3 =	vand.u32 $0x7, v3  }
0x59: {  	v3 =	vor.u32 v3, v4  }
0x5a: {  	v4 =	vperm.xlane v3, v0;
	_ =	sdelay $0x1  }
0x5b: {  	v4 =	vadd.s32 v1, v4;
	_ =	sdelay $0x3  }
0x5c: {  	s18 =	simm.s32 $0x7600  }
0x5d: {  	[tilespmem:s18], [sflag:$0x3] =	stream.indirect_vreg.gather [hbm4b:s3+s2], $0x80, v4, vm0, $0xb8;
	[tilespmem:$0x1C600] =	vst v63  }
0x5e: {  	s19 =	simm.s32 $0x7E00;
	v3 =	vperm.xlane v3, v2  }
0x5f: {  	[tilespmem:s19], [sflag:$0x3] =	stream.indirect_vreg.gather [hbm4b:s7+s2], $0x80, v4, vm0, $0xb8;
	[tilespmem:$0x1C600] =	vst v63  }
0x60: {  	s21 =	simm.s32 $0x8600;
	v3 =	vadd.s32 v1, v3  }
0x61: {  	[tilespmem:s21], [sflag:$0x3] =	stream.indirect_vreg.gather [hbm4b:s8+s2], $0x80, v4, vm0, $0xb8;
	[tilespmem:$0x1C600] =	vst v63  }
0x62: {  	s22 =	simm.s32 $0x8E00  }
0x63: {  	[tilespmem:s22], [sflag:$0x3] =	stream.indirect_vreg.gather [hbm4b:s9+s2], $0x80, v4, vm1, $0xb8;
	[tilespmem:$0x1C600] =	vst v63  }
0x64: {  	s24 =	simm.s32 $0x9200  }
0x65: {  	[tilespmem:s24], [sflag:$0x3] =	stream.indirect_vreg.gather [hbm4b:s3+s2], $0x80, v3, vm0, $0xb8;
	[tilespmem:$0x1C600] =	vst v63  }
0x66: {  	s29 =	simm.s32 $0x9A00  }
0x67: {  	[tilespmem:s29], [sflag:$0x3] =	stream.indirect_vreg.gather [hbm4b:s7+s2], $0x80, v3, vm0, $0xb8;
	[tilespmem:$0x1C600] =	vst v63  }
0x68: {  	s10 =	simm.s32 $0xA200  }
0x69: {  	[tilespmem:s10], [sflag:$0x3] =	stream.indirect_vreg.gather [hbm4b:s8+s2], $0x80, v3, vm0, $0xb8;
	[tilespmem:$0x1C600] =	vst v63  }
0x6a: {  	s12 =	simm.s32 $0xAA00  }
0x6b: {  	[tilespmem:s12], [sflag:$0x3] =	stream.indirect_vreg.gather [hbm4b:s9+s2], $0x80, v3, vm1, $0xb8;
	[tilespmem:$0x1C600] =	vst v63  }
0x6c: {  	v3 =	vld [tilespmem:$0x30];
	_ =	sdelay $0x4  }
0x6d: {  	v63 =	vshrl.u32 v3, $0x3  }
0x6e: {  	v4 =	vmul.u32 $0x38, v63  }
0x6f: {  	v3 =	vand.u32 $0x7, v3  }
0x70: {  	v3 =	vor.u32 v3, v4  }
0x71: {  	v4 =	vperm.xlane v3, v0;
	_ =	sdelay $0x1  }
0x72: {  	v4 =	vadd.s32 v1, v4;
	_ =	sdelay $0x4  }
0x73: {  	[tilespmem:s30], [sflag:$0x4] =	stream.indirect_vreg.gather [hbm4b:s3+s2], $0x80, v4, vm0, $0xb8;
	[tilespmem:$0x1C600] =	vst v63  }
0x74: {  	s16 =	simm.s32 $0xB600;
	v3 =	vperm.xlane v3, v2  }
0x75: {  	[tilespmem:s16], [sflag:$0x4] =	stream.indirect_vreg.gather [hbm4b:s7+s2], $0x80, v4, vm0, $0xb8;
	[tilespmem:$0x1C600] =	vst v63  }
0x76: {  	s18 =	simm.s32 $0xBE00;
	v3 =	vadd.s32 v1, v3  }
0x77: {  	[tilespmem:s18], [sflag:$0x4] =	stream.indirect_vreg.gather [hbm4b:s8+s2], $0x80, v4, vm0, $0xb8;
	[tilespmem:$0x1C600] =	vst v63  }
0x78: {  	s19 =	simm.s32 $0xC600  }
0x79: {  	[tilespmem:s19], [sflag:$0x4] =	stream.indirect_vreg.gather [hbm4b:s9+s2], $0x80, v4, vm1, $0xb8;
	[tilespmem:$0x1C600] =	vst v63  }
0x7a: {  	s21 =	simm.s32 $0xCA00  }
0x7b: {  	[tilespmem:s21], [sflag:$0x4] =	stream.indirect_vreg.gather [hbm4b:s3+s2], $0x80, v3, vm0, $0xb8;
	[tilespmem:$0x1C600] =	vst v63  }
0x7c: {  	s22 =	simm.s32 $0xD200  }
0x7d: {  	[tilespmem:s22], [sflag:$0x4] =	stream.indirect_vreg.gather [hbm4b:s7+s2], $0x80, v3, vm0, $0xb8;
	[tilespmem:$0x1C600] =	vst v63  }
0x7e: {  	s24 =	simm.s32 $0xDA00  }
0x7f: {  	[tilespmem:s24], [sflag:$0x4] =	stream.indirect_vreg.gather [hbm4b:s8+s2], $0x80, v3, vm0, $0xb8;
	[tilespmem:$0x1C600] =	vst v63  }
0x80: {  	s29 =	simm.s32 $0xE200;
	s18 =	simm.s32 $0x60;
	s19 =	simm.s32 $0x0  }
0x81: {  	[tilespmem:s29], [sflag:$0x4] =	stream.indirect_vreg.gather [hbm4b:s9+s2], $0x80, v3, vm1, $0xb8;
	[tilespmem:$0x1C600] =	vst v63  }
.LBB2_2:
0x82: {  	s21 =	sshll.u32 s19, $0x3  }
0x83: {  	s22 =	sand.u32 $0xF8, s21  }
0x84: {  	s22 =	smul.u32 $0xAB, s22;
	_ =	sdelay $0x1  }
0x85: {  	s22 =	sshrl.u32 s22, $0x9  }
0x86: {  	s29 =	smul.u32 $0x3, s22;
	_ =	sdelay $0x1  }
0x87: {  	s22 =	sadd.s32 s22, s5;
	s29 =	ssub.s32 s21, s29  }
0x88: {  	s22 =	smul.u32 $0xE000, s22;
	s29 =	sand.u32 $0xFF, s29  }
0x89: {  	s11 =	simm.s32 $0x1;
	s29 =	sshll.u32 s29, $0xE  }
0x8a: {  	_ =	swait.ge [sflag:s11], $0x3800;
	s22 =	sadd.s32 s29, s22  }
0x8b: {  	s10 =	simm.s32 $0x600;
	[sflag:s11] =	ssyncset.done $0x0;
	s22 =	sshrl.u32 s22, $0x3  }
0x8c: {  	p0 =	seq.s32 s19, $0x0;
	[sflag:s11] =	ssyncadd.s32 $0xFFFFC800;
	s22 =	sadd.s32 s4, s22  }
0x8d: {  	[hbm4b:s22+s26] =	stream.strided.scatter [tilespmem:s10], [sflag:$0x9], $0x3800, s28, s26, $0x38;
	[tilespmem:$0x1C600] =	vst v63  }
0x8e: {  	s22 =	simm.s32 @!p0 $0xD  }
0x8f: {  	_ =	swait.ge @!p0 [sflag:s22], $0x3800  }
0x90: {  	[sflag:s22] =	ssyncset.done @!p0 $0x0  }
0x91: {  	[sflag:s22] =	ssyncadd.s32 @!p0 $0xFFFFC800  }
0x92: {  	v3 =	vld [tilespmem:s18+$0xFFFFFFE0];
	_ =	sdelay $0x4  }
0x93: {  	v4 =	vshrl.u32 v3, $0x3  }
0x94: {  	v4 =	vmul.u32 $0x38, v4  }
0x95: {  	v3 =	vand.u32 $0x7, v3  }
0x96: {  	v3 =	vor.u32 v3, v4  }
0x97: {  	v4 =	vperm.xlane v3, v0;
	_ =	sdelay $0x1  }
0x98: {  	v4 =	vadd.s32 v1, v4;
	_ =	sdelay $0x3  }
0x99: {  	s24 =	simm.s32 $0xE600  }
0x9a: {  	[tilespmem:s24], [sflag:$0x5] =	stream.indirect_vreg.gather [hbm4b:s3+s2], $0x80, v4, vm0, $0xb8;
	[tilespmem:$0x1C600] =	vst v63  }
0x9b: {  	s12 =	simm.s32 $0xEE00  }
0x9c: {  	v3 =	vperm.xlane v3, v2;
	[tilespmem:s12], [sflag:$0x5] =	stream.indirect_vreg.gather [hbm4b:s7+s2], $0x80, v4, vm0, $0xb8;
	[tilespmem:$0x1C600] =	vst v63  }
0x9d: {  	s16 =	simm.s32 $0xF600  }
0x9e: {  	v3 =	vadd.s32 v1, v3;
	[tilespmem:s16], [sflag:$0x5] =	stream.indirect_vreg.gather [hbm4b:s8+s2], $0x80, v4, vm0, $0xb8;
	[tilespmem:$0x1C600] =	vst v63  }
0x9f: {  	s22 =	simm.s32 $0xFE00  }
0xa0: {  	[tilespmem:s22], [sflag:$0x5] =	stream.indirect_vreg.gather [hbm4b:s9+s2], $0x80, v4, vm1, $0xb8;
	[tilespmem:$0x1C600] =	vst v63  }
0xa1: {  	s22 =	sor.u32 $0x1, s21  }
0xa2: {  	s29 =	simm.s32 $0x10200;
	s12 =	sand.u32 $0xFF, s22  }
0xa3: {  	[tilespmem:s29], [sflag:$0x5] =	stream.indirect_vreg.gather [hbm4b:s3+s2], $0x80, v3, vm0, $0xb8;
	[tilespmem:$0x1C600] =	vst v63  }
0xa4: {  	s10 =	simm.s32 $0x10A00;
	s29 =	smul.u32 $0xAB, s12  }
0xa5: {  	[tilespmem:s10], [sflag:$0x5] =	stream.indirect_vreg.gather [hbm4b:s7+s2], $0x80, v3, vm0, $0xb8;
	[tilespmem:$0x1C600] =	vst v63  }
0xa6: {  	s16 =	simm.s32 $0x11200;
	s29 =	sshrl.u32 s29, $0x9  }
0xa7: {  	[tilespmem:s16], [sflag:$0x5] =	stream.indirect_vreg.gather [hbm4b:s8+s2], $0x80, v3, vm0, $0xb8;
	[tilespmem:$0x1C600] =	vst v63  }
0xa8: {  	s10 =	simm.s32 $0x11A00;
	s16 =	smul.u32 $0x3, s29  }
0xa9: {  	[tilespmem:s10], [sflag:$0x5] =	stream.indirect_vreg.gather [hbm4b:s9+s2], $0x80, v3, vm1, $0xb8;
	[tilespmem:$0x1C600] =	vst v63  }
0xaa: {  	s29 =	sadd.s32 s29, s5;
	s16 =	ssub.s32 s22, s16  }
0xab: {  	s12 =	smul.u32 $0xE000, s29;
	s16 =	sand.u32 $0xFF, s16  }
0xac: {  	s10 =	simm.s32 $0x2;
	s16 =	sshll.u32 s16, $0xE  }
0xad: {  	_ =	swait.ge [sflag:s10], $0x3800;
	s16 =	sadd.s32 s16, s12  }
0xae: {  	[sflag:s10] =	ssyncset.done $0x0;
	s16 =	sshrl.u32 s16, $0x3  }
0xaf: {  	s29 =	simm.s32 $0x3E00;
	[sflag:s10] =	ssyncadd.s32 $0xFFFFC800;
	s16 =	sadd.s32 s4, s16  }
0xb0: {  	[hbm4b:s16+s26] =	stream.strided.scatter [tilespmem:s29], [sflag:$0xA], $0x3800, s28, s26, $0x38;
	[tilespmem:$0x1C600] =	vst v63  }
0xb1: {  	s16 =	simm.s32 @!p0 $0xE  }
0xb2: {  	_ =	swait.ge @!p0 [sflag:s16], $0x3800  }
0xb3: {  	[sflag:s16] =	ssyncset.done @!p0 $0x0  }
0xb4: {  	[sflag:s16] =	ssyncadd.s32 @!p0 $0xFFFFC800  }
0xb5: {  	v3 =	vld [tilespmem:s18+$0xFFFFFFF0];
	_ =	sdelay $0x4  }
0xb6: {  	v61 =	vshrl.u32 v3, $0x3  }
0xb7: {  	v4 =	vmul.u32 $0x38, v61  }
0xb8: {  	v3 =	vand.u32 $0x7, v3  }
0xb9: {  	v3 =	vor.u32 v3, v4  }
0xba: {  	v4 =	vperm.xlane v3, v0;
	_ =	sdelay $0x1  }
0xbb: {  	v4 =	vadd.s32 v1, v4;
	_ =	sdelay $0x3  }
0xbc: {  	s12 =	simm.s32 $0x11E00  }
0xbd: {  	[tilespmem:s12], [sflag:$0x6] =	stream.indirect_vreg.gather [hbm4b:s3+s2], $0x80, v4, vm0, $0xb8;
	[tilespmem:$0x1C600] =	vst v63  }
0xbe: {  	s10 =	simm.s32 $0x12600;
	v3 =	vperm.xlane v3, v2  }
0xbf: {  	[tilespmem:s10], [sflag:$0x6] =	stream.indirect_vreg.gather [hbm4b:s7+s2], $0x80, v4, vm0, $0xb8;
	[tilespmem:$0x1C600] =	vst v63  }
0xc0: {  	s16 =	simm.s32 $0x12E00;
	v3 =	vadd.s32 v1, v3  }
0xc1: {  	[tilespmem:s16], [sflag:$0x6] =	stream.indirect_vreg.gather [hbm4b:s8+s2], $0x80, v4, vm0, $0xb8;
	[tilespmem:$0x1C600] =	vst v63  }
0xc2: {  	s22 =	simm.s32 $0x13600;
	s16 =	sor.u32 $0x2, s21  }
0xc3: {  	[tilespmem:s22], [sflag:$0x6] =	stream.indirect_vreg.gather [hbm4b:s9+s2], $0x80, v4, vm1, $0xb8;
	[tilespmem:$0x1C600] =	vst v63  }
0xc4: {  	s29 =	simm.s32 $0x13A00;
	s11 =	sand.u32 $0xFF, s16  }
0xc5: {  	[tilespmem:s29], [sflag:$0x6] =	stream.indirect_vreg.gather [hbm4b:s3+s2], $0x80, v3, vm0, $0xb8;
	[tilespmem:$0x1C600] =	vst v63  }
0xc6: {  	s10 =	simm.s32 $0x14200;
	s22 =	smul.u32 $0xAB, s11  }
0xc7: {  	[tilespmem:s10], [sflag:$0x6] =	stream.indirect_vreg.gather [hbm4b:s7+s2], $0x80, v3, vm0, $0xb8;
	[tilespmem:$0x1C600] =	vst v63  }
0xc8: {  	s29 =	simm.s32 $0x14A00;
	s22 =	sshrl.u32 s22, $0x9  }
0xc9: {  	[tilespmem:s29], [sflag:$0x6] =	stream.indirect_vreg.gather [hbm4b:s8+s2], $0x80, v3, vm0, $0xb8;
	[tilespmem:$0x1C600] =	vst v63  }
0xca: {  	s10 =	simm.s32 $0x15200;
	s29 =	smul.u32 $0x3, s22  }
0xcb: {  	[tilespmem:s10], [sflag:$0x6] =	stream.indirect_vreg.gather [hbm4b:s9+s2], $0x80, v3, vm1, $0xb8;
	[tilespmem:$0x1C600] =	vst v63  }
0xcc: {  	s22 =	sadd.s32 s22, s5;
	s16 =	ssub.s32 s16, s29  }
0xcd: {  	s22 =	smul.u32 $0xE000, s22;
	s16 =	sand.u32 $0xFF, s16  }
0xce: {  	s16 =	sshll.u32 s16, $0xE  }
0xcf: {  	_ =	swait.ge [sflag:s23], $0x3800;
	s16 =	sadd.s32 s16, s22  }
0xd0: {  	[sflag:s23] =	ssyncset.done $0x0;
	s16 =	sshrl.u32 s16, $0x3  }
0xd1: {  	s29 =	simm.s32 $0x7600;
	[sflag:s23] =	ssyncadd.s32 $0xFFFFC800;
	s16 =	sadd.s32 s4, s16  }
0xd2: {  	[hbm4b:s16+s26] =	stream.strided.scatter [tilespmem:s29], [sflag:$0xB], $0x3800, s28, s26, $0x38;
	[tilespmem:$0x1C600] =	vst v63  }
0xd3: {  	s16 =	simm.s32 @!p0 $0xF  }
0xd4: {  	_ =	swait.ge @!p0 [sflag:s16], $0x3800  }
0xd5: {  	[sflag:s16] =	ssyncset.done @!p0 $0x0  }
0xd6: {  	[sflag:s16] =	ssyncadd.s32 @!p0 $0xFFFFC800  }
0xd7: {  	v3 =	vld [tilespmem:s18+$0x0];
	_ =	sdelay $0x4  }
0xd8: {  	v62 =	vshrl.u32 v3, $0x3  }
0xd9: {  	v4 =	vmul.u32 $0x38, v62  }
0xda: {  	v3 =	vand.u32 $0x7, v3  }
0xdb: {  	v3 =	vor.u32 v3, v4  }
0xdc: {  	v4 =	vperm.xlane v3, v0;
	_ =	sdelay $0x1  }
0xdd: {  	v4 =	vadd.s32 v1, v4;
	_ =	sdelay $0x4  }
0xde: {  	[tilespmem:s25], [sflag:$0x7] =	stream.indirect_vreg.gather [hbm4b:s3+s2], $0x80, v4, vm0, $0xb8;
	[tilespmem:$0x1C600] =	vst v63  }
0xdf: {  	s10 =	simm.s32 $0x15E00;
	v3 =	vperm.xlane v3, v2  }
0xe0: {  	[tilespmem:s10], [sflag:$0x7] =	stream.indirect_vreg.gather [hbm4b:s7+s2], $0x80, v4, vm0, $0xb8;
	[tilespmem:$0x1C600] =	vst v63  }
0xe1: {  	s16 =	simm.s32 $0x16600;
	v3 =	vadd.s32 v1, v3  }
0xe2: {  	[tilespmem:s16], [sflag:$0x7] =	stream.indirect_vreg.gather [hbm4b:s8+s2], $0x80, v4, vm0, $0xb8;
	[tilespmem:$0x1C600] =	vst v63  }
0xe3: {  	s22 =	simm.s32 $0x16E00;
	s16 =	sor.u32 $0x3, s21  }
0xe4: {  	[tilespmem:s22], [sflag:$0x7] =	stream.indirect_vreg.gather [hbm4b:s9+s2], $0x80, v4, vm1, $0xb8;
	[tilespmem:$0x1C600] =	vst v63  }
0xe5: {  	s29 =	simm.s32 $0x17200;
	s11 =	sand.u32 $0xFF, s16  }
0xe6: {  	[tilespmem:s29], [sflag:$0x7] =	stream.indirect_vreg.gather [hbm4b:s3+s2], $0x80, v3, vm0, $0xb8;
	[tilespmem:$0x1C600] =	vst v63  }
0xe7: {  	s10 =	simm.s32 $0x17A00;
	s22 =	smul.u32 $0xAB, s11  }
0xe8: {  	[tilespmem:s10], [sflag:$0x7] =	stream.indirect_vreg.gather [hbm4b:s7+s2], $0x80, v3, vm0, $0xb8;
	[tilespmem:$0x1C600] =	vst v63  }
0xe9: {  	s29 =	simm.s32 $0x18200;
	s22 =	sshrl.u32 s22, $0x9  }
0xea: {  	[tilespmem:s29], [sflag:$0x7] =	stream.indirect_vreg.gather [hbm4b:s8+s2], $0x80, v3, vm0, $0xb8;
	[tilespmem:$0x1C600] =	vst v63  }
0xeb: {  	s10 =	simm.s32 $0x18A00;
	s29 =	smul.u32 $0x3, s22  }
0xec: {  	[tilespmem:s10], [sflag:$0x7] =	stream.indirect_vreg.gather [hbm4b:s9+s2], $0x80, v3, vm1, $0xb8;
	[tilespmem:$0x1C600] =	vst v63  }
0xed: {  	s22 =	sadd.s32 s22, s5;
	s16 =	ssub.s32 s16, s29  }
0xee: {  	s22 =	smul.u32 $0xE000, s22;
	s16 =	sand.u32 $0xFF, s16  }
0xef: {  	s16 =	sshll.u32 s16, $0xE  }
0xf0: {  	_ =	swait.ge [sflag:s6], $0x3800;
	s16 =	sadd.s32 s16, s22  }
0xf1: {  	[sflag:s6] =	ssyncset.done $0x0;
	s16 =	sshrl.u32 s16, $0x3  }
0xf2: {  	[sflag:s6] =	ssyncadd.s32 $0xFFFFC800;
	s16 =	sadd.s32 s4, s16  }
0xf3: {  	[hbm4b:s16+s26] =	stream.strided.scatter [tilespmem:s30], [sflag:$0xC], $0x3800, s28, s26, $0x38;
	[tilespmem:$0x1C600] =	vst v63  }
0xf4: {  	s16 =	simm.s32 @!p0 $0x10  }
0xf5: {  	_ =	swait.ge @!p0 [sflag:s16], $0x3800  }
0xf6: {  	[sflag:s16] =	ssyncset.done @!p0 $0x0  }
0xf7: {  	[sflag:s16] =	ssyncadd.s32 @!p0 $0xFFFFC800  }
0xf8: {  	v3 =	vld [tilespmem:s18+$0x10];
	_ =	sdelay $0x4  }
0xf9: {  	v63 =	vshrl.u32 v3, $0x3  }
0xfa: {  	v4 =	vmul.u32 $0x38, v63  }
0xfb: {  	v3 =	vand.u32 $0x7, v3  }
0xfc: {  	v3 =	vor.u32 v3, v4  }
0xfd: {  	v4 =	vperm.xlane v3, v0;
	_ =	sdelay $0x1  }
0xfe: {  	v4 =	vadd.s32 v1, v4;
	_ =	sdelay $0x3  }
0xff: {  	s10 =	simm.s32 $0x18E00  }
0x100: {  	[tilespmem:s10], [sflag:$0x8] =	stream.indirect_vreg.gather [hbm4b:s3+s2], $0x80, v4, vm0, $0xb8;
	[tilespmem:$0x1C600] =	vst v63  }
0x101: {  	s30 =	simm.s32 $0x19600;
	v3 =	vperm.xlane v3, v2  }
0x102: {  	[tilespmem:s30], [sflag:$0x8] =	stream.indirect_vreg.gather [hbm4b:s7+s2], $0x80, v4, vm0, $0xb8;
	[tilespmem:$0x1C600] =	vst v63  }
0x103: {  	s16 =	simm.s32 $0x19E00;
	v3 =	vadd.s32 v1, v3  }
0x104: {  	[tilespmem:s16], [sflag:$0x8] =	stream.indirect_vreg.gather [hbm4b:s8+s2], $0x80, v4, vm0, $0xb8;
	[tilespmem:$0x1C600] =	vst v63  }
0x105: {  	s22 =	simm.s32 $0x1A600;
	s16 =	sor.u32 $0x4, s21  }
0x106: {  	[tilespmem:s22], [sflag:$0x8] =	stream.indirect_vreg.gather [hbm4b:s9+s2], $0x80, v4, vm1, $0xb8;
	[tilespmem:$0x1C600] =	vst v63  }
0x107: {  	s29 =	simm.s32 $0x1AA00;
	s11 =	sand.u32 $0xFF, s16  }
0x108: {  	[tilespmem:s29], [sflag:$0x8] =	stream.indirect_vreg.gather [hbm4b:s3+s2], $0x80, v3, vm0, $0xb8;
	[tilespmem:$0x1C600] =	vst v63  }
0x109: {  	s30 =	simm.s32 $0x1B200;
	s22 =	smul.u32 $0xAB, s11  }
0x10a: {  	[tilespmem:s30], [sflag:$0x8] =	stream.indirect_vreg.gather [hbm4b:s7+s2], $0x80, v3, vm0, $0xb8;
	[tilespmem:$0x1C600] =	vst v63  }
0x10b: {  	s29 =	simm.s32 $0x1BA00;
	s22 =	sshrl.u32 s22, $0x9  }
0x10c: {  	[tilespmem:s29], [sflag:$0x8] =	stream.indirect_vreg.gather [hbm4b:s8+s2], $0x80, v3, vm0, $0xb8;
	[tilespmem:$0x1C600] =	vst v63  }
0x10d: {  	s30 =	simm.s32 $0x1C200;
	s29 =	smul.u32 $0x3, s22  }
0x10e: {  	[tilespmem:s30], [sflag:$0x8] =	stream.indirect_vreg.gather [hbm4b:s9+s2], $0x80, v3, vm1, $0xb8;
	[tilespmem:$0x1C600] =	vst v63  }
0x10f: {  	s22 =	sadd.s32 s22, s5;
	s16 =	ssub.s32 s16, s29  }
0x110: {  	s22 =	smul.u32 $0xE000, s22;
	s16 =	sand.u32 $0xFF, s16  }
0x111: {  	s16 =	sshll.u32 s16, $0xE  }
0x112: {  	_ =	swait.ge [sflag:s31], $0x3800;
	s16 =	sadd.s32 s16, s22  }
0x113: {  	[sflag:s31] =	ssyncset.done $0x0;
	s16 =	sshrl.u32 s16, $0x3  }
0x114: {  	[sflag:s31] =	ssyncadd.s32 $0xFFFFC800;
	s16 =	sadd.s32 s4, s16  }
0x115: {  	[hbm4b:s16+s26] =	stream.strided.scatter [tilespmem:s24], [sflag:$0xD], $0x3800, s28, s26, $0x38;
	[tilespmem:$0x1C600] =	vst v63  }
0x116: {  	_ =	swait.ge [sflag:s1], $0x3800  }
0x117: {  	[sflag:s1] =	ssyncset.done $0x0  }
0x118: {  	p0 =	seq.s32 s19, $0xB;
	[sflag:s1] =	ssyncadd.s32 $0xFFFFC800  }
0x119: {  	v3 =	vld @!p0 [tilespmem:s18+$0x20];
	_ =	sdelay $0x4  }
0x11a: {  	v4 =	vshrl.u32 @!p0 v3, $0x3  }
0x11b: {  	v4 =	vmul.u32 @!p0 $0x38, v4  }
0x11c: {  	v5 =	vlaneseq.u32 @!p0;
	v3 =	vand.u32 @!p0 $0x7, v3  }
0x11d: {  	v6 =	vshrl.u32 @!p0 v5, $0x3;
	v3 =	vor.u32 @!p0 v3, v4;
	v4 =	vand.u32 @!p0 $0x7, v5  }
0x11e: {  	v6 =	vmul.u32 @!p0 $0x8, v6;
	v7 =	vperm.xlane @!p0 v3, v4;
	_ =	sdelay $0x1  }
0x11f: {  	v7 =	vadd.s32 @!p0 v6, v7;
	_ =	sdelay $0x3  }
0x120: {  	vm2 =	vmmov @!p0 $0xffff;
	s22 =	simm.s32 @!p0 $0x0;
	s16 =	simm.s32 @!p0 $0x600  }
0x121: {  	v5 =	vor.u32 @!p0 $0x8, v5;
	[tilespmem:s16], [sflag:$0x1] =	stream.indirect_vreg.gather @!p0 [hbm4b:s3+s22], $0x80, v7, vm2, $0xb8;
	[tilespmem:$0x1C600] =	vst v63  }
0x122: {  	v3 =	vperm.xlane @!p0 v3, v5;
	s16 =	simm.s32 @!p0 $0xE00  }
0x123: {  	[tilespmem:s16], [sflag:$0x1] =	stream.indirect_vreg.gather @!p0 [hbm4b:s7+s22], $0x80, v7, vm2, $0xb8;
	[tilespmem:$0x1C600] =	vst v63  }
0x124: {  	v3 =	vadd.s32 @!p0 v6, v3;
	s16 =	simm.s32 @!p0 $0x1600  }
0x125: {  	[tilespmem:s16], [sflag:$0x1] =	stream.indirect_vreg.gather @!p0 [hbm4b:s8+s22], $0x80, v7, vm2, $0xb8;
	[tilespmem:$0x1C600] =	vst v63  }
0x126: {  	vm3 =	vmmov @!p0 $0xff;
	s16 =	simm.s32 @!p0 $0x1E00  }
0x127: {  	[tilespmem:s16], [sflag:$0x1] =	stream.indirect_vreg.gather @!p0 [hbm4b:s9+s22], $0x80, v7, vm3, $0xb8;
	[tilespmem:$0x1C600] =	vst v63  }
0x128: {  	s16 =	simm.s32 @!p0 $0x2200  }
0x129: {  	[tilespmem:s16], [sflag:$0x1] =	stream.indirect_vreg.gather @!p0 [hbm4b:s3+s22], $0x80, v3, vm2, $0xb8;
	[tilespmem:$0x1C600] =	vst v63  }
0x12a: {  	s16 =	simm.s32 @!p0 $0x2A00  }
0x12b: {  	[tilespmem:s16], [sflag:$0x1] =	stream.indirect_vreg.gather @!p0 [hbm4b:s7+s22], $0x80, v3, vm2, $0xb8;
	[tilespmem:$0x1C600] =	vst v63  }
0x12c: {  	s16 =	sor.u32 $0x5, s21  }
0x12d: {  	s11 =	sand.u32 $0xFF, s16  }
0x12e: {  	s30 =	simm.s32 @!p0 $0x3200;
	s29 =	smul.u32 $0xAB, s11  }
0x12f: {  	[tilespmem:s30], [sflag:$0x1] =	stream.indirect_vreg.gather @!p0 [hbm4b:s8+s22], $0x80, v3, vm2, $0xb8;
	[tilespmem:$0x1C600] =	vst v63  }
0x130: {  	s29 =	sshrl.u32 s29, $0x9  }
0x131: {  	s30 =	simm.s32 @!p0 $0x3A00;
	s11 =	smul.u32 $0x3, s29  }
0x132: {  	[tilespmem:s30], [sflag:$0x1] =	stream.indirect_vreg.gather @!p0 [hbm4b:s9+s22], $0x80, v3, vm3, $0xb8;
	[tilespmem:$0x1C600] =	vst v63  }
0x133: {  	s29 =	sadd.s32 s29, s5;
	s11 =	ssub.s32 s16, s11  }
0x134: {  	s29 =	smul.u32 $0xE000, s29;
	s11 =	sand.u32 $0xFF, s11  }
0x135: {  	s11 =	sshll.u32 s11, $0xE  }
0x136: {  	_ =	swait.ge [sflag:s0], $0x3800;
	s11 =	sadd.s32 s11, s29  }
0x137: {  	[sflag:s0] =	ssyncset.done $0x0;
	s11 =	sshrl.u32 s11, $0x3  }
0x138: {  	[sflag:s0] =	ssyncadd.s32 $0xFFFFC800;
	s11 =	sadd.s32 s4, s11  }
0x139: {  	[hbm4b:s11+s26] =	stream.strided.scatter [tilespmem:s12], [sflag:$0xE], $0x3800, s28, s26, $0x38;
	[tilespmem:$0x1C600] =	vst v63  }
0x13a: {  	_ =	swait.ge [sflag:s13], $0x3800  }
0x13b: {  	[sflag:s13] =	ssyncset.done $0x0  }
0x13c: {  	[sflag:s13] =	ssyncadd.s32 $0xFFFFC800  }
0x13d: {  	v3 =	vld @!p0 [tilespmem:s18+$0x30];
	_ =	sdelay $0x4  }
0x13e: {  	v7 =	vshrl.u32 @!p0 v3, $0x3  }
0x13f: {  	v7 =	vmul.u32 @!p0 $0x38, v7  }
0x140: {  	v3 =	vand.u32 @!p0 $0x7, v3  }
0x141: {  	v3 =	vor.u32 @!p0 v3, v7  }
0x142: {  	v7 =	vperm.xlane @!p0 v3, v4;
	_ =	sdelay $0x1  }
0x143: {  	v7 =	vadd.s32 @!p0 v6, v7;
	_ =	sdelay $0x3  }
0x144: {  	s11 =	simm.s32 @!p0 $0x3E00  }
0x145: {  	[tilespmem:s11], [sflag:$0x2] =	stream.indirect_vreg.gather @!p0 [hbm4b:s3+s22], $0x80, v7, vm2, $0xb8;
	[tilespmem:$0x1C600] =	vst v63  }
0x146: {  	v3 =	vperm.xlane @!p0 v3, v5;
	s11 =	simm.s32 @!p0 $0x4600  }
0x147: {  	[tilespmem:s11], [sflag:$0x2] =	stream.indirect_vreg.gather @!p0 [hbm4b:s7+s22], $0x80, v7, vm2, $0xb8;
	[tilespmem:$0x1C600] =	vst v63  }
0x148: {  	v3 =	vadd.s32 @!p0 v6, v3;
	s11 =	simm.s32 @!p0 $0x4E00  }
0x149: {  	[tilespmem:s11], [sflag:$0x2] =	stream.indirect_vreg.gather @!p0 [hbm4b:s8+s22], $0x80, v7, vm2, $0xb8;
	[tilespmem:$0x1C600] =	vst v63  }
0x14a: {  	s11 =	simm.s32 @!p0 $0x5600  }
0x14b: {  	[tilespmem:s11], [sflag:$0x2] =	stream.indirect_vreg.gather @!p0 [hbm4b:s9+s22], $0x80, v7, vm3, $0xb8;
	[tilespmem:$0x1C600] =	vst v63  }
0x14c: {  	s11 =	simm.s32 @!p0 $0x5A00  }
0x14d: {  	[tilespmem:s11], [sflag:$0x2] =	stream.indirect_vreg.gather @!p0 [hbm4b:s3+s22], $0x80, v3, vm2, $0xb8;
	[tilespmem:$0x1C600] =	vst v63  }
0x14e: {  	s11 =	simm.s32 @!p0 $0x6200  }
0x14f: {  	[tilespmem:s11], [sflag:$0x2] =	stream.indirect_vreg.gather @!p0 [hbm4b:s7+s22], $0x80, v3, vm2, $0xb8;
	[tilespmem:$0x1C600] =	vst v63  }
0x150: {  	s11 =	sor.u32 $0x6, s21  }
0x151: {  	s30 =	sand.u32 $0xFF, s11  }
0x152: {  	s29 =	simm.s32 @!p0 $0x6A00;
	s16 =	smul.u32 $0xAB, s30  }
0x153: {  	[tilespmem:s29], [sflag:$0x2] =	stream.indirect_vreg.gather @!p0 [hbm4b:s8+s22], $0x80, v3, vm2, $0xb8;
	[tilespmem:$0x1C600] =	vst v63  }
0x154: {  	s16 =	sshrl.u32 s16, $0x9  }
0x155: {  	s29 =	simm.s32 @!p0 $0x7200;
	s12 =	smul.u32 $0x3, s16  }
0x156: {  	[tilespmem:s29], [sflag:$0x2] =	stream.indirect_vreg.gather @!p0 [hbm4b:s9+s22], $0x80, v3, vm3, $0xb8;
	[tilespmem:$0x1C600] =	vst v63  }
0x157: {  	s16 =	sadd.s32 s16, s5;
	s11 =	ssub.s32 s11, s12  }
0x158: {  	s16 =	smul.u32 $0xE000, s16;
	s11 =	sand.u32 $0xFF, s11  }
0x159: {  	s11 =	sshll.u32 s11, $0xE  }
0x15a: {  	_ =	swait.ge [sflag:s14], $0x3800;
	s11 =	sadd.s32 s11, s16  }
0x15b: {  	[sflag:s14] =	ssyncset.done $0x0;
	s11 =	sshrl.u32 s11, $0x3  }
0x15c: {  	[sflag:s14] =	ssyncadd.s32 $0xFFFFC800;
	s11 =	sadd.s32 s4, s11  }
0x15d: {  	[hbm4b:s11+s26] =	stream.strided.scatter [tilespmem:s25], [sflag:$0xF], $0x3800, s28, s26, $0x38;
	[tilespmem:$0x1C600] =	vst v63  }
0x15e: {  	_ =	swait.ge [sflag:s15], $0x3800  }
0x15f: {  	[sflag:s15] =	ssyncset.done $0x0  }
0x160: {  	[sflag:s15] =	ssyncadd.s32 $0xFFFFC800  }
0x161: {  	v3 =	vld @!p0 [tilespmem:s18+$0x40];
	_ =	sdelay $0x4  }
0x162: {  	v7 =	vshrl.u32 @!p0 v3, $0x3  }
0x163: {  	v7 =	vmul.u32 @!p0 $0x38, v7  }
0x164: {  	v3 =	vand.u32 @!p0 $0x7, v3  }
0x165: {  	v3 =	vor.u32 @!p0 v3, v7  }
0x166: {  	v4 =	vperm.xlane @!p0 v3, v4;
	_ =	sdelay $0x1  }
0x167: {  	v4 =	vadd.s32 @!p0 v6, v4;
	_ =	sdelay $0x3  }
0x168: {  	s11 =	simm.s32 @!p0 $0x7600  }
0x169: {  	[tilespmem:s11], [sflag:$0x3] =	stream.indirect_vreg.gather @!p0 [hbm4b:s3+s22], $0x80, v4, vm2, $0xb8;
	[tilespmem:$0x1C600] =	vst v63  }
0x16a: {  	s12 =	sor.u32 $0x7, s21;
	v3 =	vperm.xlane @!p0 v3, v5;
	s11 =	simm.s32 @!p0 $0x7E00  }
0x16b: {  	[tilespmem:s11], [sflag:$0x3] =	stream.indirect_vreg.gather @!p0 [hbm4b:s7+s22], $0x80, v4, vm2, $0xb8;
	[tilespmem:$0x1C600] =	vst v63  }
0x16c: {  	s29 =	sand.u32 $0xFF, s12;
	v3 =	vadd.s32 @!p0 v6, v3;
	s11 =	simm.s32 @!p0 $0x8600  }
0x16d: {  	[tilespmem:s11], [sflag:$0x3] =	stream.indirect_vreg.gather @!p0 [hbm4b:s8+s22], $0x80, v4, vm2, $0xb8;
	[tilespmem:$0x1C600] =	vst v63  }
0x16e: {  	s16 =	smul.u32 $0xAB, s29;
	s11 =	simm.s32 @!p0 $0x8E00  }
0x16f: {  	[tilespmem:s11], [sflag:$0x3] =	stream.indirect_vreg.gather @!p0 [hbm4b:s9+s22], $0x80, v4, vm3, $0xb8;
	[tilespmem:$0x1C600] =	vst v63  }
0x170: {  	s16 =	sshrl.u32 s16, $0x9;
	s11 =	simm.s32 @!p0 $0x9200  }
0x171: {  	[tilespmem:s11], [sflag:$0x3] =	stream.indirect_vreg.gather @!p0 [hbm4b:s3+s22], $0x80, v3, vm2, $0xb8;
	[tilespmem:$0x1C600] =	vst v63  }
0x172: {  	s30 =	smul.u32 $0x3, s16;
	s11 =	simm.s32 @!p0 $0x9A00  }
0x173: {  	[tilespmem:s11], [sflag:$0x3] =	stream.indirect_vreg.gather @!p0 [hbm4b:s7+s22], $0x80, v3, vm2, $0xb8;
	[tilespmem:$0x1C600] =	vst v63  }
0x174: {  	s11 =	ssub.s32 s12, s30  }
0x175: {  	s21 =	simm.s32 @!p0 $0xA200;
	s16 =	sadd.s32 s16, s5;
	s11 =	sand.u32 $0xFF, s11  }
0x176: {  	[tilespmem:s21], [sflag:$0x3] =	stream.indirect_vreg.gather @!p0 [hbm4b:s8+s22], $0x80, v3, vm2, $0xb8;
	[tilespmem:$0x1C600] =	vst v63  }
0x177: {  	s16 =	smul.u32 $0xE000, s16;
	s21 =	simm.s32 @!p0 $0xAA00;
	s11 =	sshll.u32 s11, $0xE  }
0x178: {  	[tilespmem:s21], [sflag:$0x3] =	stream.indirect_vreg.gather @!p0 [hbm4b:s9+s22], $0x80, v3, vm3, $0xb8;
	[tilespmem:$0x1C600] =	vst v63  }
0x179: {  	s11 =	sadd.s32 s11, s16;
	_ =	swait.ge [sflag:s20], $0x3800  }
0x17a: {  	s11 =	sshrl.u32 s11, $0x3;
	[sflag:s20] =	ssyncset.done $0x0  }
.Ltmp2:
0x17b: {  	s11 =	sadd.s32 s4, s11;
	[sflag:s20] =	ssyncadd.s32 $0xFFFFC800;
	(pc) =	sbr.rel @p0 .LBB2_4-.Ltmp2, $4  }
0x17c: {  	[hbm4b:s11+s26] =	stream.strided.scatter [tilespmem:s10], [sflag:$0x10], $0x3800, s28, s26, $0x38;
	[tilespmem:$0x1C600] =	vst v63  }
0x17d: {  	_ =	swait.ge [sflag:s17], $0x3800  }
0x17e: {  	[sflag:s17] =	ssyncset.done $0x0  }
0x17f: {  	s24 =	simm.s32 $0xAE00;
	[sflag:s17] =	ssyncadd.s32 $0xFFFFC800  }
0x180: {  	v3 =	vld [tilespmem:s18+$0x50];
	_ =	sdelay $0x4  }
0x181: {  	v4 =	vshrl.u32 v3, $0x3  }
0x182: {  	v4 =	vmul.u32 $0x38, v4  }
0x183: {  	v3 =	vand.u32 $0x7, v3  }
0x184: {  	v3 =	vor.u32 v3, v4  }
0x185: {  	v4 =	vperm.xlane v3, v0;
	_ =	sdelay $0x1  }
0x186: {  	v4 =	vadd.s32 v1, v4;
	_ =	sdelay $0x4  }
0x187: {  	[tilespmem:s24], [sflag:$0x4] =	stream.indirect_vreg.gather [hbm4b:s3+s2], $0x80, v4, vm0, $0xb8;
	[tilespmem:$0x1C600] =	vst v63  }
0x188: {  	s11 =	simm.s32 $0xB600;
	v3 =	vperm.xlane v3, v2  }
0x189: {  	[tilespmem:s11], [sflag:$0x4] =	stream.indirect_vreg.gather [hbm4b:s7+s2], $0x80, v4, vm0, $0xb8;
	[tilespmem:$0x1C600] =	vst v63  }
0x18a: {  	s12 =	simm.s32 $0xBE00;
	v3 =	vadd.s32 v1, v3  }
0x18b: {  	[tilespmem:s12], [sflag:$0x4] =	stream.indirect_vreg.gather [hbm4b:s8+s2], $0x80, v4, vm0, $0xb8;
	[tilespmem:$0x1C600] =	vst v63  }
0x18c: {  	s16 =	simm.s32 $0xC600  }
0x18d: {  	[tilespmem:s16], [sflag:$0x4] =	stream.indirect_vreg.gather [hbm4b:s9+s2], $0x80, v4, vm1, $0xb8;
	[tilespmem:$0x1C600] =	vst v63  }
0x18e: {  	s21 =	simm.s32 $0xCA00  }
0x18f: {  	[tilespmem:s21], [sflag:$0x4] =	stream.indirect_vreg.gather [hbm4b:s3+s2], $0x80, v3, vm0, $0xb8;
	[tilespmem:$0x1C600] =	vst v63  }
0x190: {  	s22 =	simm.s32 $0xD200  }
0x191: {  	[tilespmem:s22], [sflag:$0x4] =	stream.indirect_vreg.gather [hbm4b:s7+s2], $0x80, v3, vm0, $0xb8;
	[tilespmem:$0x1C600] =	vst v63  }
.Ltmp3:
0x192: {  	_ = 	snop;
	(pc) =	sbr.rel .LBB2_2-.Ltmp3, $4  }
0x193: {  	s29 =	simm.s32 $0xE200;
	s24 =	simm.s32 $0xDA00  }
0x194: {  	[tilespmem:s24], [sflag:$0x4] =	stream.indirect_vreg.gather [hbm4b:s8+s2], $0x80, v3, vm0, $0xb8;
	[tilespmem:$0x1C600] =	vst v63  }
0x195: {  	s19 =	sadd.s32 $0x1, s19;
	s18 =	sadd.s32 $0x80, s18;
	s30 =	simm.s32 $0xAE00  }
0x196: {  	[tilespmem:s29], [sflag:$0x4] =	stream.indirect_vreg.gather [hbm4b:s9+s2], $0x80, v3, vm1, $0xb8;
	[tilespmem:$0x1C600] =	vst v63  }
.LBB2_5:
0x197: {  	_ =	sfence.sel $0x180000  }
0x198: {  	[bflag:$0x0] =	sbarrier.arrive $0xFFFF  }
0x199: {  	_ =	strace $0x90000047  }
0x19a: {  	s0 =	stileid.u32;
	[bflag:$0x2] =	sbarrier.arrive $0xFFFF  }
0x19b: {  	p0 =	sne.s32 s0, $0x0;
	s0 =	rddreg [dreg:$0x1]  }
0x19c: {  	s0 =	sadd.s32 @!p0 $0x100000, s0  }
0x19d: {  	[sflag:s0] =	ssyncadd.tile.s32 @!p0 $0x1;
	_ =	shalt  }
.Lfunc_end2:
_tile_overlayer_lowered:
.L_overlay_start_2:
0x19e: {  	(tag) =	ssettag $0x2  }
0x19f: {  	s0 =	rddreg [dreg:$0x0];
	s2 =	stileid.u32  }
0x1a0: {  	s1 =	rddreg [dreg:$0x1];
	p0 =	sne.s32 s2, $0x0  }
0x1a1: {  	s3 =	rddreg [dreg:$0x2];
	[bflag:$0x3] =	sbarrier.arrive $0xFFFF;
	s2 =	simm.s32 @!p0 $0x1C11  }
0x1a2: {  	[timem:s3], [sflag:s2] =	dma.local @!p0 [hbm:s0], s1  }
0x1a3: {  	s0 =	simm.s32 @!p0 $0x11  }
0x1a4: {  	_ =	swait.ge @!p0 [sflag:s0], s1  }
0x1a5: {  	s1 =	ssub.s32 @!p0 $0x0, s1;
	[sflag:s0] =	ssyncset.done @!p0 $0x0  }
0x1a6: {  	[sflag:s0] =	ssyncadd.s32 @!p0 s1  }
0x1a7: {  	[bflag:$0x3] =	sbarrier.arrive $0xFFFF  }
0x1a8: {  	_ =	shalt  }

// kernel: kernel.8.cloned.1.call-start
scs
__scs_entry_jumppad:
0x0: {  	(pc) =	sbr.rel $0x88, $3  }
0x1: {  	(tag) =	ssettag $0x0;
	lr =	simm.s32 $0x1  }
0x2: {  	[smem:$0x3F9E] =	sst lr;
	_ =	strace $0xD0000000  }
0x3: {  	_ = 	snop  }
0x4: {  	_ = 	snop  }
0x5: {  	_ = 	snop  }
0x6: {  	_ = 	snop  }
0x7: {  	_ = 	snop  }
__scs_overlays_trampoline_lowered:
0x8: {  	[smem:$0x3FAD] =	sst s0  }
0x9: {  	[smem:$0x3FAE] =	sst s1  }
0xa: {  	[smem:$0x3FAF] =	sst s2  }
0xb: {  	[smem:$0x3FB0] =	sst s3  }
0xc: {  	[smem:$0x3FB1] =	sst s4  }
0xd: {  	[smem:$0x3FB2] =	sst s5  }
0xe: {  	[smem:$0x3FB3] =	sst s6  }
0xf: {  	[smem:$0x3FB4] =	sst s7  }
0x10: {  	[smem:$0x3FB5] =	sst s8  }
0x11: {  	[smem:$0x3FB6] =	sst s9;
	s0 =	simm.s32 @!p0 $0x0  }
0x12: {  	s1 =	sld [smem:$0x3F9C];
	s0 =	simm.s32 @p0 $0x1  }
0x13: {  	[smem:$0x3FB7] =	sst s0;
	s0 =	simm.s32 @!p1 $0x0  }
0x14: {  	s2 =	sld [smem:$0x3F9B];
	s0 =	simm.s32 @p1 $0x1  }
0x15: {  	[smem:$0x3FB8] =	sst s0;
	s0 =	simm.s32 @!p2 $0x0  }
0x16: {  	s3 =	sld [smem:$0x3FDB];
	s0 =	simm.s32 @p2 $0x1  }
0x17: {  	s4 =	simm.s32 $0x1BF5;
	[smem:$0x3FBA] =	sst s0  }
0x18: {  	s0 =	sld [smem:$0x3F9D];
	_ =	swait.ge [sflag:s4], $0x0  }
0x19: {  	s7 =	sld [smem:$0x3F9E]  }
0x1a: {  	s8 =	sadd.s32 $0xFFFFE003, lr  }
0x1b: {  	s9 =	sadd.s32 $0xFFFFFEF7, lr;
	s5 =	simm.s32 $0xFFFFFFFF;
	p2 =	slt.u32 s8, $0xFFFFF086  }
0x1c: {  	p1 =	slt.u32 s9, $0xF7A;
	s5 =	simm.s32 @!p2 $0x0  }
0x1d: {  	s5 =	simm.s32 @p1 $0x1;
	p0 =	seq.s32 s7, s2  }
0x1e: {  	s7 =	smul.u32 @!p0 $0xF7A, s2;
	p2 =	seq.s32 @!p0 s5, $0x0  }
0x1f: {  	s9 =	smul.u32 $0xF7A, s1;
	s8 =	simm.s32 @!p0 $0x1BF5;
	p2 =	por !p2, p0  }
0x20: {  	[sflag:s8] =	ssyncset.s32 @!p0 $0xFFFFF086;
	s6 =	sadd.s32 @!p0 s3, s7;
	s7 =	simm.s32 @!p0 $0x108  }
0x21: {  	s3 =	sadd.s32 s3, s9;
	s6 =	sadd.s32 @!p0 $0x88, s6;
	s7 =	simm.s32 @p2 $0x1082  }
0x22: {  	[simem:s7], [sflag:s8] =	dma.local @!p0 [hbm:s6], $0xF7A  }
0x23: {  	s9 =	sor.u32 $0xD0000000, s2;
	s6 =	simm.s32 $0x108;
	_ =	swait.ge @!p0 [sflag:s8], $0x0  }
0x24: {  	s3 =	sadd.s32 $0x88, s3;
	s6 =	simm.s32 @!p1 $0x1082;
	[sflag:s4] =	ssyncset.s32 $0xFFFFF086  }
0x25: {  	[simem:s6], [sflag:s4] =	dma.local [hbm:s3], $0xF7A  }
0x26: {  	[smem:$0x3F9E] =	sst s1;
	(tag) =	ssettag s2;
	_ =	strace s9  }
0x27: {  	s1 =	sld [smem:$0x3FAE]  }
0x28: {  	s2 =	sld [smem:$0x3FAF]  }
0x29: {  	s4 =	sld [smem:$0x3FB1]  }
0x2a: {  	p0 =	seq.s32 s5, $0x0;
	s5 =	sld [smem:$0x3FB2]  }
0x2b: {  	s6 =	sld [smem:$0x3FB3]  }
0x2c: {  	s7 =	sld [smem:$0x3FB4]  }
0x2d: {  	s3 =	simm.s32 $0x108;
	s8 =	sld [smem:$0x3FB5]  }
0x2e: {  	s3 =	simm.s32 @!p0 $0x1082;
	s9 =	sld [smem:$0x3FB6]  }
0x2f: {  	lr =	sadd.s32 s0, s3;
	s0 =	sld [smem:$0x3FAD]  }
0x30: {  	s3 =	sld [smem:$0x3FB0]  }
0x31: {  	[smem:$0x3FB9] =	sst s10  }
0x32: {  	s10 =	sld [smem:$0x3FB7];
	_ =	sdelay $0x3  }
0x33: {  	p0 =	seq.s32 s10, $0x1;
	s10 =	sld [smem:$0x3FB9];
	_ =	sdelay $0x3  }
0x34: {  	[smem:$0x3FB9] =	sst s10  }
0x35: {  	s10 =	sld [smem:$0x3FB8];
	_ =	sdelay $0x3  }
0x36: {  	p1 =	seq.s32 s10, $0x1;
	s10 =	sld [smem:$0x3FB9];
	_ =	sdelay $0x3  }
0x37: {  	[smem:$0x3FB9] =	sst s10  }
0x38: {  	s10 =	sld [smem:$0x3FBA]  }
0x39: {  	_ = 	snop;
	(pc) =	sbr.ind lr, $3  }
0x3a: {  	_ = 	snop  }
0x3b: {  	_ = 	snop  }
0x3c: {  	p2 =	seq.s32 s10, $0x1;
	s10 =	sld [smem:$0x3FB9]  }
0x3d: {  	_ =	shalt  }
0x3e: {  	_ =	shalt  }
0x3f: {  	_ =	shalt  }
0x40: {  	_ =	shalt  }
0x41: {  	_ =	shalt  }
0x42: {  	_ =	shalt  }
0x43: {  	_ =	shalt  }
0x44: {  	_ =	shalt  }
0x45: {  	_ =	shalt  }
0x46: {  	_ =	shalt  }
0x47: {  	_ =	shalt  }
0x48: {  	_ =	shalt  }
0x49: {  	_ =	shalt  }
0x4a: {  	_ =	shalt  }
0x4b: {  	_ =	shalt  }
0x4c: {  	_ =	shalt  }
0x4d: {  	_ =	shalt  }
0x4e: {  	_ =	shalt  }
0x4f: {  	_ =	shalt  }
0x50: {  	_ =	shalt  }
0x51: {  	_ =	shalt  }
0x52: {  	_ =	shalt  }
0x53: {  	_ =	shalt  }
0x54: {  	_ =	shalt  }
0x55: {  	_ =	shalt  }
0x56: {  	_ =	shalt  }
0x57: {  	_ =	shalt  }
0x58: {  	_ =	shalt  }
0x59: {  	_ =	shalt  }
0x5a: {  	_ =	shalt  }
0x5b: {  	_ =	shalt  }
0x5c: {  	_ =	shalt  }
0x5d: {  	_ =	shalt  }
0x5e: {  	_ =	shalt  }
0x5f: {  	_ =	shalt  }
0x60: {  	_ =	shalt  }
0x61: {  	_ =	shalt  }
0x62: {  	_ =	shalt  }
0x63: {  	_ =	shalt  }
0x64: {  	_ =	shalt  }
0x65: {  	_ =	shalt  }
0x66: {  	_ =	shalt  }
0x67: {  	_ =	shalt  }
0x68: {  	_ =	shalt  }
0x69: {  	_ =	shalt  }
0x6a: {  	_ =	shalt  }
0x6b: {  	_ =	shalt  }
0x6c: {  	_ =	shalt  }
0x6d: {  	_ =	shalt  }
0x6e: {  	_ =	shalt  }
0x6f: {  	_ =	shalt  }
0x70: {  	_ =	shalt  }
0x71: {  	_ =	shalt  }
0x72: {  	_ =	shalt  }
0x73: {  	_ =	shalt  }
0x74: {  	_ =	shalt  }
0x75: {  	_ =	shalt  }
0x76: {  	_ =	shalt  }
0x77: {  	_ =	shalt  }
0x78: {  	_ =	shalt  }
0x79: {  	_ =	shalt  }
0x7a: {  	_ =	shalt  }
0x7b: {  	_ =	shalt  }
0x7c: {  	_ =	shalt  }
0x7d: {  	_ =	shalt  }
0x7e: {  	_ =	shalt  }
0x7f: {  	_ =	shalt  }
0x80: {  	_ =	shalt  }
0x81: {  	_ =	shalt  }
0x82: {  	_ =	shalt  }
0x83: {  	_ =	shalt  }
0x84: {  	_ =	shalt  }
0x85: {  	_ =	shalt  }
0x86: {  	_ =	shalt  }
0x87: {  	_ =	shalt  }
.Lfunc_end0:
.L_simem_size_0:
called_computation.1_lowered:
.L_overlay_start_0:
0x88: {  	s2 =	sld [smem:$0x3FD9]  }
0x89: {  	s3 =	sld [smem:$0x3FFE];
	_ =	sdelay $0x1  }
0x8a: {  	s1 =	srdreg.scid  }
0x8b: {  	s0 =	sand.u32 $0x1, s1  }
0x8c: {  	s17 =	sshll.u32 s0, $0xA;
	s2 =	sadd.s32 s3, s2  }
0x8d: {  	s2 =	sadd.s32 s2, s17  }
0x8e: {  	[smem:$0x3FC5] =	sst s2  }
0x8f: {  	_ = 	snop  }
0x90: {  	(tm) =	ssettm $0x1  }
0x91: {  	s18 =	sld [smem:$0x3FFB];
	_ =	sdelay $0x3  }
0x92: {  	_ =	strace s18  }
0x93: {  	s2 =	sld [smem:$0x3FFC];
	_ =	sdelay $0x3  }
0x94: {  	_ =	strace s2  }
0x95: {  	s2 =	sld [smem:$0x3FFD];
	_ =	sdelay $0x3  }
0x96: {  	_ =	strace s2  }
0x97: {  	_ =	strace $0x8FFFFFFF  }
0x98: {  	s19 =	sld [smem:$0x3FDB];
	_ =	sdelay $0x1  }
0x99: {  	s20 =	simm.s32 $_scs_section_size  }
0x9a: {  	s4 =	simm.s32 $_size__tile_overlayer_lowered;
	s5 =	simm.s32 $_tile_overlayer_lowered  }
0x9b: {  	s6 =	simm.s32 $0x1BFF;
	s21 =	sshll.u32 s5, $0x1;
	s3 =	sadd.s32 s20, s19  }
0x9c: {  	s22 =	simm.s32 $0x0;
	s4 =	sshll.u32 s4, $0x1;
	s5 =	sadd.s32 s21, s3  }
0x9d: {  	[timem:s22], [sflag:s6] =	dma.local [hbm:s5], s4  }
0x9e: {  	_ =	swait.ge [sflag:s6], s4  }
0x9f: {  	s4 =	ssub.s32 $0x0, s4;
	[sflag:s6] =	ssyncset.done $0x0  }
0xa0: {  	[sflag:s6] =	ssyncadd.s32 s4;
	_ =	sdelay $0x1  }
0xa1: {  	s23 =	simm.s32 $0x1B8B  }
0xa2: {  	_ =	swait.ge [sflag:s23], $0x1  }
0xa3: {  	[sflag:s23] =	ssyncset.done $0x0  }
0xa4: {  	[sflag:s23] =	ssyncadd.s32 $0xFFFFFFFF  }
0xa5: {  	s4 =	sld [smem:$0x0]  }
0xa6: {  	s5 =	sand.u32 $0xFFFFFFFE, s1  }
0xa7: {  	p0 =	sne.s32 s1, s5  }
0xa8: {  	s5 =	sshll.u32 @p0 s5, $0xE  }
0xa9: {  	s5 =	sadd.s32 @p0 $0x11B8D, s5;
	s6 =	sshll.u32 @p0 s4, $0x11  }
0xaa: {  	s5 =	sor.u32 @p0 s6, s5  }
0xab: {  	[sflag:s5] =	ssyncadd.remote.s32 @p0 $0x1;
	_ =	sdelay $0x1  }
0xac: {  	s5 =	simm.s32 @p0 $0x1B8D  }
0xad: {  	_ =	swait.eq @p0 [sflag:s5], $0x1  }
0xae: {  	[sflag:s5] =	ssyncadd.s32 @p0 $0xFFFFFFFF  }
0xaf: {  	s6 =	sshll.u32 @!p0 s1, $0xE  }
0xb0: {  	s6 =	sor.u32 @!p0 $0x4000, s6;
	s5 =	simm.s32 @!p0 $0x1B8D  }
0xb1: {  	s4 =	sshll.u32 @!p0 s4, $0x11;
	s6 =	sadd.s32 @!p0 $0x11B8D, s6;
	_ =	swait.eq @!p0 [sflag:s5], $0x1  }
0xb2: {  	s4 =	sor.u32 @!p0 s4, s6;
	[sflag:s5] =	ssyncadd.s32 @!p0 $0xFFFFFFFF  }
0xb3: {  	s25 =	simm.s32 $0x1B8E;
	s24 =	sld [smem:$0x3FFE];
	[sflag:s4] =	ssyncadd.remote.s32 @!p0 $0x1  }
0xb4: {  	s26 =	simm.s32 $execute0_lowered;
	[smem:$0x3FD2] =	sst s25  }
0xb5: {  	s5 =	sshll.u32 s26, $0x1;
	_ =	strace $0x80000049;
	[dreg:$0x1] =	wrdreg $0xFFFFFFFF  }
0xb6: {  	s28 =	simm.s32 $_size_execute0_lowered;
	s3 =	sadd.s32 s3, s5;
	[dreg:$0x0] =	wrdreg $0x0  }
0xb7: {  	s5 =	sshll.u32 s28, $0x1;
	[dreg:$0x2] =	wrdreg s3  }
0xb8: {  	[dreg:$0x3] =	wrdreg s5  }
0xb9: {  	[dreg:$0x4] =	wrdreg $0xC0  }
0xba: {  	_ =	task [dreg:s22], $0x5FFFF  }
0xbb: {  	[dreg:$0x1] =	wrdreg $0xFFFFFFFF  }
0xbc: {  	[dreg:$0x0] =	wrdreg $0x60  }
0xbd: {  	[dreg:$0x2] =	wrdreg s24  }
0xbe: {  	[dreg:$0x3] =	wrdreg $0x9  }
0xbf: {  	_ =	task.clear_ibuf [dreg:s22], $0x4FFFF;
	_ =	strace $0x90000049  }
0xc0: {  	s29 =	simm.s32 $0x9;
	_ =	strace $0x8000004B  }
0xc1: {  	_ =	swait.ge [sflag:s29], $0x1  }
0xc2: {  	[sflag:s29] =	ssyncadd.s32 $0xFFFFFFFF  }
0xc3: {  	_ =	strace $0x9000004B  }
0xc4: {  	_ =	sfence  }
0xc5: {  	s30 =	sld [smem:$0x0];
	_ =	sdelay $0x2  }
0xc6: {  	s31 =	sshll.u32 s1, $0xD;
	s1 =	sshrl.u32 s1, $0x2  }
0xc7: {  	s4 =	sand.u32 $0x4000, s31;
	s1 =	sadd.s32 s1, s30  }
0xc8: {  	s0 =	sor.u32 s4, s0;
	s1 =	sshll.u32 s1, $0x11  }
0xc9: {  	s0 =	sor.u32 s1, s0  }
0xca: {  	s0 =	sadd.s32 $0x8F2B, s0  }
0xcb: {  	[sflag:s0] =	ssyncadd.remote.s32 $0x1  }
0xcc: {  	_ =	sfence.sel $0xFFFF  }
0xcd: {  	[dreg:$0x0] =	wrdreg $0xFFFFFFFF;
	(pc) =	sbr.abs _section_cstart, $3  }
0xce: {  	[dreg:$0x1] =	wrdreg $0xFFFFFFFF  }
0xcf: {  	_ =	task.clear_ibuf [dreg:s22], $0x2FFFF;
	_ =	strace $0x9FFFFFFF  }
0xd0: {  	(tm) =	ssettm $0x7FFFFFFF  }
0xd1: {  	_ =	shalt  }
tec
execute0_lowered:
.L_overlay_start_1:
0x0: {  	(tag) =	ssettag $0x1  }
0x1: {  	s0 =	srdreg.scid  }
0x2: {  	s2 =	stileid.u32;
	s1 =	rddreg [dreg:$0x0];
	s8 =	simm.s32 $0x2  }
0x3: {  	s10 =	simm.s32 $0x80;
	s21 =	simm.s32 $0xF00;
	s22 =	simm.s32 $0x1540  }
0x4: {  	s23 =	simm.s32 $0xF80;
	s24 =	simm.s32 $0x15C0;
	s25 =	simm.s32 $0x1000  }
0x5: {  	s26 =	simm.s32 $0x1640;
	s28 =	simm.s32 $0x1080;
	s29 =	simm.s32 $0x16C0  }
0x6: {  	s30 =	simm.s32 $0x1100;
	s31 =	simm.s32 $0x1740;
	s9 =	simm.s32 $0x1200  }
0x7: {  	s11 =	simm.s32 $0x1840;
	s12 =	simm.s32 $0x40;
	s13 =	simm.s32 $0x1280  }
0x8: {  	s14 =	simm.s32 $0x18C0;
	s15 =	simm.s32 $0x1;
	s16 =	simm.s32 $0x1900  }
0x9: {  	s0 =	sand.u32 $0x1, s0;
	s3 =	sshll.u32 s2, $0x1;
	s2 =	simm.s32 $0x0  }
0xa: {  	s17 =	simm.s32 $0x0;
	s4 =	sor.u32 s0, s3;
	[smem:$0x7FF] =	sst s2  }
0xb: {  	s3 =	sadd.s32 $0x745800, s1;
	s0 =	ssub.s32 $0x2, s0;
	s5 =	smul.u32 $0xC8, s4  }
0xc: {  	_ =	strace $0x8000004A;
	s4 =	sshll.u32 s4, $0x1;
	s6 =	sshrl.u32 s0, $0x1  }
0xd: {  	s0 =	ssub.s32 s0, s6;
	s5 =	sadd.s32 s5, s1;
	s1 =	sadd.s32 s4, s1  }
0xe: {  	s7 =	smax.u32 s0, $0x1;
	s4 =	sadd.s32 $0x764200, s5;
	s5 =	sadd.s32 $0x765C00, s5  }
0xf: {  	s0 =	simm.s32 $0x17C0;
	s6 =	sadd.s32 $0x767600, s1;
	s1 =	simm.s32 $0x1180  }
.LBB2_1:
0x10: {  	[tilespmem:s2], [sflag:$0x2] =	stream.linear.gather [hbm4b:s4+s2], $0x640, $0x38;
	[tilespmem:$0x1910] =	vst v63  }
0x11: {  	_ =	swait.ge [sflag:s8], $0x640  }
0x12: {  	[sflag:s8] =	ssyncset.done $0x0  }
0x13: {  	s18 =	simm.s32 $0x640;
	[sflag:s8] =	ssyncadd.s32 $0xFFFFF9C0  }
0x14: {  	[tilespmem:s18], [sflag:$0x2] =	stream.linear.gather [hbm4b:s5+s2], $0x640, $0x38;
	[tilespmem:$0x1910] =	vst v63  }
0x15: {  	_ =	swait.ge [sflag:s8], $0x640  }
0x16: {  	[sflag:s8] =	ssyncset.done $0x0  }
0x17: {  	s18 =	simm.s32 $0x0;
	[sflag:s8] =	ssyncadd.s32 $0xFFFFF9C0  }
0x18: {  	v0 =	vld [tilespmem:s18+$0x0]  }
0x19: {  	s19 =	simm.s32 $0x40;
	v1 =	vld [tilespmem:s18+$0x640]  }
.LBB2_2:
0x1a: {  	_ = 	snop  }
0x1b: {  	p0 =	sne.s32 s19, $0x18C0  }
.Ltmp0:
0x1c: {  	_ = 	snop;
	(pc) =	sbr.rel @p0 .LBB2_2-.Ltmp0, $4  }
0x1d: {  	v2 =	vmul.u32 $0x3E8, v0  }
0x1e: {  	s20 =	sshra.s32 s19, $0x2  }
0x1f: {  	v0 =	vld [tilespmem:s20+$0x0];
	v2 =	vadd.s32 v1, v2  }
0x20: {  	s19 =	sadd.s32 $0x40, s19;
	v1 =	vld [tilespmem:s20+$0x640];
	[tilespmem:s18+$0xC80] =	vst v2;
	s18 =	smov.u32 s20  }
0x21: {  	_ =	sdelay $0x2  }
0x22: {  	v0 =	vmul.u32 $0x3E8, v0;
	_ =	sdelay $0x1  }
0x23: {  	v0 =	vadd.s32 v1, v0  }
0x24: {  	s20 =	simm.s32 $0xC80;
	s19 =	simm.s32 $0x12C0;
	[tilespmem:s18+$0xC80] =	vst v0  }
0x25: {  	[tilespmem:s19], [sflag:$0x1] =	stream.indirect.gather [hbm4b:s3+s10], $0x1, s20, s10, $0xb8;
	[tilespmem:$0x1910] =	vst v63  }
0x26: {  	s19 =	simm.s32 $0xD00;
	s20 =	simm.s32 $0x1340  }
0x27: {  	[tilespmem:s20], [sflag:$0x1] =	stream.indirect.gather [hbm4b:s3+s10], $0x1, s19, s10, $0xb8;
	[tilespmem:$0x1910] =	vst v63  }
0x28: {  	s19 =	simm.s32 $0xD80;
	s20 =	simm.s32 $0x13C0  }
0x29: {  	[tilespmem:s20], [sflag:$0x1] =	stream.indirect.gather [hbm4b:s3+s10], $0x1, s19, s10, $0xb8;
	[tilespmem:$0x1910] =	vst v63  }
0x2a: {  	s19 =	simm.s32 $0xE00;
	s20 =	simm.s32 $0x1440  }
0x2b: {  	[tilespmem:s20], [sflag:$0x1] =	stream.indirect.gather [hbm4b:s3+s10], $0x1, s19, s10, $0xb8;
	[tilespmem:$0x1910] =	vst v63  }
0x2c: {  	s19 =	simm.s32 $0xE80;
	s20 =	simm.s32 $0x14C0  }
0x2d: {  	[tilespmem:s20], [sflag:$0x1] =	stream.indirect.gather [hbm4b:s3+s10], $0x1, s19, s10, $0xb8;
	[tilespmem:$0x1910] =	vst v63  }
0x2e: {  	_ = 	snop  }
0x2f: {  	[tilespmem:s22], [sflag:$0x1] =	stream.indirect.gather [hbm4b:s3+s10], $0x1, s21, s10, $0xb8;
	[tilespmem:$0x1910] =	vst v63  }
0x30: {  	_ = 	snop  }
0x31: {  	[tilespmem:s24], [sflag:$0x1] =	stream.indirect.gather [hbm4b:s3+s10], $0x1, s23, s10, $0xb8;
	[tilespmem:$0x1910] =	vst v63  }
0x32: {  	_ = 	snop  }
0x33: {  	[tilespmem:s26], [sflag:$0x1] =	stream.indirect.gather [hbm4b:s3+s10], $0x1, s25, s10, $0xb8;
	[tilespmem:$0x1910] =	vst v63  }
0x34: {  	_ = 	snop  }
0x35: {  	[tilespmem:s29], [sflag:$0x1] =	stream.indirect.gather [hbm4b:s3+s10], $0x1, s28, s10, $0xb8;
	[tilespmem:$0x1910] =	vst v63  }
0x36: {  	_ = 	snop  }
0x37: {  	[tilespmem:s31], [sflag:$0x1] =	stream.indirect.gather [hbm4b:s3+s10], $0x1, s30, s10, $0xb8;
	[tilespmem:$0x1910] =	vst v63  }
0x38: {  	_ = 	snop  }
0x39: {  	[tilespmem:s0], [sflag:$0x1] =	stream.indirect.gather [hbm4b:s3+s10], $0x1, s1, s10, $0xb8;
	[tilespmem:$0x1910] =	vst v63  }
0x3a: {  	_ = 	snop  }
0x3b: {  	[tilespmem:s11], [sflag:$0x1] =	stream.indirect.gather [hbm4b:s3+s10], $0x1, s9, s10, $0xb8;
	[tilespmem:$0x1910] =	vst v63  }
0x3c: {  	_ = 	snop  }
0x3d: {  	[tilespmem:s14], [sflag:$0x1] =	stream.indirect.gather [hbm4b:s3+s12], $0x1, s13, s12, $0xb8;
	[tilespmem:$0x1910] =	vst v63  }
0x3e: {  	_ =	swait.ge [sflag:s15], $0x80  }
0x3f: {  	[sflag:s15] =	ssyncset.done $0x0  }
0x40: {  	[sflag:s15] =	ssyncadd.s32 $0xFFFFFF80  }
0x41: {  	_ =	swait.ge [sflag:s15], $0x80  }
0x42: {  	[sflag:s15] =	ssyncset.done $0x0  }
0x43: {  	[sflag:s15] =	ssyncadd.s32 $0xFFFFFF80  }
0x44: {  	_ =	swait.ge [sflag:s15], $0x80  }
0x45: {  	[sflag:s15] =	ssyncset.done $0x0  }
0x46: {  	[sflag:s15] =	ssyncadd.s32 $0xFFFFFF80  }
0x47: {  	_ =	swait.ge [sflag:s15], $0x80  }
0x48: {  	[sflag:s15] =	ssyncset.done $0x0  }
0x49: {  	[sflag:s15] =	ssyncadd.s32 $0xFFFFFF80  }
0x4a: {  	_ =	swait.ge [sflag:s15], $0x80  }
0x4b: {  	[sflag:s15] =	ssyncset.done $0x0  }
0x4c: {  	[sflag:s15] =	ssyncadd.s32 $0xFFFFFF80  }
0x4d: {  	_ =	swait.ge [sflag:s15], $0x80  }
0x4e: {  	[sflag:s15] =	ssyncset.done $0x0  }
0x4f: {  	[sflag:s15] =	ssyncadd.s32 $0xFFFFFF80  }
0x50: {  	_ =	swait.ge [sflag:s15], $0x80  }
0x51: {  	[sflag:s15] =	ssyncset.done $0x0  }
0x52: {  	[sflag:s15] =	ssyncadd.s32 $0xFFFFFF80  }
0x53: {  	_ =	swait.ge [sflag:s15], $0x80  }
0x54: {  	[sflag:s15] =	ssyncset.done $0x0  }
0x55: {  	[sflag:s15] =	ssyncadd.s32 $0xFFFFFF80  }
0x56: {  	_ =	swait.ge [sflag:s15], $0x80  }
0x57: {  	[sflag:s15] =	ssyncset.done $0x0  }
0x58: {  	[sflag:s15] =	ssyncadd.s32 $0xFFFFFF80  }
0x59: {  	_ =	swait.ge [sflag:s15], $0x80  }
0x5a: {  	[sflag:s15] =	ssyncset.done $0x0  }
0x5b: {  	[sflag:s15] =	ssyncadd.s32 $0xFFFFFF80  }
0x5c: {  	_ =	swait.ge [sflag:s15], $0x80  }
0x5d: {  	[sflag:s15] =	ssyncset.done $0x0  }
0x5e: {  	[sflag:s15] =	ssyncadd.s32 $0xFFFFFF80  }
0x5f: {  	_ =	swait.ge [sflag:s15], $0x80  }
0x60: {  	[sflag:s15] =	ssyncset.done $0x0  }
0x61: {  	[sflag:s15] =	ssyncadd.s32 $0xFFFFFF80  }
0x62: {  	_ =	swait.ge [sflag:s15], $0x40  }
0x63: {  	[sflag:s15] =	ssyncset.done $0x0  }
0x64: {  	s20 =	simm.s32 $0x0;
	[sflag:s15] =	ssyncadd.s32 $0xFFFFFFC0  }
0x65: {  	v0 =	vimm.f32 $0.0e+00;
	s18 =	simm.s32 $0x40;
	v1 =	vld [tilespmem:s20+$0x12C0]  }
.LBB2_4:
0x66: {  	p0 =	sne.s32 s18, $0x18C0  }
.Ltmp1:
0x67: {  	_ = 	snop;
	(pc) =	sbr.rel @p0 .LBB2_4-.Ltmp1, $3  }
0x68: {  	_ =	sdelay $0x1  }
0x69: {  	s19 =	sshra.s32 s18, $0x2;
	s18 =	sadd.s32 $0x40, s18;
	v0 =	vadd.f32 v1, v0  }
0x6a: {  	v1 =	vld [tilespmem:s19+$0x12C0]  }
0x6b: {  	_ =	sdelay $0x3  }
0x6c: {  	s17 =	sadd.s32 $0x1, s17;
	v0 =	vadd.f32 v1, v0  }
0x6d: {  	p0 =	sne.s32 s17, s7  }
.Ltmp2:
0x6e: {  	[tilespmem:$0x1900] =	vst v0;
	(pc) =	sbr.rel @p0 .LBB2_1-.Ltmp2, $4  }
0x6f: {  	[hbm4b:s6+s2] =	stream.linear.scatter [tilespmem:s16], [sflag:$0x2], $0x10, $0x38;
	[tilespmem:$0x1910] =	vst v63  }
0x70: {  	_ =	swait.ge [sflag:s8], $0x10  }
0x71: {  	[sflag:s8] =	ssyncset.done $0x0  }
0x72: {  	[sflag:s8] =	ssyncadd.s32 $0xFFFFFFF0  }
0x73: {  	_ =	sfence.sel $0x180000  }
0x74: {  	[bflag:$0x0] =	sbarrier.arrive $0xFFFF  }
0x75: {  	_ =	strace $0x9000004A  }
0x76: {  	s0 =	stileid.u32;
	[bflag:$0x2] =	sbarrier.arrive $0xFFFF  }
0x77: {  	p0 =	sne.s32 s0, $0x0;
	s0 =	rddreg [dreg:$0x1]  }
0x78: {  	s0 =	sadd.s32 @!p0 $0x100000, s0  }
0x79: {  	[sflag:s0] =	ssyncadd.tile.s32 @!p0 $0x1;
	_ =	shalt  }
.Lfunc_end2:
_tile_overlayer_lowered:
.L_overlay_start_2:
0x7a: {  	(tag) =	ssettag $0x2  }
0x7b: {  	s0 =	rddreg [dreg:$0x0];
	s2 =	stileid.u32  }
0x7c: {  	s1 =	rddreg [dreg:$0x1];
	p0 =	sne.s32 s2, $0x0  }
0x7d: {  	s3 =	rddreg [dreg:$0x2];
	[bflag:$0x3] =	sbarrier.arrive $0xFFFF;
	s2 =	simm.s32 @!p0 $0x1C02  }
0x7e: {  	[timem:s3], [sflag:s2] =	dma.local @!p0 [hbm:s0], s1  }
0x7f: {  	s0 =	simm.s32 @!p0 $0x2  }
0x80: {  	_ =	swait.ge @!p0 [sflag:s0], s1  }
0x81: {  	s1 =	ssub.s32 @!p0 $0x0, s1;
	[sflag:s0] =	ssyncset.done @!p0 $0x0  }
0x82: {  	[sflag:s0] =	ssyncadd.s32 @!p0 s1  }
0x83: {  	[bflag:$0x3] =	sbarrier.arrive $0xFFFF  }
0x84: {  	_ =	shalt  }

// kernel: sparse-core-data-format-call.cloned.1.call-start
scs
called_computation_lowered:
.L_overlay_start_0:
0x0: {  	s2 =	sld [smem:$0x3FD9]  }
0x1: {  	s3 =	sld [smem:$0x3FFE];
	_ =	sdelay $0x1  }
0x2: {  	s1 =	srdreg.scid  }
0x3: {  	s0 =	sand.u32 $0x1, s1  }
0x4: {  	s16 =	sshll.u32 s0, $0xA;
	s2 =	sadd.s32 s3, s2  }
0x5: {  	s2 =	sadd.s32 s2, s16  }
0x6: {  	[smem:$0x3FC5] =	sst s2  }
0x7: {  	_ = 	snop  }
0x8: {  	s2 =	sld [smem:$0x3FD0];
	_ =	sdelay $0x2  }
0x9: {  	s17 =	simm.s32 $0xB;
	s4 =	simm.s32 $0x10  }
0xa: {  	[smem:s4], [sflag:s17] =	dma.local [hbm:s2], $0x1  }
0xb: {  	_ =	swait.eq [sflag:s17], $0x1  }
0xc: {  	[sflag:s17] =	ssyncset.done $0x0  }
0xd: {  	[sflag:s17] =	ssyncadd.s32 $0xFFFFFFFF  }
0xe: {  	s18 =	sld [smem:$0x10];
	(tm) =	ssettm $0x1  }
0xf: {  	s19 =	sld [smem:$0x3FFB];
	_ =	sdelay $0x3  }
0x10: {  	_ =	strace s19  }
0x11: {  	s2 =	sld [smem:$0x3FFC];
	_ =	sdelay $0x3  }
0x12: {  	_ =	strace s2  }
0x13: {  	s2 =	sld [smem:$0x3FFD];
	_ =	sdelay $0x3  }
0x14: {  	_ =	strace s2  }
0x15: {  	_ =	strace $0x8FFFFFFF  }
0x16: {  	s20 =	sld [smem:$0x3FDB];
	_ =	sdelay $0x1  }
0x17: {  	s21 =	simm.s32 $_scs_section_size  }
0x18: {  	s5 =	simm.s32 $_size__tile_overlayer_lowered;
	s6 =	simm.s32 $_tile_overlayer_lowered  }
0x19: {  	s7 =	simm.s32 $0x1BFF;
	s22 =	sshll.u32 s6, $0x1;
	s4 =	sadd.s32 s21, s20  }
0x1a: {  	s23 =	simm.s32 $0x0;
	s5 =	sshll.u32 s5, $0x1;
	s6 =	sadd.s32 s22, s4  }
0x1b: {  	[timem:s23], [sflag:s7] =	dma.local [hbm:s6], s5  }
0x1c: {  	_ =	swait.ge [sflag:s7], s5  }
0x1d: {  	s5 =	ssub.s32 $0x0, s5;
	[sflag:s7] =	ssyncset.done $0x0  }
0x1e: {  	[sflag:s7] =	ssyncadd.s32 s5;
	_ =	sdelay $0x1  }
0x1f: {  	s24 =	simm.s32 $0x1B8B  }
0x20: {  	_ =	swait.ge [sflag:s24], $0x1  }
0x21: {  	[sflag:s24] =	ssyncset.done $0x0  }
0x22: {  	[sflag:s24] =	ssyncadd.s32 $0xFFFFFFFF  }
0x23: {  	s5 =	sld [smem:$0x0]  }
0x24: {  	s6 =	sand.u32 $0xFFFFFFFE, s1  }
0x25: {  	p0 =	sne.s32 s1, s6  }
0x26: {  	s6 =	sshll.u32 @p0 s6, $0xE  }
0x27: {  	s6 =	sadd.s32 @p0 $0x11B8D, s6;
	s7 =	sshll.u32 @p0 s5, $0x11  }
0x28: {  	s6 =	sor.u32 @p0 s7, s6  }
0x29: {  	[sflag:s6] =	ssyncadd.remote.s32 @p0 $0x1;
	_ =	sdelay $0x1  }
0x2a: {  	s6 =	simm.s32 @p0 $0x1B8D  }
0x2b: {  	_ =	swait.eq @p0 [sflag:s6], $0x1  }
0x2c: {  	[sflag:s6] =	ssyncadd.s32 @p0 $0xFFFFFFFF  }
0x2d: {  	s7 =	sshll.u32 @!p0 s1, $0xE  }
0x2e: {  	s7 =	sor.u32 @!p0 $0x4000, s7;
	s6 =	simm.s32 @!p0 $0x1B8D  }
0x2f: {  	s5 =	sshll.u32 @!p0 s5, $0x11;
	s7 =	sadd.s32 @!p0 $0x11B8D, s7;
	_ =	swait.eq @!p0 [sflag:s6], $0x1  }
0x30: {  	s5 =	sor.u32 @!p0 s5, s7;
	[sflag:s6] =	ssyncadd.s32 @!p0 $0xFFFFFFFF  }
0x31: {  	s26 =	simm.s32 $0x1B8E;
	s25 =	sld [smem:$0x3FFE];
	[sflag:s5] =	ssyncadd.remote.s32 @!p0 $0x1  }
0x32: {  	s27 =	simm.s32 $execute0_lowered;
	[smem:$0x3FD2] =	sst s26  }
0x33: {  	s6 =	sshll.u32 s27, $0x1;
	_ =	strace $0x8000004C;
	[dreg:$0x1] =	wrdreg $0xFFFFFFFF  }
0x34: {  	s28 =	simm.s32 $_size_execute0_lowered;
	s4 =	sadd.s32 s4, s6;
	[dreg:$0x0] =	wrdreg $0x0  }
0x35: {  	s6 =	sshll.u32 s28, $0x1;
	[dreg:$0x2] =	wrdreg s4  }
0x36: {  	[dreg:$0x3] =	wrdreg s6  }
0x37: {  	[dreg:$0x4] =	wrdreg $0xC0  }
0x38: {  	_ =	task [dreg:s23], $0x5FFFF  }
0x39: {  	[dreg:$0x1] =	wrdreg $0xFFFFFFFF  }
0x3a: {  	[dreg:$0x0] =	wrdreg $0x60  }
0x3b: {  	[dreg:$0x2] =	wrdreg s25  }
0x3c: {  	[dreg:$0x3] =	wrdreg s18  }
0x3d: {  	[dreg:$0x4] =	wrdreg $0xA  }
0x3e: {  	_ =	task.clear_ibuf [dreg:s23], $0x5FFFF;
	_ =	strace $0x9000004C  }
0x3f: {  	s29 =	simm.s32 $0xA;
	_ =	strace $0x8000004E  }
0x40: {  	_ =	swait.ge [sflag:s29], $0x1  }
0x41: {  	[sflag:s29] =	ssyncadd.s32 $0xFFFFFFFF  }
0x42: {  	_ =	strace $0x9000004E  }
0x43: {  	_ =	sfence  }
0x44: {  	s30 =	sld [smem:$0x0];
	_ =	sdelay $0x2  }
0x45: {  	s31 =	sshll.u32 s1, $0xD;
	s1 =	sshrl.u32 s1, $0x2  }
0x46: {  	s4 =	sand.u32 $0x4000, s31;
	s1 =	sadd.s32 s1, s30  }
0x47: {  	s0 =	sor.u32 s4, s0;
	s1 =	sshll.u32 s1, $0x11  }
0x48: {  	s0 =	sor.u32 s1, s0  }
0x49: {  	s0 =	sadd.s32 $0x8F2B, s0  }
0x4a: {  	[sflag:s0] =	ssyncadd.remote.s32 $0x1  }
0x4b: {  	_ =	sfence.sel $0xFFFF  }
0x4c: {  	[dreg:$0x0] =	wrdreg $0xFFFFFFFF;
	(pc) =	sbr.abs _section_cstart, $3  }
0x4d: {  	[dreg:$0x1] =	wrdreg $0xFFFFFFFF  }
0x4e: {  	_ =	task.clear_ibuf [dreg:s23], $0x2FFFF;
	_ =	strace $0x9FFFFFFF  }
0x4f: {  	(tm) =	ssettm $0x7FFFFFFF  }
tec
execute0_lowered:
.L_overlay_start_1:
0x0: {  	(tag) =	ssettag $0x1  }
0x1: {  	s4 =	rddreg [dreg:$0x0]  }
0x2: {  	s0 =	stileid.u32;
	s2 =	rddreg [dreg:$0x1]  }
0x3: {  	s7 =	srdreg.scid;
	s31 =	simm.s32 $0x2;
	s17 =	simm.s32 $0x0  }
0x4: {  	s9 =	simm.s32 $0x2000;
	s19 =	simm.s32 $0x0;
	s18 =	simm.s32 $0x0  }
0x5: {  	s10 =	simm.s32 $0x0;
	s11 =	simm.s32 $0x0;
	s1 =	sshll.u32 s0, $0x7  }
0x6: {  	s12 =	simm.s32 $0x0;
	s14 =	simm.s32 $0x0;
	s3 =	sand.u32 $0x380, s1  }
0x7: {  	s16 =	simm.s32 $0x0;
	s4 =	sadd.s32 $0x45800, s4;
	s5 =	ssub.s32 $0x400, s3  }
0x8: {  	s8 =	sshll.u32 s0, $0x4;
	s7 =	sshll.u32 s7, $0x8;
	s6 =	sand.u32 $0x380, s5  }
0x9: {  	s1 =	rddreg [dreg:$0x2];
	p0 =	sne.s32 s6, $0x0;
	s6 =	simm.s32 $0x1  }
.Ltmp0:
0xa: {  	s5 =	sshrl.u32 s5, $0xA;
	s6 =	simm.s32 @!p0 $0x0;
	(pc) =	sbr.rel .LBB1_1-.Ltmp0, $4  }
0xb: {  	_ =	strace $0x8000004D;
	s7 =	sor.u32 s8, s7;
	s6 =	sadd.s32 s6, s5  }
0xc: {  	s7 =	sand.u32 $0x180, s7;
	s5 =	simm.s32 $0x1;
	s6 =	smul.u32 $0x64, s6  }
0xd: {  	s15 =	smov.u32 s3;
	s13 =	smov.u32 s7;
	[sflag:s5] =	ssyncpa.u1 $0x0  }
0xe: {  	p0 =	por $0x0, $0x0;
	[sflag:s31] =	ssyncpa.u1 $0x0;
	s8 =	sor.u32 $0x1, s6  }
.LBB1_4:
0xf: {  	s25 =	sshll.u32 s10, $0xA;
	s24 =	sshra.s32 s24, $0x2;
	s26 =	sshll.u32 s12, $0x3  }
0x10: {  	p1 =	sgt.s32 s11, $0x31;
	s27 =	smov.u32 s11;
	s28 =	sshra.s32 s11, $0x1F  }
0x11: {  	p2 =	sgt.s32 s12, $0x380;
	s31 =	sshra.s32 s12, $0x1F;
	s25 =	sand.u32 $0xFFFFE000, s25  }
0x12: {  	s26 =	sand.u32 $0xFFFFFC00, s26;
	s27 =	simm.s32 @!p1 $0x31;
	s28 =	sand.u32 s28, s11  }
0x13: {  	[tilespmem:s22+$0x2040 ss:$0x81] =	vst.msk $0xffff, v4;
	s23 =	sadd.s32 s24, s23;
	s29 =	sadd.s32 s26, s25;
	s25 =	ssub.s32 s27, s28  }
0x14: {  	[tilespmem:s22+$0x2850 ss:$0x81] =	vst.msk $0xffff, v3;
	s27 =	smov.u32 s12;
	s28 =	smov.u32 s10;
	s26 =	sand.u32 s31, s12  }
0x15: {  	[tilespmem:s22+$0x3060 ss:$0x81] =	vst.msk $0xffff, v2;
	s24 =	sshrl.u32 s29, $0xA;
	s30 =	sadd.s32 $0xFFFFFFCF, s25;
	s27 =	simm.s32 @!p2 $0x380  }
0x16: {  	v5 =	vld [tilespmem:s21+$0xFFFFFFD0];
	[tilespmem:s22+$0x0 ss:$0x81] =	vst.msk $0xffff, v1;
	p2 =	sgt.s32 s10, $0x368;
	s29 =	sshra.s32 s10, $0x1F;
	s22 =	ssub.s32 $0x32, s25  }
0x17: {  	v58 =	vld [tilespmem:s21+$0xFFFFFFE0];
	p1 =	sgt.s32 s30, $0x0;
	s28 =	simm.s32 @!p2 $0x368;
	s29 =	sand.u32 s29, s10  }
0x18: {  	v59 =	vld [tilespmem:s21+$0xFFFFFFF0];
	s26 =	ssub.s32 s27, s26;
	s27 =	smulhi.u32 $0x418938, s24;
	s28 =	ssub.s32 s28, s29  }
0x19: {  	v60 =	vld [tilespmem:s21+$0x0];
	s30 =	sadd.s32 $0xFFFFFC80, s26;
	s25 =	ssub.s32 $0x400, s26;
	s22 =	simm.s32 @p1 $0x0  }
0x1a: {  	v61 =	vld [tilespmem:s21+$0x10];
	[tilespmem:s23+$0x3870 ss:$0x81] =	vst.msk $0xffff, v0;
	s29 =	sand.u32 $0x78, s12;
	p2 =	sgt.s32 s30, $0x7F;
	s31 =	sadd.s32 $0xFFFFFC98, s28  }
0x1b: {  	v62 =	vld [tilespmem:s21+$0x20];
	[tilespmem:s23+$0x810 ss:$0x81] =	vst.msk $0xffff, v5;
	s27 =	smul.u32 $0x3E8, s27;
	s30 =	sshll.u32 s10, $0x7;
	s28 =	ssub.s32 $0x3E8, s28  }
0x1c: {  	v63 =	vld [tilespmem:s21+$0xFFFFFFC0];
	[tilespmem:s23+$0x1020 ss:$0x81] =	vst.msk $0xffff, v58;
	s25 =	simm.s32 @p2 $0x0;
	p1 =	sgt.s32 s31, $0x7F;
	s31 =	smul.u32 $0x1F400, s11  }
0x1d: {  	[tilespmem:s23+$0x1830 ss:$0x81] =	vst.msk $0xffff, v59;
	s21 =	sand.u32 $0x380, s30;
	s22 =	smul.u32 s25, s22;
	s28 =	simm.s32 @p1 $0x0  }
0x1e: {  	[tilespmem:s23+$0x2040 ss:$0x81] =	vst.msk $0xffff, v60;
	s21 =	sor.u32 s29, s21;
	s24 =	ssub.s32 s24, s27;
	s29 =	sand.u32 $0x7, s12  }
0x1f: {  	[tilespmem:s23+$0x2850 ss:$0x81] =	vst.msk $0xffff, v61;
	s21 =	sshrl.u32 s21, $0x3;
	s25 =	sadd.s32 s2, s31;
	s22 =	smul.u32 s28, s22  }
0x20: {  	[tilespmem:s23+$0x3060 ss:$0x81] =	vst.msk $0xffff, v62;
	s24 =	sshll.u32 s24, $0x7;
	s30 =	sshll.u32 s29, $0x12;
	s21 =	sadd.s32 s21, s25  }
0x21: {  	[tilespmem:s23+$0x0 ss:$0x81] =	vst.msk $0xffff, v63;
	s31 =	sor.u32 $0x400, s30;
	s21 =	sadd.s32 s24, s21;
	s22 =	sand.u32 $0x3FFFFFFF, s22  }
0x22: {  	[hbm4b:s21+s31] =	stream.strided.scatter [tilespmem:s20], [sflag:$0x2], s22, s9, s31, $0x20;
	[tilespmem:$0x10100] =	vst v63  }
.LBB1_5:
0x23: {  	p1 =	slt.u32 s16, $0x2  }
0x24: {  	p2 =	sgt.s32 @!p1 s19, $0x31  }
0x25: {  	s20 =	smov.u32 s19;
	s21 =	sshra.s32 @!p1 s19, $0x1F;
	p2 =	por !p2, p1  }
0x26: {  	s19 =	sand.u32 @!p1 s21, s19;
	s20 =	simm.s32 @p2 $0x31  }
0x27: {  	p3 =	sgt.s32 @!p1 s17, $0x368;
	s19 =	ssub.s32 @!p1 s20, s19  }
0x28: {  	p4 =	sgt.s32 @!p1 s18, $0x380;
	s22 =	sshra.s32 @!p1 s18, $0x1F;
	s20 =	sadd.s32 @!p1 $0xFFFFFFCF, s19  }
0x29: {  	s21 =	smov.u32 s17;
	p2 =	sgt.s32 @!p1 s20, $0x0;
	s20 =	sshra.s32 @!p1 s17, $0x1F  }
0x2a: {  	p4 =	por !p4, p1;
	s17 =	sand.u32 @!p1 s20, s17;
	s20 =	smov.u32 s18  }
0x2b: {  	p3 =	por !p3, p1;
	s18 =	sand.u32 @!p1 s22, s18;
	s20 =	simm.s32 @p4 $0x380  }
0x2c: {  	s21 =	simm.s32 @p3 $0x368;
	s19 =	ssub.s32 @!p1 $0x32, s19;
	s18 =	ssub.s32 @!p1 s20, s18  }
0x2d: {  	p2 =	por !p2, p1;
	s17 =	ssub.s32 @!p1 s21, s17;
	s21 =	sadd.s32 @!p1 $0xFFFFFC80, s18  }
0x2e: {  	s19 =	simm.s32 @!p2 $0x0;
	p3 =	sgt.s32 @!p1 s21, $0x7F  }
0x2f: {  	s20 =	sadd.s32 @!p1 $0xFFFFFC98, s17;
	s18 =	ssub.s32 @!p1 $0x400, s18;
	p3 =	por !p3, p1  }
0x30: {  	p2 =	sgt.s32 @!p1 s20, $0x7F;
	s20 =	sadd.s32 $0x200, s13;
	s18 =	simm.s32 @!p3 $0x0  }
0x31: {  	p3 =	sgt.s32 s20, $0x3E7;
	s18 =	smul.u32 @!p1 s18, s19;
	s19 =	simm.s32 $0x1  }
0x32: {  	s17 =	ssub.s32 @!p1 $0x3E8, s17;
	p2 =	por !p2, p1;
	s19 =	simm.s32 @!p3 $0x0  }
0x33: {  	s22 =	smov.u32 s15;
	s17 =	simm.s32 @!p2 $0x0;
	s21 =	sadd.s32 s19, s14  }
0x34: {  	s17 =	smul.u32 @!p1 s17, s18;
	s18 =	sadd.s32 $0x400, s15;
	p2 =	sgt.s32 s21, $0x31  }
0x35: {  	p0 =	por !p0, !p0;
	s23 =	simm.s32 @!p1 $0x2;
	s22 =	smov.u32 @p2 s18  }
0x36: {  	s20 =	smov.u32 @p3 s7;
	s21 =	simm.s32 @p2 $0x0;
	p2 =	sgt.s32 s22, $0x3FF  }
0x37: {  	s19 =	smov.u32 s11;
	s22 =	smov.u32 @p2 s3;
	p2 =	sne.s32 s16, s8  }
.Ltmp1:
0x38: {  	s11 =	smov.u32 s14;
	s17 =	sand.u32 @!p1 $0x3FFFFFFF, s17;
	(pc) =	sbr.rel @!p2 .LBB1_6-.Ltmp1, $4  }
0x39: {  	s18 =	smov.u32 s12;
	s12 =	smov.u32 s15;
	_ =	swait.ge @!p1 [sflag:s23], s17  }
0x3a: {  	s24 =	ssub.s32 @!p1 $0x0, s17;
	s17 =	smov.u32 s10;
	s10 =	smov.u32 s13  }
0x3b: {  	s13 =	smov.u32 s20;
	s14 =	smov.u32 s21;
	[sflag:s23] =	ssyncset.done @!p1 $0x0  }
0x3c: {  	s16 =	sadd.s32 $0x1, s16;
	[sflag:s23] =	ssyncadd.s32 @!p1 s24;
	s15 =	smov.u32 s22  }
.LBB1_1:
0x3d: {  	p1 =	sge.u32 s16, s6  }
0x3e: {  	s20 =	sshll.u32 @!p1 s14, $0xA  }
0x3f: {  	s21 =	sshll.u32 @!p1 s13, $0x3;
	s20 =	sand.u32 @!p1 $0xFFFFE000, s20  }
0x40: {  	s20 =	sadd.s32 @!p1 s20, s21  }
0x41: {  	s20 =	sshrl.u32 @!p1 s20, $0xA  }
0x42: {  	s21 =	smulhi.u32 @!p1 $0x4924925, s20  }
0x43: {  	s22 =	sshll.u32 @!p1 s14, $0x7;
	s24 =	smul.u32 @!p1 $0x1C00, s15  }
0x44: {  	s23 =	sand.u32 @!p1 $0x78, s13;
	s22 =	sand.u32 @!p1 $0x380, s22;
	s21 =	smul.u32 @!p1 $0x38, s21  }
0x45: {  	s31 =	sadd.s32 $0xFFFFFFFF, s16;
	s22 =	sor.u32 @!p1 s23, s22;
	s23 =	sadd.s32 @!p1 s4, s24  }
0x46: {  	s22 =	sshrl.u32 @!p1 s22, $0x3;
	s20 =	ssub.s32 @!p1 s20, s21;
	s21 =	sxor.u32 @!p1 $0xFFFFFFFF, s16  }
0x47: {  	s22 =	sadd.s32 @!p1 s22, s23;
	s23 =	sand.u32 @!p1 $0x7, s13;
	s21 =	sshll.u32 @!p1 s21, $0xE  }
0x48: {  	s23 =	sshll.u32 @!p1 s23, $0x12;
	s20 =	sshll.u32 @!p1 s20, $0x7;
	s21 =	sand.u32 @!p1 $0x4000, s21  }
0x49: {  	s20 =	sadd.s32 @!p1 s20, s22;
	s22 =	sor.u32 @!p1 $0x80, s23;
	s23 =	simm.s32 @!p1 $0xE000  }
0x4a: {  	[tilespmem:s21], [sflag:$0x1] =	stream.strided.gather @!p1 [hbm4b:s20+s22], $0x4000, s23, s22, $0x38;
	[tilespmem:$0x10100] =	vst v63  }
0x4b: {  	p1 =	sge.u32 s31, s6  }
.Ltmp2:
0x4c: {  	_ = 	snop;
	(pc) =	sbr.rel @p1 .LBB1_5-.Ltmp2, $1  }
0x4d: {  	_ =	sdelay $0x3  }
0x4e: {  	s20 =	simm.s32 $0x1  }
0x4f: {  	_ =	swait.ge [sflag:s5], $0x4000;
	s20 =	simm.s32 @!p0 $0x0  }
0x50: {  	[sflag:s5] =	ssyncset.done $0x0;
	s21 =	sshll.u32 s20, $0xE  }
0x51: {  	[sflag:s5] =	ssyncadd.s32 $0xFFFFC000;
	s21 =	sor.u32 $0x40, s21  }
0x52: {  	s20 =	smul.u32 $0x10200, s20;
	v0 =	vld [tilespmem:s21+$0x30]  }
0x53: {  	v1 =	vld [tilespmem:s21+$0xFFFFFFD0]  }
0x54: {  	s20 =	sshrl.u32 s20, $0x2;
	v5 =	vld [tilespmem:s21+$0xFFFFFFE0]  }
0x55: {  	v6 =	vld [tilespmem:s21+$0xFFFFFFF0];
	s23 =	sor.u32 $0x8000, s20  }
0x56: {  	s31 =	sand.u32 $0x1, s16;
	v4 =	vld [tilespmem:s21+$0x0];
	s22 =	sadd.s32 $0x0, s23  }
0x57: {  	v3 =	vld [tilespmem:s21+$0x10];
	s20 =	smul.u32 $0x10200, s31;
	[tilespmem:s22+$0x3870 ss:$0x81] =	vst.msk $0xffff, v0  }
0x58: {  	v2 =	vld [tilespmem:s21+$0x20];
	[tilespmem:s22+$0x810 ss:$0x81] =	vst.msk $0xffff, v1  }
0x59: {  	s20 =	sshrl.u32 s20, $0x2;
	v1 =	vld [tilespmem:s21+$0xFFFFFFC0];
	[tilespmem:s22+$0x1020 ss:$0x81] =	vst.msk $0xffff, v5;
	s21 =	sadd.s32 $0x80, s21  }
0x5a: {  	s24 =	simm.s32 $0x4;
	s25 =	simm.s32 $0x8;
	s20 =	sor.u32 $0x8000, s20;
	[tilespmem:s22+$0x1830 ss:$0x81] =	vst.msk $0xffff, v6;
	v0 =	vld [tilespmem:s21+$0x30]  }
.LBB1_3:
0x5b: {  	p1 =	sne.s32 s25, $0x1FC;
	v5 =	vld [tilespmem:s21+$0xFFFFFFD0];
	[tilespmem:s22+$0x2040 ss:$0x81] =	vst.msk $0xffff, v4  }
0x5c: {  	v6 =	vld [tilespmem:s21+$0xFFFFFFE0];
	[tilespmem:s22+$0x2850 ss:$0x81] =	vst.msk $0xffff, v3  }
0x5d: {  	s26 =	sshra.s32 s24, $0x2;
	s24 =	smov.u32 s25;
	v7 =	vld [tilespmem:s21+$0xFFFFFFF0];
	[tilespmem:s22+$0x3060 ss:$0x81] =	vst.msk $0xffff, v2  }
.Ltmp3:
0x5e: {  	v4 =	vld [tilespmem:s21+$0x0];
	[tilespmem:s22+$0x0 ss:$0x81] =	vst.msk $0xffff, v1;
	s22 =	sadd.s32 s26, s23;
	(pc) =	sbr.rel @p1 .LBB1_3-.Ltmp3, $4  }
0x5f: {  	v3 =	vld [tilespmem:s21+$0x10];
	[tilespmem:s22+$0x3870 ss:$0x81] =	vst.msk $0xffff, v0  }
0x60: {  	[tilespmem:s22+$0x810 ss:$0x81] =	vst.msk $0xffff, v5;
	v2 =	vld [tilespmem:s21+$0x20]  }
0x61: {  	v1 =	vld [tilespmem:s21+$0xFFFFFFC0];
	[tilespmem:s22+$0x1020 ss:$0x81] =	vst.msk $0xffff, v6;
	s21 =	sadd.s32 $0x80, s21  }
0x62: {  	s25 =	sadd.s32 $0x4, s25;
	v0 =	vld [tilespmem:s21+$0x30];
	[tilespmem:s22+$0x1830 ss:$0x81] =	vst.msk $0xffff, v7  }
.Ltmp4:
0x63: {  	_ = 	snop;
	(pc) =	sbr.rel .LBB1_4-.Ltmp4, $1  }
0x64: {  	_ =	sdelay $0x3  }
.LBB1_6:
0x65: {  	_ =	sfence.sel $0x180000  }
0x66: {  	s2 =	simm.s32 $0x1;
	[bflag:$0x0] =	sbarrier.arrive $0xFFFF  }
0x67: {  	s31 =	simm.s32 $0x2;
	[sflag:s2] =	ssyncpa.u1 $0x1  }
0x68: {  	[sflag:s31] =	ssyncpa.u1 $0x1  }
0x69: {  	p0 =	sne.s32 s0, $0x0;
	_ =	strace $0x9000004D  }
0x6a: {  	s0 =	sadd.s32 @!p0 $0x100000, s1;
	[bflag:$0x2] =	sbarrier.arrive $0xFFFF  }
0x6b: {  	[sflag:s0] =	ssyncadd.tile.s32 @!p0 $0x1;
	_ =	shalt  }
.Lfunc_end1:
_tile_overlayer_lowered:
.L_overlay_start_2:
0x6c: {  	(tag) =	ssettag $0x2  }
0x6d: {  	s0 =	rddreg [dreg:$0x0];
	s2 =	stileid.u32  }
0x6e: {  	s1 =	rddreg [dreg:$0x1];
	p0 =	sne.s32 s2, $0x0  }
0x6f: {  	s3 =	rddreg [dreg:$0x2];
	[bflag:$0x3] =	sbarrier.arrive $0xFFFF;
	s2 =	simm.s32 @!p0 $0x1C01  }
0x70: {  	[timem:s3], [sflag:s2] =	dma.local @!p0 [hbm:s0], s1  }
0x71: {  	s0 =	simm.s32 @!p0 $0x1  }
0x72: {  	_ =	swait.ge @!p0 [sflag:s0], s1  }
0x73: {  	s1 =	ssub.s32 @!p0 $0x0, s1;
	[sflag:s0] =	ssyncset.done @!p0 $0x0  }
0x74: {  	[sflag:s0] =	ssyncadd.s32 @!p0 s1  }
0x75: {  	[bflag:$0x3] =	sbarrier.arrive $0xFFFF  }
0x76: {  	_ =	shalt  }

</sc_bundles>
